<compile_context>
chip_gen: v7x
topology: tpu7x:2x2x1
jax: 0.10.2.dev20260603
libtpu: 0.0.44.dev20260713+nightly
codegen_flags: <defaults>
</compile_context>

<pallas_src>
import functools

import jax
import jax.numpy as jnp
from jax import lax
from jax.experimental import pallas as pl
from jax.experimental.pallas import tpu as pltpu
from jax.experimental.pallas import tpu_sc as plsc

_NC = 2
_NS = 16
_LN = 128
_CH = 8


def kernel(x, edges, boundary_loop, boundary_vs, n_verts,
           W0s, W0n, b0, W1s, W1n, b1, Wd, bd, Wo, bo):
    f32, i32 = jnp.float32, jnp.int32
    N, C0 = x.shape
    E = edges.shape[0]
    BL = boundary_vs.shape[0]
    C1 = W0s.shape[1]
    C2 = W1s.shape[1]
    FC = Wd.shape[1]
    O3 = Wo.shape[1]
    NV = O3 // 3
    H = C2 // 2

    ER = -(-E // _LN)
    ERP = -(-ER // (32 * _CH)) * (32 * _CH)
    S16 = -(-(N // _NS + 1) // 8) * 8
    NP = _NS * S16
    BS = BL // _NS

    x8 = jnp.concatenate([x, jnp.zeros((N, 8 - C0), f32)], 1)
    pe = ERP * _LN - E
    epad = jnp.concatenate([jnp.zeros((pe, 1), i32), jnp.full((pe, 1), N, i32)], 1)
    ed = jnp.concatenate([edges.astype(i32), epad], 0).T.reshape(2, ERP, _LN)
    src2 = ed[0]
    dst2 = ed[1]
    vs = boundary_vs.astype(i32)
    bl = boundary_loop.astype(i32)
    z4 = jnp.zeros((S16, 8), f32)
    z16 = jnp.zeros((S16, H), f32)
    W0n4 = jnp.zeros((8, C1), f32).at[:C0].set(W0n)

    mesh = plsc.VectorSubcoreMesh(core_axis_name="c", subcore_axis_name="s")
    scp = pltpu.CompilerParams(use_tc_tiling_on_sc=False)

    def _segsum_loop(table, s2_h, d2_h, acc, base, nchunks,
                     sbA, dbA, rowsA, gsemA, ssem):
        def fire_g(sb, rows, sem):
            return [pltpu.async_copy(table.at[sb.at[j]],
                                     rows.at[pl.ds(j * _LN, _LN), :], sem)
                    for j in range(_CH)]

        def scat(db, rows):
            sds = [pltpu.async_copy(rows.at[pl.ds(j * _LN, _LN), :],
                                    acc.at[db.at[j]], ssem, add=True)
                   for j in range(_CH)]
            for d_ in sds:
                d_.wait()

        def stage(r0, sb, db):
            pltpu.sync_copy(s2_h.at[pl.ds(r0, _CH), :], sb)
            pltpu.sync_copy(d2_h.at[pl.ds(r0, _CH), :], db)

        def body(i, carry):
            stage(base + i * _CH, sbA, dbA)
            gds = fire_g(sbA, rowsA, gsemA)
            for d_ in gds:
                d_.wait()
            scat(dbA, rowsA)
            return carry

        lax.fori_loop(0, nchunks, body, 0)

    RWA = ERP // (_NC * _NS)
    NCH_A = RWA // _CH

    @functools.partial(
        pl.kernel,
        out_type=jax.ShapeDtypeStruct((_NC, NP, 8), f32),
        mesh=mesh,
        compiler_params=scp,
        scratch_types=[
            pltpu.VMEM((_CH, _LN), i32), pltpu.VMEM((_CH, _LN), i32),
            pltpu.VMEM((_CH * _LN, 8), f32),
            pltpu.VMEM_SHARED((NP, 8), f32),
            pltpu.SemaphoreType.DMA, pltpu.SemaphoreType.DMA,
        ],
    )
    def seg0(x4_h, s2_h, d2_h, z4_h, aggp_h,
             sbA, dbA, rowsA, acc, gsemA, ssem):
        c = lax.axis_index("c")
        s = lax.axis_index("s")
        w = c * _NS + s
        pltpu.sync_copy(z4_h, acc.at[pl.ds(s * S16, S16), :])
        plsc.subcore_barrier()
        _segsum_loop(x4_h, s2_h, d2_h, acc, w * RWA, NCH_A,
                     sbA, dbA, rowsA, gsemA, ssem)
        plsc.subcore_barrier()
        pltpu.sync_copy(acc.at[pl.ds(s * S16, S16), :],
                        aggp_h.at[c, pl.ds(s * S16, S16), :])

    aggp = seg0(x8, src2, dst2, z4)

    BM = 4000
    GB = N // BM

    def h1_body(x_r, p0_r, p1_r, ws_r, wn_r, b_r, lo_r, hi_r):
        agg = p0_r[0] + p1_r[0]
        h = (jnp.dot(x_r[...], ws_r[...], preferred_element_type=f32)
             + jnp.dot(agg, wn_r[...], preferred_element_type=f32)
             + b_r[...])
        h = jnp.maximum(h, 0.0)
        lo_r[...] = h[:, :H]
        hi_r[...] = h[:, H:]

    h_lo, h_hi = pl.pallas_call(
        h1_body,
        grid=(GB,),
        in_specs=[
            pl.BlockSpec((BM, C0), lambda i: (i, 0)),
            pl.BlockSpec((1, BM, 8), lambda i: (0, i, 0)),
            pl.BlockSpec((1, BM, 8), lambda i: (1, i, 0)),
            pl.BlockSpec((C0, C1), lambda i: (0, 0)),
            pl.BlockSpec((8, C1), lambda i: (0, 0)),
            pl.BlockSpec((1, C1), lambda i: (0, 0)),
        ],
        out_specs=[pl.BlockSpec((BM, H), lambda i: (i, 0)),
                   pl.BlockSpec((BM, H), lambda i: (i, 0))],
        out_shape=[jax.ShapeDtypeStruct((N, H), f32),
                   jax.ShapeDtypeStruct((N, H), f32)],
    )(x, aggp, aggp, W0s, W0n4, b0.reshape(1, C1))

    RWC = ERP // _NS
    NCH_C = RWC // _CH
    SFH = S16 * H // _LN

    @functools.partial(
        pl.kernel,
        out_type=(jax.ShapeDtypeStruct((NP, H), f32),
                  jax.ShapeDtypeStruct((NP, H), f32),
                  jax.ShapeDtypeStruct((BL, H), f32),
                  jax.ShapeDtypeStruct((BL, H), f32),
                  jax.ShapeDtypeStruct((BL, H), f32),
                  jax.ShapeDtypeStruct((BL, H), f32),
                  jax.ShapeDtypeStruct((BL, 8), f32)),
        mesh=mesh,
        compiler_params=scp,
        scratch_types=[
            pltpu.VMEM((_CH, _LN), i32), pltpu.VMEM((_CH, _LN), i32),
            pltpu.VMEM((_CH * _LN, H), f32),
            pltpu.VMEM_SHARED((NP, H), f32),
            pltpu.VMEM((BS,), i32),
            pltpu.VMEM((BS, H), f32), pltpu.VMEM((BS, H), f32),
            pltpu.VMEM((BS, 8), f32),
            pltpu.SemaphoreType.DMA, pltpu.SemaphoreType.DMA,
        ],
    )
    def seg1(hlo_h, hhi_h, x4_h, s2_h, d2_h, vs_h, bl_h, z16_h,
             agglo_h, agghi_h, hblo_h, hbhi_h, ablo_h, abhi_h, xb_h,
             sbA, dbA, rowsA, acc, ib, g1, g2, g3,
             gsemA, ssem):
        c = lax.axis_index("c")
        s = lax.axis_index("s")
        pltpu.sync_copy(z16_h, acc.at[pl.ds(s * S16, S16), :])
        plsc.subcore_barrier()

        @pl.when(c == 0)
        def _():
            _segsum_loop(hlo_h, s2_h, d2_h, acc, s * RWC, NCH_C,
                         sbA, dbA, rowsA, gsemA, ssem)

        @pl.when(c == 1)
        def _():
            _segsum_loop(hhi_h, s2_h, d2_h, acc, s * RWC, NCH_C,
                         sbA, dbA, rowsA, gsemA, ssem)

        plsc.subcore_barrier()

        @pl.when(c == 0)
        def _():
            pltpu.sync_copy(acc.at[pl.ds(s * S16, S16), :],
                            agglo_h.at[pl.ds(s * S16, S16), :])

        @pl.when(c == 1)
        def _():
            pltpu.sync_copy(acc.at[pl.ds(s * S16, S16), :],
                            agghi_h.at[pl.ds(s * S16, S16), :])

        plsc.subcore_barrier()
        bb = s * BS

        @pl.when(c == 0)
        def _():
            pltpu.sync_copy(vs_h.at[pl.ds(bb, BS)], ib)
            pltpu.async_copy(hlo_h.at[ib], g1, gsemA).wait()
            pltpu.sync_copy(g1, hblo_h.at[pl.ds(bb, BS), :])
            pltpu.async_copy(agglo_h.at[ib], g2, gsemA).wait()
            pltpu.sync_copy(g2, ablo_h.at[pl.ds(bb, BS), :])

        @pl.when(c == 1)
        def _():
            pltpu.sync_copy(vs_h.at[pl.ds(bb, BS)], ib)
            pltpu.async_copy(hhi_h.at[ib], g1, gsemA).wait()
            pltpu.sync_copy(g1, hbhi_h.at[pl.ds(bb, BS), :])
            pltpu.async_copy(agghi_h.at[ib], g2, gsemA).wait()
            pltpu.sync_copy(g2, abhi_h.at[pl.ds(bb, BS), :])
            pltpu.sync_copy(bl_h.at[pl.ds(bb, BS)], ib)
            pltpu.async_copy(x4_h.at[ib], g3, gsemA).wait()
            pltpu.sync_copy(g3, xb_h.at[pl.ds(bb, BS), :])

    (_agg_lo, _agg_hi, hb_lo, hb_hi, ab_lo, ab_hi, xb) = seg1(
        h_lo, h_hi, x8, src2, dst2, vs, bl, z16)

    def tail_body(hbl, hbh, abl, abh, xbr, w1s_r, w1n_r, b1_r,
                  wd_r, bd_r, wo_r, bo_r, out_r):
        hb = jnp.concatenate([hbl[...], hbh[...]], axis=1)
        ab = jnp.concatenate([abl[...], abh[...]], axis=1)
        h2 = jnp.maximum(jnp.dot(hb, w1s_r[...], preferred_element_type=f32)
                         + jnp.dot(ab, w1n_r[...], preferred_element_type=f32)
                         + b1_r[...], 0.0)
        pooled = jnp.mean(h2, axis=0, keepdims=True)
        d_ = jnp.maximum(jnp.dot(pooled, wd_r[...], preferred_element_type=f32)
                         + bd_r[...], 0.0)
        o = jnp.dot(d_, wo_r[...], preferred_element_type=f32) + bo_r[...]
        bm = jnp.mean(xbr[...], axis=0, keepdims=True)
        for r in range(NV):
            out_r[pl.ds(r, 1), :] = o[:, 3 * r:3 * r + 3] + bm[:, :3]

    out = pl.pallas_call(
        tail_body,
        out_shape=jax.ShapeDtypeStruct((NV, 3), f32),
    )(hb_lo, hb_hi, ab_lo, ab_hi, xb, W1s, W1n, b1.reshape(1, C2),
      Wd, bd.reshape(1, FC), Wo, bo.reshape(1, O3))
    return out

# --- scband reference (transcript-rebuilt; emitter-appended) ---
"""Pipeline reference for scband-vert-pos-net-58042188038825 (READ-ONLY COPY).

The authoritative reference and input builder live on the scoring server;
editing this copy changes nothing except your own understanding.
"""

import jax, jax.numpy as jnp
import numpy as np

N = 100000
E = 1600000
C0, C1, C2 = 3, 32, 32
FC = 256
NV = 6
BL = 1024


def setup_inputs(seed: int = 0) -> dict:
    key = jax.random.key(seed)
    ks = jax.random.split(key, 16)
    x = jax.random.normal(ks[0], (N, C0), dtype=jnp.float32)
    edges = jax.random.randint(ks[1], (E, 2), 0, N)
    boundary_loop = jax.random.randint(ks[2], (BL,), 0, N)
    boundary_vs = jax.random.randint(ks[3], (BL,), 0, N)
    def lin(k, fi, fo):
        return jax.random.normal(k, (fi, fo), dtype=jnp.float32) * (2.0 / fi) ** 0.5
    W0s = lin(ks[4], C0, C1); W0n = lin(ks[5], C0, C1); b0 = jnp.zeros((C1,), jnp.float32)
    W1s = lin(ks[6], C1, C2); W1n = lin(ks[7], C1, C2); b1 = jnp.zeros((C2,), jnp.float32)
    Wd = lin(ks[8], C2, FC); bd = jnp.zeros((FC,), jnp.float32)
    Wo = lin(ks[9], FC, 3 * NV); bo = jnp.zeros((3 * NV,), jnp.float32)
    return {"x": x, "edges": edges, "boundary_loop": boundary_loop,
            "boundary_vs": boundary_vs, "n_verts": NV,
            "W0s": W0s, "W0n": W0n, "b0": b0,
            "W1s": W1s, "W1n": W1n, "b1": b1,
            "Wd": Wd, "bd": bd, "Wo": Wo, "bo": bo}


def reference(x, edges, boundary_loop, boundary_vs, n_verts,
              W0s, W0n, b0, W1s, W1n, b1, Wd, bd, Wo, bo):
    src = edges[:, 0]
    dst = edges[:, 1]
    boundary_verts = x[boundary_loop]
    boundary_mean = jnp.mean(boundary_verts, axis=0)
    h = x
    for (Ws, Wn, b) in ((W0s, W0n, b0), (W1s, W1n, b1)):
        msg = h[src] @ Wn
        agg = jax.ops.segment_sum(msg, dst, num_segments=N)
        h = jax.nn.relu(h @ Ws + agg + b)
    hb = h[boundary_vs]
    pooled = jnp.mean(jnp.squeeze(hb), axis=0)[None, :]
    d = jax.nn.relu(pooled @ Wd + bd)
    nv_static = Wo.shape[1] // 3
    out = (d @ Wo + bo).reshape((nv_static, 3)) + jnp.zeros((), jnp.float32) * n_verts
    return boundary_mean + out

if __name__ == "__main__":
    import jax
    _d = setup_inputs()
    print(jax.jit(kernel)(*tuple(_d.values())))

</pallas_src>

<mosaic_0001>
#map = affine_map<(d0, d1) -> (0, 0)>
#map1 = affine_map<(d0, d1) -> (0, 0, 0)>
module attributes {stable_mosaic.version = 14 : i64} {
  func.func @seg0(%arg0: i32, %arg1: i32, %arg2: memref<100000x8xf32, #tpu.memory_space<hbm>>, %arg3: memref<12544x128xi32, #tpu.memory_space<hbm>>, %arg4: memref<12544x128xi32, #tpu.memory_space<hbm>>, %arg5: memref<6256x8xf32, #tpu.memory_space<hbm>>, %arg6: memref<2x100096x8xf32, #tpu.memory_space<hbm>>, %arg7: memref<8x128xi32, #tpu.memory_space<vmem>>, %arg8: memref<8x128xi32, #tpu.memory_space<vmem>>, %arg9: memref<1024x8xf32, #tpu.memory_space<vmem>>, %arg10: memref<100096x8xf32, #tpu.memory_space<vmem_shared>>, %arg11: memref<!tpu.dma_semaphore, #tpu.memory_space<semaphore_mem>>, %arg12: memref<!tpu.dma_semaphore, #tpu.memory_space<semaphore_mem>>) attributes {dimension_semantics = [#tpu.dimension_semantics<core_parallel>, #tpu.dimension_semantics<subcore_parallel>], iteration_bounds = array<i64: 2, 16>, scalar_prefetch = 0 : i64, scratch_operands = 6 : i64, tpu.core_type = #tpu.core_type<sc_vector_subcore>, window_params = [{transform_indices = #map}, {transform_indices = #map}, {transform_indices = #map}, {transform_indices = #map}, {transform_indices = #map1}]} {
    %mul3A = arith.constant 16 : i32
    %mul3A_0 = arith.muli %arg0, %mul3A : i32
    %add3A = arith.addi %mul3A_0, %arg1 : i32
    %mul3A_1 = arith.constant 6256 : i32
    %mul3A_2 = arith.muli %arg1, %mul3A_1 : i32
    "tpu.region"() ({
      %run_scoped3A = tpu.sem_alloc : memref<!tpu.dma_semaphore, #tpu.memory_space<semaphore_mem>>
      %dma_start3A = arith.constant 0 : i32
      %dma_start3A_15 = tpu.memref_slice %arg10[%mul3A_2, %dma_start3A] : memref<100096x8xf32, #tpu.memory_space<vmem_shared>> -> memref<6256x8xf32, #tpu.memory_space<vmem_shared>>
      tpu.enqueue_dma source(%arg5 : memref<6256x8xf32, #tpu.memory_space<hbm>>) target(%dma_start3A_15 : memref<6256x8xf32, #tpu.memory_space<vmem_shared>>) target_semaphore(%run_scoped3A : memref<!tpu.dma_semaphore, #tpu.memory_space<semaphore_mem>>)
      %dma_wait3A = arith.constant 0 : i32
      %dma_wait3A_16 = tpu.memref_slice %arg10[%mul3A_2, %dma_wait3A] : memref<100096x8xf32, #tpu.memory_space<vmem_shared>> -> memref<6256x8xf32, #tpu.memory_space<vmem_shared>>
      tpu.wait_dma2 semaphore(%run_scoped3A : memref<!tpu.dma_semaphore, #tpu.memory_space<semaphore_mem>>) src(%arg5 : memref<6256x8xf32, #tpu.memory_space<hbm>>) dst(%dma_wait3A_16 : memref<6256x8xf32, #tpu.memory_space<vmem_shared>>)
      tpu.yield
    }) : () -> ()
    %barrier3A = arith.constant 0 : index
    tpu.barrier barrier_id(%barrier3A)
    %mul3A_3 = arith.constant 392 : i32
    %mul3A_4 = arith.muli %add3A, %mul3A_3 : i32
    %scan3A = arith.constant 0 : i32
    %scan3A_5 = arith.constant 0 : i32
    %scan3A_6 = arith.constant 49 : i32
    %scan3A_7 = arith.addi %scan3A_5, %scan3A_6 : i32
    %scan3A_8 = arith.constant 1 : i32
    scf.for %scan3A_15 = %scan3A_5 to %scan3A_7 step %scan3A_8  : i32 {
      %mul3A_16 = arith.constant 8 : i32
      %mul3A_17 = arith.muli %scan3A_15, %mul3A_16 : i32
      %add3A_18 = arith.addi %mul3A_4, %mul3A_17 : i32
      "tpu.region"() ({
        %run_scoped3A = tpu.sem_alloc : memref<!tpu.dma_semaphore, #tpu.memory_space<semaphore_mem>>
        %dma_start3A_337 = arith.constant 0 : i32
        %dma_start3A_338 = tpu.memref_slice %arg3[%add3A_18, %dma_start3A_337] : memref<12544x128xi32, #tpu.memory_space<hbm>> -> memref<8x128xi32, #tpu.memory_space<hbm>>
        %dma_start3A_339 = arith.constant 0 : i32
        %dma_start3A_340 = tpu.memref_slice %arg3[%add3A_18, %dma_start3A_339] : memref<12544x128xi32, #tpu.memory_space<hbm>> -> memref<8x128xi32, #tpu.memory_space<hbm>>
        tpu.enqueue_dma source(%dma_start3A_340 : memref<8x128xi32, #tpu.memory_space<hbm>>) target(%arg7 : memref<8x128xi32, #tpu.memory_space<vmem>>) target_semaphore(%run_scoped3A : memref<!tpu.dma_semaphore, #tpu.memory_space<semaphore_mem>>)
        %dma_wait3A_341 = arith.constant 0 : i32
        %dma_wait3A_342 = tpu.memref_slice %arg3[%add3A_18, %dma_wait3A_341] : memref<12544x128xi32, #tpu.memory_space<hbm>> -> memref<8x128xi32, #tpu.memory_space<hbm>>
        %dma_wait3A_343 = arith.constant 0 : i32
        %dma_wait3A_344 = tpu.memref_slice %arg3[%add3A_18, %dma_wait3A_343] : memref<12544x128xi32, #tpu.memory_space<hbm>> -> memref<8x128xi32, #tpu.memory_space<hbm>>
        tpu.wait_dma2 semaphore(%run_scoped3A : memref<!tpu.dma_semaphore, #tpu.memory_space<semaphore_mem>>) src(%dma_wait3A_344 : memref<8x128xi32, #tpu.memory_space<hbm>>) dst(%arg7 : memref<8x128xi32, #tpu.memory_space<vmem>>)
        tpu.yield
      }) : () -> ()
      "tpu.region"() ({
        %run_scoped3A = tpu.sem_alloc : memref<!tpu.dma_semaphore, #tpu.memory_space<semaphore_mem>>
        %dma_start3A_337 = arith.constant 0 : i32
        %dma_start3A_338 = tpu.memref_slice %arg4[%add3A_18, %dma_start3A_337] : memref<12544x128xi32, #tpu.memory_space<hbm>> -> memref<8x128xi32, #tpu.memory_space<hbm>>
        %dma_start3A_339 = arith.constant 0 : i32
        %dma_start3A_340 = tpu.memref_slice %arg4[%add3A_18, %dma_start3A_339] : memref<12544x128xi32, #tpu.memory_space<hbm>> -> memref<8x128xi32, #tpu.memory_space<hbm>>
        tpu.enqueue_dma source(%dma_start3A_340 : memref<8x128xi32, #tpu.memory_space<hbm>>) target(%arg8 : memref<8x128xi32, #tpu.memory_space<vmem>>) target_semaphore(%run_scoped3A : memref<!tpu.dma_semaphore, #tpu.memory_space<semaphore_mem>>)
        %dma_wait3A_341 = arith.constant 0 : i32
        %dma_wait3A_342 = tpu.memref_slice %arg4[%add3A_18, %dma_wait3A_341] : memref<12544x128xi32, #tpu.memory_space<hbm>> -> memref<8x128xi32, #tpu.memory_space<hbm>>
        %dma_wait3A_343 = arith.constant 0 : i32
        %dma_wait3A_344 = tpu.memref_slice %arg4[%add3A_18, %dma_wait3A_343] : memref<12544x128xi32, #tpu.memory_space<hbm>> -> memref<8x128xi32, #tpu.memory_space<hbm>>
        tpu.wait_dma2 semaphore(%run_scoped3A : memref<!tpu.dma_semaphore, #tpu.memory_space<semaphore_mem>>) src(%dma_wait3A_344 : memref<8x128xi32, #tpu.memory_space<hbm>>) dst(%arg8 : memref<8x128xi32, #tpu.memory_space<vmem>>)
        tpu.yield
      }) : () -> ()
      %dma_start3A = arith.constant 0 : i32
      %dma_start3A_19 = arith.constant 0 : i32
      %dma_start3A_20 = arith.constant 0 : i32
      %dma_start3A_21 = tpu.memref_slice %arg9[%dma_start3A_19, %dma_start3A_20] : memref<1024x8xf32, #tpu.memory_space<vmem>> -> memref<128x8xf32, #tpu.memory_space<vmem>>
      %dma_start3A_22 = arith.constant 0 : i32
      %dma_start3A_23 = tpu.memref_slice %arg7[%dma_start3A, %dma_start3A_22] : memref<8x128xi32, #tpu.memory_space<vmem>> -> memref<1x128xi32, #tpu.memory_space<vmem>>
      %dma_start3A_24 = tpu.memref_squeeze %dma_start3A_23 : memref<1x128xi32, #tpu.memory_space<vmem>> -> memref<128xi32, #tpu.memory_space<vmem>>
      %dma_start3A_25 = arith.constant 0 : i32
      %dma_start3A_26 = arith.constant 0 : i32
      %dma_start3A_27 = tpu.memref_slice %arg2[%dma_start3A_25, %dma_start3A_26] : memref<100000x8xf32, #tpu.memory_space<hbm>> -> memref<100000x8xf32, #tpu.memory_space<hbm>>
      tpu.enqueue_indirect_dma source(%dma_start3A_27 : memref<100000x8xf32, #tpu.memory_space<hbm>>) target(%dma_start3A_21 : memref<128x8xf32, #tpu.memory_space<vmem>>) offsets(%dma_start3A_24 : memref<128xi32, #tpu.memory_space<vmem>>) semaphore(%arg11 : memref<!tpu.dma_semaphore, #tpu.memory_space<semaphore_mem>>)
      %dma_start3A_28 = arith.constant 1 : i32
      %dma_start3A_29 = arith.constant 128 : i32
      %dma_start3A_30 = arith.constant 0 : i32
      %dma_start3A_31 = tpu.memref_slice %arg9[%dma_start3A_29, %dma_start3A_30] : memref<1024x8xf32, #tpu.memory_space<vmem>> -> memref<128x8xf32, #tpu.memory_space<vmem>>
      %dma_start3A_32 = arith.constant 0 : i32
      %dma_start3A_33 = tpu.memref_slice %arg7[%dma_start3A_28, %dma_start3A_32] : memref<8x128xi32, #tpu.memory_space<vmem>> -> memref<1x128xi32, #tpu.memory_space<vmem>>
      %dma_start3A_34 = tpu.memref_squeeze %dma_start3A_33 : memref<1x128xi32, #tpu.memory_space<vmem>> -> memref<128xi32, #tpu.memory_space<vmem>>
      %dma_start3A_35 = arith.constant 0 : i32
      %dma_start3A_36 = arith.constant 0 : i32
      %dma_start3A_37 = tpu.memref_slice %arg2[%dma_start3A_35, %dma_start3A_36] : memref<100000x8xf32, #tpu.memory_space<hbm>> -> memref<100000x8xf32, #tpu.memory_space<hbm>>
      tpu.enqueue_indirect_dma source(%dma_start3A_37 : memref<100000x8xf32, #tpu.memory_space<hbm>>) target(%dma_start3A_31 : memref<128x8xf32, #tpu.memory_space<vmem>>) offsets(%dma_start3A_34 : memref<128xi32, #tpu.memory_space<vmem>>) semaphore(%arg11 : memref<!tpu.dma_semaphore, #tpu.memory_space<semaphore_mem>>)
      %dma_start3A_38 = arith.constant 2 : i32
      %dma_start3A_39 = arith.constant 256 : i32
      %dma_start3A_40 = arith.constant 0 : i32
      %dma_start3A_41 = tpu.memref_slice %arg9[%dma_start3A_39, %dma_start3A_40] : memref<1024x8xf32, #tpu.memory_space<vmem>> -> memref<128x8xf32, #tpu.memory_space<vmem>>
      %dma_start3A_42 = arith.constant 0 : i32
      %dma_start3A_43 = tpu.memref_slice %arg7[%dma_start3A_38, %dma_start3A_42] : memref<8x128xi32, #tpu.memory_space<vmem>> -> memref<1x128xi32, #tpu.memory_space<vmem>>
      %dma_start3A_44 = tpu.memref_squeeze %dma_start3A_43 : memref<1x128xi32, #tpu.memory_space<vmem>> -> memref<128xi32, #tpu.memory_space<vmem>>
      %dma_start3A_45 = arith.constant 0 : i32
      %dma_start3A_46 = arith.constant 0 : i32
      %dma_start3A_47 = tpu.memref_slice %arg2[%dma_start3A_45, %dma_start3A_46] : memref<100000x8xf32, #tpu.memory_space<hbm>> -> memref<100000x8xf32, #tpu.memory_space<hbm>>
      tpu.enqueue_indirect_dma source(%dma_start3A_47 : memref<100000x8xf32, #tpu.memory_space<hbm>>) target(%dma_start3A_41 : memref<128x8xf32, #tpu.memory_space<vmem>>) offsets(%dma_start3A_44 : memref<128xi32, #tpu.memory_space<vmem>>) semaphore(%arg11 : memref<!tpu.dma_semaphore, #tpu.memory_space<semaphore_mem>>)
      %dma_start3A_48 = arith.constant 3 : i32
      %dma_start3A_49 = arith.constant 384 : i32
      %dma_start3A_50 = arith.constant 0 : i32
      %dma_start3A_51 = tpu.memref_slice %arg9[%dma_start3A_49, %dma_start3A_50] : memref<1024x8xf32, #tpu.memory_space<vmem>> -> memref<128x8xf32, #tpu.memory_space<vmem>>
      %dma_start3A_52 = arith.constant 0 : i32
      %dma_start3A_53 = tpu.memref_slice %arg7[%dma_start3A_48, %dma_start3A_52] : memref<8x128xi32, #tpu.memory_space<vmem>> -> memref<1x128xi32, #tpu.memory_space<vmem>>
      %dma_start3A_54 = tpu.memref_squeeze %dma_start3A_53 : memref<1x128xi32, #tpu.memory_space<vmem>> -> memref<128xi32, #tpu.memory_space<vmem>>
      %dma_start3A_55 = arith.constant 0 : i32
      %dma_start3A_56 = arith.constant 0 : i32
      %dma_start3A_57 = tpu.memref_slice %arg2[%dma_start3A_55, %dma_start3A_56] : memref<100000x8xf32, #tpu.memory_space<hbm>> -> memref<100000x8xf32, #tpu.memory_space<hbm>>
      tpu.enqueue_indirect_dma source(%dma_start3A_57 : memref<100000x8xf32, #tpu.memory_space<hbm>>) target(%dma_start3A_51 : memref<128x8xf32, #tpu.memory_space<vmem>>) offsets(%dma_start3A_54 : memref<128xi32, #tpu.memory_space<vmem>>) semaphore(%arg11 : memref<!tpu.dma_semaphore, #tpu.memory_space<semaphore_mem>>)
      %dma_start3A_58 = arith.constant 4 : i32
      %dma_start3A_59 = arith.constant 512 : i32
      %dma_start3A_60 = arith.constant 0 : i32
      %dma_start3A_61 = tpu.memref_slice %arg9[%dma_start3A_59, %dma_start3A_60] : memref<1024x8xf32, #tpu.memory_space<vmem>> -> memref<128x8xf32, #tpu.memory_space<vmem>>
      %dma_start3A_62 = arith.constant 0 : i32
      %dma_start3A_63 = tpu.memref_slice %arg7[%dma_start3A_58, %dma_start3A_62] : memref<8x128xi32, #tpu.memory_space<vmem>> -> memref<1x128xi32, #tpu.memory_space<vmem>>
      %dma_start3A_64 = tpu.memref_squeeze %dma_start3A_63 : memref<1x128xi32, #tpu.memory_space<vmem>> -> memref<128xi32, #tpu.memory_space<vmem>>
      %dma_start3A_65 = arith.constant 0 : i32
      %dma_start3A_66 = arith.constant 0 : i32
      %dma_start3A_67 = tpu.memref_slice %arg2[%dma_start3A_65, %dma_start3A_66] : memref<100000x8xf32, #tpu.memory_space<hbm>> -> memref<100000x8xf32, #tpu.memory_space<hbm>>
      tpu.enqueue_indirect_dma source(%dma_start3A_67 : memref<100000x8xf32, #tpu.memory_space<hbm>>) target(%dma_start3A_61 : memref<128x8xf32, #tpu.memory_space<vmem>>) offsets(%dma_start3A_64 : memref<128xi32, #tpu.memory_space<vmem>>) semaphore(%arg11 : memref<!tpu.dma_semaphore, #tpu.memory_space<semaphore_mem>>)
      %dma_start3A_68 = arith.constant 5 : i32
      %dma_start3A_69 = arith.constant 640 : i32
      %dma_start3A_70 = arith.constant 0 : i32
      %dma_start3A_71 = tpu.memref_slice %arg9[%dma_start3A_69, %dma_start3A_70] : memref<1024x8xf32, #tpu.memory_space<vmem>> -> memref<128x8xf32, #tpu.memory_space<vmem>>
      %dma_start3A_72 = arith.constant 0 : i32
      %dma_start3A_73 = tpu.memref_slice %arg7[%dma_start3A_68, %dma_start3A_72] : memref<8x128xi32, #tpu.memory_space<vmem>> -> memref<1x128xi32, #tpu.memory_space<vmem>>
      %dma_start3A_74 = tpu.memref_squeeze %dma_start3A_73 : memref<1x128xi32, #tpu.memory_space<vmem>> -> memref<128xi32, #tpu.memory_space<vmem>>
      %dma_start3A_75 = arith.constant 0 : i32
      %dma_start3A_76 = arith.constant 0 : i32
      %dma_start3A_77 = tpu.memref_slice %arg2[%dma_start3A_75, %dma_start3A_76] : memref<100000x8xf32, #tpu.memory_space<hbm>> -> memref<100000x8xf32, #tpu.memory_space<hbm>>
      tpu.enqueue_indirect_dma source(%dma_start3A_77 : memref<100000x8xf32, #tpu.memory_space<hbm>>) target(%dma_start3A_71 : memref<128x8xf32, #tpu.memory_space<vmem>>) offsets(%dma_start3A_74 : memref<128xi32, #tpu.memory_space<vmem>>) semaphore(%arg11 : memref<!tpu.dma_semaphore, #tpu.memory_space<semaphore_mem>>)
      %dma_start3A_78 = arith.constant 6 : i32
      %dma_start3A_79 = arith.constant 768 : i32
      %dma_start3A_80 = arith.constant 0 : i32
      %dma_start3A_81 = tpu.memref_slice %arg9[%dma_start3A_79, %dma_start3A_80] : memref<1024x8xf32, #tpu.memory_space<vmem>> -> memref<128x8xf32, #tpu.memory_space<vmem>>
      %dma_start3A_82 = arith.constant 0 : i32
      %dma_start3A_83 = tpu.memref_slice %arg7[%dma_start3A_78, %dma_start3A_82] : memref<8x128xi32, #tpu.memory_space<vmem>> -> memref<1x128xi32, #tpu.memory_space<vmem>>
      %dma_start3A_84 = tpu.memref_squeeze %dma_start3A_83 : memref<1x128xi32, #tpu.memory_space<vmem>> -> memref<128xi32, #tpu.memory_space<vmem>>
      %dma_start3A_85 = arith.constant 0 : i32
      %dma_start3A_86 = arith.constant 0 : i32
      %dma_start3A_87 = tpu.memref_slice %arg2[%dma_start3A_85, %dma_start3A_86] : memref<100000x8xf32, #tpu.memory_space<hbm>> -> memref<100000x8xf32, #tpu.memory_space<hbm>>
      tpu.enqueue_indirect_dma source(%dma_start3A_87 : memref<100000x8xf32, #tpu.memory_space<hbm>>) target(%dma_start3A_81 : memref<128x8xf32, #tpu.memory_space<vmem>>) offsets(%dma_start3A_84 : memref<128xi32, #tpu.memory_space<vmem>>) semaphore(%arg11 : memref<!tpu.dma_semaphore, #tpu.memory_space<semaphore_mem>>)
      %dma_start3A_88 = arith.constant 7 : i32
      %dma_start3A_89 = arith.constant 896 : i32
      %dma_start3A_90 = arith.constant 0 : i32
      %dma_start3A_91 = tpu.memref_slice %arg9[%dma_start3A_89, %dma_start3A_90] : memref<1024x8xf32, #tpu.memory_space<vmem>> -> memref<128x8xf32, #tpu.memory_space<vmem>>
      %dma_start3A_92 = arith.constant 0 : i32
      %dma_start3A_93 = tpu.memref_slice %arg7[%dma_start3A_88, %dma_start3A_92] : memref<8x128xi32, #tpu.memory_space<vmem>> -> memref<1x128xi32, #tpu.memory_space<vmem>>
      %dma_start3A_94 = tpu.memref_squeeze %dma_start3A_93 : memref<1x128xi32, #tpu.memory_space<vmem>> -> memref<128xi32, #tpu.memory_space<vmem>>
      %dma_start3A_95 = arith.constant 0 : i32
      %dma_start3A_96 = arith.constant 0 : i32
      %dma_start3A_97 = tpu.memref_slice %arg2[%dma_start3A_95, %dma_start3A_96] : memref<100000x8xf32, #tpu.memory_space<hbm>> -> memref<100000x8xf32, #tpu.memory_space<hbm>>
      tpu.enqueue_indirect_dma source(%dma_start3A_97 : memref<100000x8xf32, #tpu.memory_space<hbm>>) target(%dma_start3A_91 : memref<128x8xf32, #tpu.memory_space<vmem>>) offsets(%dma_start3A_94 : memref<128xi32, #tpu.memory_space<vmem>>) semaphore(%arg11 : memref<!tpu.dma_semaphore, #tpu.memory_space<semaphore_mem>>)
      %dma_wait3A = arith.constant 0 : i32
      %dma_wait3A_98 = arith.constant 0 : i32
      %dma_wait3A_99 = arith.constant 0 : i32
      %dma_wait3A_100 = tpu.memref_slice %arg9[%dma_wait3A_98, %dma_wait3A_99] : memref<1024x8xf32, #tpu.memory_space<vmem>> -> memref<128x8xf32, #tpu.memory_space<vmem>>
      %dma_wait3A_101 = arith.constant 0 : i32
      %dma_wait3A_102 = tpu.memref_slice %arg7[%dma_wait3A, %dma_wait3A_101] : memref<8x128xi32, #tpu.memory_space<vmem>> -> memref<1x128xi32, #tpu.memory_space<vmem>>
      %dma_wait3A_103 = tpu.memref_squeeze %dma_wait3A_102 : memref<1x128xi32, #tpu.memory_space<vmem>> -> memref<128xi32, #tpu.memory_space<vmem>>
      %dma_wait3A_104 = arith.constant 0 : i32
      %dma_wait3A_105 = arith.constant 0 : i32
      %dma_wait3A_106 = tpu.memref_slice %arg2[%dma_wait3A_104, %dma_wait3A_105] : memref<100000x8xf32, #tpu.memory_space<hbm>> -> memref<100000x8xf32, #tpu.memory_space<hbm>>
      tpu.wait_indirect_dma semaphore(%arg11 : memref<!tpu.dma_semaphore, #tpu.memory_space<semaphore_mem>>) src(%dma_wait3A_106 : memref<100000x8xf32, #tpu.memory_space<hbm>>) dst(%dma_wait3A_100 : memref<128x8xf32, #tpu.memory_space<vmem>>)
      %dma_wait3A_107 = arith.constant 1 : i32
      %dma_wait3A_108 = arith.constant 128 : i32
      %dma_wait3A_109 = arith.constant 0 : i32
      %dma_wait3A_110 = tpu.memref_slice %arg9[%dma_wait3A_108, %dma_wait3A_109] : memref<1024x8xf32, #tpu.memory_space<vmem>> -> memref<128x8xf32, #tpu.memory_space<vmem>>
      %dma_wait3A_111 = arith.constant 0 : i32
      %dma_wait3A_112 = tpu.memref_slice %arg7[%dma_wait3A_107, %dma_wait3A_111] : memref<8x128xi32, #tpu.memory_space<vmem>> -> memref<1x128xi32, #tpu.memory_space<vmem>>
      %dma_wait3A_113 = tpu.memref_squeeze %dma_wait3A_112 : memref<1x128xi32, #tpu.memory_space<vmem>> -> memref<128xi32, #tpu.memory_space<vmem>>
      %dma_wait3A_114 = arith.constant 0 : i32
      %dma_wait3A_115 = arith.constant 0 : i32
      %dma_wait3A_116 = tpu.memref_slice %arg2[%dma_wait3A_114, %dma_wait3A_115] : memref<100000x8xf32, #tpu.memory_space<hbm>> -> memref<100000x8xf32, #tpu.memory_space<hbm>>
      tpu.wait_indirect_dma semaphore(%arg11 : memref<!tpu.dma_semaphore, #tpu.memory_space<semaphore_mem>>) src(%dma_wait3A_116 : memref<100000x8xf32, #tpu.memory_space<hbm>>) dst(%dma_wait3A_110 : memref<128x8xf32, #tpu.memory_space<vmem>>)
      %dma_wait3A_117 = arith.constant 2 : i32
      %dma_wait3A_118 = arith.constant 256 : i32
      %dma_wait3A_119 = arith.constant 0 : i32
      %dma_wait3A_120 = tpu.memref_slice %arg9[%dma_wait3A_118, %dma_wait3A_119] : memref<1024x8xf32, #tpu.memory_space<vmem>> -> memref<128x8xf32, #tpu.memory_space<vmem>>
      %dma_wait3A_121 = arith.constant 0 : i32
      %dma_wait3A_122 = tpu.memref_slice %arg7[%dma_wait3A_117, %dma_wait3A_121] : memref<8x128xi32, #tpu.memory_space<vmem>> -> memref<1x128xi32, #tpu.memory_space<vmem>>
      %dma_wait3A_123 = tpu.memref_squeeze %dma_wait3A_122 : memref<1x128xi32, #tpu.memory_space<vmem>> -> memref<128xi32, #tpu.memory_space<vmem>>
      %dma_wait3A_124 = arith.constant 0 : i32
      %dma_wait3A_125 = arith.constant 0 : i32
      %dma_wait3A_126 = tpu.memref_slice %arg2[%dma_wait3A_124, %dma_wait3A_125] : memref<100000x8xf32, #tpu.memory_space<hbm>> -> memref<100000x8xf32, #tpu.memory_space<hbm>>
      tpu.wait_indirect_dma semaphore(%arg11 : memref<!tpu.dma_semaphore, #tpu.memory_space<semaphore_mem>>) src(%dma_wait3A_126 : memref<100000x8xf32, #tpu.memory_space<hbm>>) dst(%dma_wait3A_120 : memref<128x8xf32, #tpu.memory_space<vmem>>)
      %dma_wait3A_127 = arith.constant 3 : i32
      %dma_wait3A_128 = arith.constant 384 : i32
      %dma_wait3A_129 = arith.constant 0 : i32
      %dma_wait3A_130 = tpu.memref_slice %arg9[%dma_wait3A_128, %dma_wait3A_129] : memref<1024x8xf32, #tpu.memory_space<vmem>> -> memref<128x8xf32, #tpu.memory_space<vmem>>
      %dma_wait3A_131 = arith.constant 0 : i32
      %dma_wait3A_132 = tpu.memref_slice %arg7[%dma_wait3A_127, %dma_wait3A_131] : memref<8x128xi32, #tpu.memory_space<vmem>> -> memref<1x128xi32, #tpu.memory_space<vmem>>
      %dma_wait3A_133 = tpu.memref_squeeze %dma_wait3A_132 : memref<1x128xi32, #tpu.memory_space<vmem>> -> memref<128xi32, #tpu.memory_space<vmem>>
      %dma_wait3A_134 = arith.constant 0 : i32
      %dma_wait3A_135 = arith.constant 0 : i32
      %dma_wait3A_136 = tpu.memref_slice %arg2[%dma_wait3A_134, %dma_wait3A_135] : memref<100000x8xf32, #tpu.memory_space<hbm>> -> memref<100000x8xf32, #tpu.memory_space<hbm>>
      tpu.wait_indirect_dma semaphore(%arg11 : memref<!tpu.dma_semaphore, #tpu.memory_space<semaphore_mem>>) src(%dma_wait3A_136 : memref<100000x8xf32, #tpu.memory_space<hbm>>) dst(%dma_wait3A_130 : memref<128x8xf32, #tpu.memory_space<vmem>>)
      %dma_wait3A_137 = arith.constant 4 : i32
      %dma_wait3A_138 = arith.constant 512 : i32
      %dma_wait3A_139 = arith.constant 0 : i32
      %dma_wait3A_140 = tpu.memref_slice %arg9[%dma_wait3A_138, %dma_wait3A_139] : memref<1024x8xf32, #tpu.memory_space<vmem>> -> memref<128x8xf32, #tpu.memory_space<vmem>>
      %dma_wait3A_141 = arith.constant 0 : i32
      %dma_wait3A_142 = tpu.memref_slice %arg7[%dma_wait3A_137, %dma_wait3A_141] : memref<8x128xi32, #tpu.memory_space<vmem>> -> memref<1x128xi32, #tpu.memory_space<vmem>>
      %dma_wait3A_143 = tpu.memref_squeeze %dma_wait3A_142 : memref<1x128xi32, #tpu.memory_space<vmem>> -> memref<128xi32, #tpu.memory_space<vmem>>
      %dma_wait3A_144 = arith.constant 0 : i32
      %dma_wait3A_145 = arith.constant 0 : i32
      %dma_wait3A_146 = tpu.memref_slice %arg2[%dma_wait3A_144, %dma_wait3A_145] : memref<100000x8xf32, #tpu.memory_space<hbm>> -> memref<100000x8xf32, #tpu.memory_space<hbm>>
      tpu.wait_indirect_dma semaphore(%arg11 : memref<!tpu.dma_semaphore, #tpu.memory_space<semaphore_mem>>) src(%dma_wait3A_146 : memref<100000x8xf32, #tpu.memory_space<hbm>>) dst(%dma_wait3A_140 : memref<128x8xf32, #tpu.memory_space<vmem>>)
      %dma_wait3A_147 = arith.constant 5 : i32
      %dma_wait3A_148 = arith.constant 640 : i32
      %dma_wait3A_149 = arith.constant 0 : i32
      %dma_wait3A_150 = tpu.memref_slice %arg9[%dma_wait3A_148, %dma_wait3A_149] : memref<1024x8xf32, #tpu.memory_space<vmem>> -> memref<128x8xf32, #tpu.memory_space<vmem>>
      %dma_wait3A_151 = arith.constant 0 : i32
      %dma_wait3A_152 = tpu.memref_slice %arg7[%dma_wait3A_147, %dma_wait3A_151] : memref<8x128xi32, #tpu.memory_space<vmem>> -> memref<1x128xi32, #tpu.memory_space<vmem>>
      %dma_wait3A_153 = tpu.memref_squeeze %dma_wait3A_152 : memref<1x128xi32, #tpu.memory_space<vmem>> -> memref<128xi32, #tpu.memory_space<vmem>>
      %dma_wait3A_154 = arith.constant 0 : i32
      %dma_wait3A_155 = arith.constant 0 : i32
      %dma_wait3A_156 = tpu.memref_slice %arg2[%dma_wait3A_154, %dma_wait3A_155] : memref<100000x8xf32, #tpu.memory_space<hbm>> -> memref<100000x8xf32, #tpu.memory_space<hbm>>
      tpu.wait_indirect_dma semaphore(%arg11 : memref<!tpu.dma_semaphore, #tpu.memory_space<semaphore_mem>>) src(%dma_wait3A_156 : memref<100000x8xf32, #tpu.memory_space<hbm>>) dst(%dma_wait3A_150 : memref<128x8xf32, #tpu.memory_space<vmem>>)
      %dma_wait3A_157 = arith.constant 6 : i32
      %dma_wait3A_158 = arith.constant 768 : i32
      %dma_wait3A_159 = arith.constant 0 : i32
      %dma_wait3A_160 = tpu.memref_slice %arg9[%dma_wait3A_158, %dma_wait3A_159] : memref<1024x8xf32, #tpu.memory_space<vmem>> -> memref<128x8xf32, #tpu.memory_space<vmem>>
      %dma_wait3A_161 = arith.constant 0 : i32
      %dma_wait3A_162 = tpu.memref_slice %arg7[%dma_wait3A_157, %dma_wait3A_161] : memref<8x128xi32, #tpu.memory_space<vmem>> -> memref<1x128xi32, #tpu.memory_space<vmem>>
      %dma_wait3A_163 = tpu.memref_squeeze %dma_wait3A_162 : memref<1x128xi32, #tpu.memory_space<vmem>> -> memref<128xi32, #tpu.memory_space<vmem>>
      %dma_wait3A_164 = arith.constant 0 : i32
      %dma_wait3A_165 = arith.constant 0 : i32
      %dma_wait3A_166 = tpu.memref_slice %arg2[%dma_wait3A_164, %dma_wait3A_165] : memref<100000x8xf32, #tpu.memory_space<hbm>> -> memref<100000x8xf32, #tpu.memory_space<hbm>>
      tpu.wait_indirect_dma semaphore(%arg11 : memref<!tpu.dma_semaphore, #tpu.memory_space<semaphore_mem>>) src(%dma_wait3A_166 : memref<100000x8xf32, #tpu.memory_space<hbm>>) dst(%dma_wait3A_160 : memref<128x8xf32, #tpu.memory_space<vmem>>)
      %dma_wait3A_167 = arith.constant 7 : i32
      %dma_wait3A_168 = arith.constant 896 : i32
      %dma_wait3A_169 = arith.constant 0 : i32
      %dma_wait3A_170 = tpu.memref_slice %arg9[%dma_wait3A_168, %dma_wait3A_169] : memref<1024x8xf32, #tpu.memory_space<vmem>> -> memref<128x8xf32, #tpu.memory_space<vmem>>
      %dma_wait3A_171 = arith.constant 0 : i32
      %dma_wait3A_172 = tpu.memref_slice %arg7[%dma_wait3A_167, %dma_wait3A_171] : memref<8x128xi32, #tpu.memory_space<vmem>> -> memref<1x128xi32, #tpu.memory_space<vmem>>
      %dma_wait3A_173 = tpu.memref_squeeze %dma_wait3A_172 : memref<1x128xi32, #tpu.memory_space<vmem>> -> memref<128xi32, #tpu.memory_space<vmem>>
      %dma_wait3A_174 = arith.constant 0 : i32
      %dma_wait3A_175 = arith.constant 0 : i32
      %dma_wait3A_176 = tpu.memref_slice %arg2[%dma_wait3A_174, %dma_wait3A_175] : memref<100000x8xf32, #tpu.memory_space<hbm>> -> memref<100000x8xf32, #tpu.memory_space<hbm>>
      tpu.wait_indirect_dma semaphore(%arg11 : memref<!tpu.dma_semaphore, #tpu.memory_space<semaphore_mem>>) src(%dma_wait3A_176 : memref<100000x8xf32, #tpu.memory_space<hbm>>) dst(%dma_wait3A_170 : memref<128x8xf32, #tpu.memory_space<vmem>>)
      %dma_start3A_177 = arith.constant 0 : i32
      %dma_start3A_178 = arith.constant 0 : i32
      %dma_start3A_179 = arith.constant 0 : i32
      %dma_start3A_180 = tpu.memref_slice %arg9[%dma_start3A_178, %dma_start3A_179] : memref<1024x8xf32, #tpu.memory_space<vmem>> -> memref<128x8xf32, #tpu.memory_space<vmem>>
      %dma_start3A_181 = arith.constant 0 : i32
      %dma_start3A_182 = tpu.memref_slice %arg8[%dma_start3A_177, %dma_start3A_181] : memref<8x128xi32, #tpu.memory_space<vmem>> -> memref<1x128xi32, #tpu.memory_space<vmem>>
      %dma_start3A_183 = tpu.memref_squeeze %dma_start3A_182 : memref<1x128xi32, #tpu.memory_space<vmem>> -> memref<128xi32, #tpu.memory_space<vmem>>
      %dma_start3A_184 = arith.constant 0 : i32
      %dma_start3A_185 = arith.constant 0 : i32
      %dma_start3A_186 = tpu.memref_slice %arg10[%dma_start3A_184, %dma_start3A_185] : memref<100096x8xf32, #tpu.memory_space<vmem_shared>> -> memref<100096x8xf32, #tpu.memory_space<vmem_shared>>
      tpu.enqueue_indirect_dma source(%dma_start3A_180 : memref<128x8xf32, #tpu.memory_space<vmem>>) target(%dma_start3A_186 : memref<100096x8xf32, #tpu.memory_space<vmem_shared>>) offsets(%dma_start3A_183 : memref<128xi32, #tpu.memory_space<vmem>>) semaphore(%arg12 : memref<!tpu.dma_semaphore, #tpu.memory_space<semaphore_mem>>) {add = true}
      %dma_start3A_187 = arith.constant 1 : i32
      %dma_start3A_188 = arith.constant 128 : i32
      %dma_start3A_189 = arith.constant 0 : i32
      %dma_start3A_190 = tpu.memref_slice %arg9[%dma_start3A_188, %dma_start3A_189] : memref<1024x8xf32, #tpu.memory_space<vmem>> -> memref<128x8xf32, #tpu.memory_space<vmem>>
      %dma_start3A_191 = arith.constant 0 : i32
      %dma_start3A_192 = tpu.memref_slice %arg8[%dma_start3A_187, %dma_start3A_191] : memref<8x128xi32, #tpu.memory_space<vmem>> -> memref<1x128xi32, #tpu.memory_space<vmem>>
      %dma_start3A_193 = tpu.memref_squeeze %dma_start3A_192 : memref<1x128xi32, #tpu.memory_space<vmem>> -> memref<128xi32, #tpu.memory_space<vmem>>
      %dma_start3A_194 = arith.constant 0 : i32
      %dma_start3A_195 = arith.constant 0 : i32
      %dma_start3A_196 = tpu.memref_slice %arg10[%dma_start3A_194, %dma_start3A_195] : memref<100096x8xf32, #tpu.memory_space<vmem_shared>> -> memref<100096x8xf32, #tpu.memory_space<vmem_shared>>
      tpu.enqueue_indirect_dma source(%dma_start3A_190 : memref<128x8xf32, #tpu.memory_space<vmem>>) target(%dma_start3A_196 : memref<100096x8xf32, #tpu.memory_space<vmem_shared>>) offsets(%dma_start3A_193 : memref<128xi32, #tpu.memory_space<vmem>>) semaphore(%arg12 : memref<!tpu.dma_semaphore, #tpu.memory_space<semaphore_mem>>) {add = true}
      %dma_start3A_197 = arith.constant 2 : i32
      %dma_start3A_198 = arith.constant 256 : i32
      %dma_start3A_199 = arith.constant 0 : i32
      %dma_start3A_200 = tpu.memref_slice %arg9[%dma_start3A_198, %dma_start3A_199] : memref<1024x8xf32, #tpu.memory_space<vmem>> -> memref<128x8xf32, #tpu.memory_space<vmem>>
      %dma_start3A_201 = arith.constant 0 : i32
      %dma_start3A_202 = tpu.memref_slice %arg8[%dma_start3A_197, %dma_start3A_201] : memref<8x128xi32, #tpu.memory_space<vmem>> -> memref<1x128xi32, #tpu.memory_space<vmem>>
      %dma_start3A_203 = tpu.memref_squeeze %dma_start3A_202 : memref<1x128xi32, #tpu.memory_space<vmem>> -> memref<128xi32, #tpu.memory_space<vmem>>
      %dma_start3A_204 = arith.constant 0 : i32
      %dma_start3A_205 = arith.constant 0 : i32
      %dma_start3A_206 = tpu.memref_slice %arg10[%dma_start3A_204, %dma_start3A_205] : memref<100096x8xf32, #tpu.memory_space<vmem_shared>> -> memref<100096x8xf32, #tpu.memory_space<vmem_shared>>
      tpu.enqueue_indirect_dma source(%dma_start3A_200 : memref<128x8xf32, #tpu.memory_space<vmem>>) target(%dma_start3A_206 : memref<100096x8xf32, #tpu.memory_space<vmem_shared>>) offsets(%dma_start3A_203 : memref<128xi32, #tpu.memory_space<vmem>>) semaphore(%arg12 : memref<!tpu.dma_semaphore, #tpu.memory_space<semaphore_mem>>) {add = true}
      %dma_start3A_207 = arith.constant 3 : i32
      %dma_start3A_208 = arith.constant 384 : i32
      %dma_start3A_209 = arith.constant 0 : i32
      %dma_start3A_210 = tpu.memref_slice %arg9[%dma_start3A_208, %dma_start3A_209] : memref<1024x8xf32, #tpu.memory_space<vmem>> -> memref<128x8xf32, #tpu.memory_space<vmem>>
      %dma_start3A_211 = arith.constant 0 : i32
      %dma_start3A_212 = tpu.memref_slice %arg8[%dma_start3A_207, %dma_start3A_211] : memref<8x128xi32, #tpu.memory_space<vmem>> -> memref<1x128xi32, #tpu.memory_space<vmem>>
      %dma_start3A_213 = tpu.memref_squeeze %dma_start3A_212 : memref<1x128xi32, #tpu.memory_space<vmem>> -> memref<128xi32, #tpu.memory_space<vmem>>
      %dma_start3A_214 = arith.constant 0 : i32
      %dma_start3A_215 = arith.constant 0 : i32
      %dma_start3A_216 = tpu.memref_slice %arg10[%dma_start3A_214, %dma_start3A_215] : memref<100096x8xf32, #tpu.memory_space<vmem_shared>> -> memref<100096x8xf32, #tpu.memory_space<vmem_shared>>
      tpu.enqueue_indirect_dma source(%dma_start3A_210 : memref<128x8xf32, #tpu.memory_space<vmem>>) target(%dma_start3A_216 : memref<100096x8xf32, #tpu.memory_space<vmem_shared>>) offsets(%dma_start3A_213 : memref<128xi32, #tpu.memory_space<vmem>>) semaphore(%arg12 : memref<!tpu.dma_semaphore, #tpu.memory_space<semaphore_mem>>) {add = true}
      %dma_start3A_217 = arith.constant 4 : i32
      %dma_start3A_218 = arith.constant 512 : i32
      %dma_start3A_219 = arith.constant 0 : i32
      %dma_start3A_220 = tpu.memref_slice %arg9[%dma_start3A_218, %dma_start3A_219] : memref<1024x8xf32, #tpu.memory_space<vmem>> -> memref<128x8xf32, #tpu.memory_space<vmem>>
      %dma_start3A_221 = arith.constant 0 : i32
      %dma_start3A_222 = tpu.memref_slice %arg8[%dma_start3A_217, %dma_start3A_221] : memref<8x128xi32, #tpu.memory_space<vmem>> -> memref<1x128xi32, #tpu.memory_space<vmem>>
      %dma_start3A_223 = tpu.memref_squeeze %dma_start3A_222 : memref<1x128xi32, #tpu.memory_space<vmem>> -> memref<128xi32, #tpu.memory_space<vmem>>
      %dma_start3A_224 = arith.constant 0 : i32
      %dma_start3A_225 = arith.constant 0 : i32
      %dma_start3A_226 = tpu.memref_slice %arg10[%dma_start3A_224, %dma_start3A_225] : memref<100096x8xf32, #tpu.memory_space<vmem_shared>> -> memref<100096x8xf32, #tpu.memory_space<vmem_shared>>
      tpu.enqueue_indirect_dma source(%dma_start3A_220 : memref<128x8xf32, #tpu.memory_space<vmem>>) target(%dma_start3A_226 : memref<100096x8xf32, #tpu.memory_space<vmem_shared>>) offsets(%dma_start3A_223 : memref<128xi32, #tpu.memory_space<vmem>>) semaphore(%arg12 : memref<!tpu.dma_semaphore, #tpu.memory_space<semaphore_mem>>) {add = true}
      %dma_start3A_227 = arith.constant 5 : i32
      %dma_start3A_228 = arith.constant 640 : i32
      %dma_start3A_229 = arith.constant 0 : i32
      %dma_start3A_230 = tpu.memref_slice %arg9[%dma_start3A_228, %dma_start3A_229] : memref<1024x8xf32, #tpu.memory_space<vmem>> -> memref<128x8xf32, #tpu.memory_space<vmem>>
      %dma_start3A_231 = arith.constant 0 : i32
      %dma_start3A_232 = tpu.memref_slice %arg8[%dma_start3A_227, %dma_start3A_231] : memref<8x128xi32, #tpu.memory_space<vmem>> -> memref<1x128xi32, #tpu.memory_space<vmem>>
      %dma_start3A_233 = tpu.memref_squeeze %dma_start3A_232 : memref<1x128xi32, #tpu.memory_space<vmem>> -> memref<128xi32, #tpu.memory_space<vmem>>
      %dma_start3A_234 = arith.constant 0 : i32
      %dma_start3A_235 = arith.constant 0 : i32
      %dma_start3A_236 = tpu.memref_slice %arg10[%dma_start3A_234, %dma_start3A_235] : memref<100096x8xf32, #tpu.memory_space<vmem_shared>> -> memref<100096x8xf32, #tpu.memory_space<vmem_shared>>
      tpu.enqueue_indirect_dma source(%dma_start3A_230 : memref<128x8xf32, #tpu.memory_space<vmem>>) target(%dma_start3A_236 : memref<100096x8xf32, #tpu.memory_space<vmem_shared>>) offsets(%dma_start3A_233 : memref<128xi32, #tpu.memory_space<vmem>>) semaphore(%arg12 : memref<!tpu.dma_semaphore, #tpu.memory_space<semaphore_mem>>) {add = true}
      %dma_start3A_237 = arith.constant 6 : i32
      %dma_start3A_238 = arith.constant 768 : i32
      %dma_start3A_239 = arith.constant 0 : i32
      %dma_start3A_240 = tpu.memref_slice %arg9[%dma_start3A_238, %dma_start3A_239] : memref<1024x8xf32, #tpu.memory_space<vmem>> -> memref<128x8xf32, #tpu.memory_space<vmem>>
      %dma_start3A_241 = arith.constant 0 : i32
      %dma_start3A_242 = tpu.memref_slice %arg8[%dma_start3A_237, %dma_start3A_241] : memref<8x128xi32, #tpu.memory_space<vmem>> -> memref<1x128xi32, #tpu.memory_space<vmem>>
      %dma_start3A_243 = tpu.memref_squeeze %dma_start3A_242 : memref<1x128xi32, #tpu.memory_space<vmem>> -> memref<128xi32, #tpu.memory_space<vmem>>
      %dma_start3A_244 = arith.constant 0 : i32
      %dma_start3A_245 = arith.constant 0 : i32
      %dma_start3A_246 = tpu.memref_slice %arg10[%dma_start3A_244, %dma_start3A_245] : memref<100096x8xf32, #tpu.memory_space<vmem_shared>> -> memref<100096x8xf32, #tpu.memory_space<vmem_shared>>
      tpu.enqueue_indirect_dma source(%dma_start3A_240 : memref<128x8xf32, #tpu.memory_space<vmem>>) target(%dma_start3A_246 : memref<100096x8xf32, #tpu.memory_space<vmem_shared>>) offsets(%dma_start3A_243 : memref<128xi32, #tpu.memory_space<vmem>>) semaphore(%arg12 : memref<!tpu.dma_semaphore, #tpu.memory_space<semaphore_mem>>) {add = true}
      %dma_start3A_247 = arith.constant 7 : i32
      %dma_start3A_248 = arith.constant 896 : i32
      %dma_start3A_249 = arith.constant 0 : i32
      %dma_start3A_250 = tpu.memref_slice %arg9[%dma_start3A_248, %dma_start3A_249] : memref<1024x8xf32, #tpu.memory_space<vmem>> -> memref<128x8xf32, #tpu.memory_space<vmem>>
      %dma_start3A_251 = arith.constant 0 : i32
      %dma_start3A_252 = tpu.memref_slice %arg8[%dma_start3A_247, %dma_start3A_251] : memref<8x128xi32, #tpu.memory_space<vmem>> -> memref<1x128xi32, #tpu.memory_space<vmem>>
      %dma_start3A_253 = tpu.memref_squeeze %dma_start3A_252 : memref<1x128xi32, #tpu.memory_space<vmem>> -> memref<128xi32, #tpu.memory_space<vmem>>
      %dma_start3A_254 = arith.constant 0 : i32
      %dma_start3A_255 = arith.constant 0 : i32
      %dma_start3A_256 = tpu.memref_slice %arg10[%dma_start3A_254, %dma_start3A_255] : memref<100096x8xf32, #tpu.memory_space<vmem_shared>> -> memref<100096x8xf32, #tpu.memory_space<vmem_shared>>
      tpu.enqueue_indirect_dma source(%dma_start3A_250 : memref<128x8xf32, #tpu.memory_space<vmem>>) target(%dma_start3A_256 : memref<100096x8xf32, #tpu.memory_space<vmem_shared>>) offsets(%dma_start3A_253 : memref<128xi32, #tpu.memory_space<vmem>>) semaphore(%arg12 : memref<!tpu.dma_semaphore, #tpu.memory_space<semaphore_mem>>) {add = true}
      %dma_wait3A_257 = arith.constant 0 : i32
      %dma_wait3A_258 = arith.constant 0 : i32
      %dma_wait3A_259 = arith.constant 0 : i32
      %dma_wait3A_260 = tpu.memref_slice %arg9[%dma_wait3A_258, %dma_wait3A_259] : memref<1024x8xf32, #tpu.memory_space<vmem>> -> memref<128x8xf32, #tpu.memory_space<vmem>>
      %dma_wait3A_261 = arith.constant 0 : i32
      %dma_wait3A_262 = tpu.memref_slice %arg8[%dma_wait3A_257, %dma_wait3A_261] : memref<8x128xi32, #tpu.memory_space<vmem>> -> memref<1x128xi32, #tpu.memory_space<vmem>>
      %dma_wait3A_263 = tpu.memref_squeeze %dma_wait3A_262 : memref<1x128xi32, #tpu.memory_space<vmem>> -> memref<128xi32, #tpu.memory_space<vmem>>
      %dma_wait3A_264 = arith.constant 0 : i32
      %dma_wait3A_265 = arith.constant 0 : i32
      %dma_wait3A_266 = tpu.memref_slice %arg10[%dma_wait3A_264, %dma_wait3A_265] : memref<100096x8xf32, #tpu.memory_space<vmem_shared>> -> memref<100096x8xf32, #tpu.memory_space<vmem_shared>>
      tpu.wait_indirect_dma semaphore(%arg12 : memref<!tpu.dma_semaphore, #tpu.memory_space<semaphore_mem>>) src(%dma_wait3A_260 : memref<128x8xf32, #tpu.memory_space<vmem>>) dst(%dma_wait3A_266 : memref<100096x8xf32, #tpu.memory_space<vmem_shared>>)
      %dma_wait3A_267 = arith.constant 1 : i32
      %dma_wait3A_268 = arith.constant 128 : i32
      %dma_wait3A_269 = arith.constant 0 : i32
      %dma_wait3A_270 = tpu.memref_slice %arg9[%dma_wait3A_268, %dma_wait3A_269] : memref<1024x8xf32, #tpu.memory_space<vmem>> -> memref<128x8xf32, #tpu.memory_space<vmem>>
      %dma_wait3A_271 = arith.constant 0 : i32
      %dma_wait3A_272 = tpu.memref_slice %arg8[%dma_wait3A_267, %dma_wait3A_271] : memref<8x128xi32, #tpu.memory_space<vmem>> -> memref<1x128xi32, #tpu.memory_space<vmem>>
      %dma_wait3A_273 = tpu.memref_squeeze %dma_wait3A_272 : memref<1x128xi32, #tpu.memory_space<vmem>> -> memref<128xi32, #tpu.memory_space<vmem>>
      %dma_wait3A_274 = arith.constant 0 : i32
      %dma_wait3A_275 = arith.constant 0 : i32
      %dma_wait3A_276 = tpu.memref_slice %arg10[%dma_wait3A_274, %dma_wait3A_275] : memref<100096x8xf32, #tpu.memory_space<vmem_shared>> -> memref<100096x8xf32, #tpu.memory_space<vmem_shared>>
      tpu.wait_indirect_dma semaphore(%arg12 : memref<!tpu.dma_semaphore, #tpu.memory_space<semaphore_mem>>) src(%dma_wait3A_270 : memref<128x8xf32, #tpu.memory_space<vmem>>) dst(%dma_wait3A_276 : memref<100096x8xf32, #tpu.memory_space<vmem_shared>>)
      %dma_wait3A_277 = arith.constant 2 : i32
      %dma_wait3A_278 = arith.constant 256 : i32
      %dma_wait3A_279 = arith.constant 0 : i32
      %dma_wait3A_280 = tpu.memref_slice %arg9[%dma_wait3A_278, %dma_wait3A_279] : memref<1024x8xf32, #tpu.memory_space<vmem>> -> memref<128x8xf32, #tpu.memory_space<vmem>>
      %dma_wait3A_281 = arith.constant 0 : i32
      %dma_wait3A_282 = tpu.memref_slice %arg8[%dma_wait3A_277, %dma_wait3A_281] : memref<8x128xi32, #tpu.memory_space<vmem>> -> memref<1x128xi32, #tpu.memory_space<vmem>>
      %dma_wait3A_283 = tpu.memref_squeeze %dma_wait3A_282 : memref<1x128xi32, #tpu.memory_space<vmem>> -> memref<128xi32, #tpu.memory_space<vmem>>
      %dma_wait3A_284 = arith.constant 0 : i32
      %dma_wait3A_285 = arith.constant 0 : i32
      %dma_wait3A_286 = tpu.memref_slice %arg10[%dma_wait3A_284, %dma_wait3A_285] : memref<100096x8xf32, #tpu.memory_space<vmem_shared>> -> memref<100096x8xf32, #tpu.memory_space<vmem_shared>>
      tpu.wait_indirect_dma semaphore(%arg12 : memref<!tpu.dma_semaphore, #tpu.memory_space<semaphore_mem>>) src(%dma_wait3A_280 : memref<128x8xf32, #tpu.memory_space<vmem>>) dst(%dma_wait3A_286 : memref<100096x8xf32, #tpu.memory_space<vmem_shared>>)
      %dma_wait3A_287 = arith.constant 3 : i32
      %dma_wait3A_288 = arith.constant 384 : i32
      %dma_wait3A_289 = arith.constant 0 : i32
      %dma_wait3A_290 = tpu.memref_slice %arg9[%dma_wait3A_288, %dma_wait3A_289] : memref<1024x8xf32, #tpu.memory_space<vmem>> -> memref<128x8xf32, #tpu.memory_space<vmem>>
      %dma_wait3A_291 = arith.constant 0 : i32
      %dma_wait3A_292 = tpu.memref_slice %arg8[%dma_wait3A_287, %dma_wait3A_291] : memref<8x128xi32, #tpu.memory_space<vmem>> -> memref<1x128xi32, #tpu.memory_space<vmem>>
      %dma_wait3A_293 = tpu.memref_squeeze %dma_wait3A_292 : memref<1x128xi32, #tpu.memory_space<vmem>> -> memref<128xi32, #tpu.memory_space<vmem>>
      %dma_wait3A_294 = arith.constant 0 : i32
      %dma_wait3A_295 = arith.constant 0 : i32
      %dma_wait3A_296 = tpu.memref_slice %arg10[%dma_wait3A_294, %dma_wait3A_295] : memref<100096x8xf32, #tpu.memory_space<vmem_shared>> -> memref<100096x8xf32, #tpu.memory_space<vmem_shared>>
      tpu.wait_indirect_dma semaphore(%arg12 : memref<!tpu.dma_semaphore, #tpu.memory_space<semaphore_mem>>) src(%dma_wait3A_290 : memref<128x8xf32, #tpu.memory_space<vmem>>) dst(%dma_wait3A_296 : memref<100096x8xf32, #tpu.memory_space<vmem_shared>>)
      %dma_wait3A_297 = arith.constant 4 : i32
      %dma_wait3A_298 = arith.constant 512 : i32
      %dma_wait3A_299 = arith.constant 0 : i32
      %dma_wait3A_300 = tpu.memref_slice %arg9[%dma_wait3A_298, %dma_wait3A_299] : memref<1024x8xf32, #tpu.memory_space<vmem>> -> memref<128x8xf32, #tpu.memory_space<vmem>>
      %dma_wait3A_301 = arith.constant 0 : i32
      %dma_wait3A_302 = tpu.memref_slice %arg8[%dma_wait3A_297, %dma_wait3A_301] : memref<8x128xi32, #tpu.memory_space<vmem>> -> memref<1x128xi32, #tpu.memory_space<vmem>>
      %dma_wait3A_303 = tpu.memref_squeeze %dma_wait3A_302 : memref<1x128xi32, #tpu.memory_space<vmem>> -> memref<128xi32, #tpu.memory_space<vmem>>
      %dma_wait3A_304 = arith.constant 0 : i32
      %dma_wait3A_305 = arith.constant 0 : i32
      %dma_wait3A_306 = tpu.memref_slice %arg10[%dma_wait3A_304, %dma_wait3A_305] : memref<100096x8xf32, #tpu.memory_space<vmem_shared>> -> memref<100096x8xf32, #tpu.memory_space<vmem_shared>>
      tpu.wait_indirect_dma semaphore(%arg12 : memref<!tpu.dma_semaphore, #tpu.memory_space<semaphore_mem>>) src(%dma_wait3A_300 : memref<128x8xf32, #tpu.memory_space<vmem>>) dst(%dma_wait3A_306 : memref<100096x8xf32, #tpu.memory_space<vmem_shared>>)
      %dma_wait3A_307 = arith.constant 5 : i32
      %dma_wait3A_308 = arith.constant 640 : i32
      %dma_wait3A_309 = arith.constant 0 : i32
      %dma_wait3A_310 = tpu.memref_slice %arg9[%dma_wait3A_308, %dma_wait3A_309] : memref<1024x8xf32, #tpu.memory_space<vmem>> -> memref<128x8xf32, #tpu.memory_space<vmem>>
      %dma_wait3A_311 = arith.constant 0 : i32
      %dma_wait3A_312 = tpu.memref_slice %arg8[%dma_wait3A_307, %dma_wait3A_311] : memref<8x128xi32, #tpu.memory_space<vmem>> -> memref<1x128xi32, #tpu.memory_space<vmem>>
      %dma_wait3A_313 = tpu.memref_squeeze %dma_wait3A_312 : memref<1x128xi32, #tpu.memory_space<vmem>> -> memref<128xi32, #tpu.memory_space<vmem>>
      %dma_wait3A_314 = arith.constant 0 : i32
      %dma_wait3A_315 = arith.constant 0 : i32
      %dma_wait3A_316 = tpu.memref_slice %arg10[%dma_wait3A_314, %dma_wait3A_315] : memref<100096x8xf32, #tpu.memory_space<vmem_shared>> -> memref<100096x8xf32, #tpu.memory_space<vmem_shared>>
      tpu.wait_indirect_dma semaphore(%arg12 : memref<!tpu.dma_semaphore, #tpu.memory_space<semaphore_mem>>) src(%dma_wait3A_310 : memref<128x8xf32, #tpu.memory_space<vmem>>) dst(%dma_wait3A_316 : memref<100096x8xf32, #tpu.memory_space<vmem_shared>>)
      %dma_wait3A_317 = arith.constant 6 : i32
      %dma_wait3A_318 = arith.constant 768 : i32
      %dma_wait3A_319 = arith.constant 0 : i32
      %dma_wait3A_320 = tpu.memref_slice %arg9[%dma_wait3A_318, %dma_wait3A_319] : memref<1024x8xf32, #tpu.memory_space<vmem>> -> memref<128x8xf32, #tpu.memory_space<vmem>>
      %dma_wait3A_321 = arith.constant 0 : i32
      %dma_wait3A_322 = tpu.memref_slice %arg8[%dma_wait3A_317, %dma_wait3A_321] : memref<8x128xi32, #tpu.memory_space<vmem>> -> memref<1x128xi32, #tpu.memory_space<vmem>>
      %dma_wait3A_323 = tpu.memref_squeeze %dma_wait3A_322 : memref<1x128xi32, #tpu.memory_space<vmem>> -> memref<128xi32, #tpu.memory_space<vmem>>
      %dma_wait3A_324 = arith.constant 0 : i32
      %dma_wait3A_325 = arith.constant 0 : i32
      %dma_wait3A_326 = tpu.memref_slice %arg10[%dma_wait3A_324, %dma_wait3A_325] : memref<100096x8xf32, #tpu.memory_space<vmem_shared>> -> memref<100096x8xf32, #tpu.memory_space<vmem_shared>>
      tpu.wait_indirect_dma semaphore(%arg12 : memref<!tpu.dma_semaphore, #tpu.memory_space<semaphore_mem>>) src(%dma_wait3A_320 : memref<128x8xf32, #tpu.memory_space<vmem>>) dst(%dma_wait3A_326 : memref<100096x8xf32, #tpu.memory_space<vmem_shared>>)
      %dma_wait3A_327 = arith.constant 7 : i32
      %dma_wait3A_328 = arith.constant 896 : i32
      %dma_wait3A_329 = arith.constant 0 : i32
      %dma_wait3A_330 = tpu.memref_slice %arg9[%dma_wait3A_328, %dma_wait3A_329] : memref<1024x8xf32, #tpu.memory_space<vmem>> -> memref<128x8xf32, #tpu.memory_space<vmem>>
      %dma_wait3A_331 = arith.constant 0 : i32
      %dma_wait3A_332 = tpu.memref_slice %arg8[%dma_wait3A_327, %dma_wait3A_331] : memref<8x128xi32, #tpu.memory_space<vmem>> -> memref<1x128xi32, #tpu.memory_space<vmem>>
      %dma_wait3A_333 = tpu.memref_squeeze %dma_wait3A_332 : memref<1x128xi32, #tpu.memory_space<vmem>> -> memref<128xi32, #tpu.memory_space<vmem>>
      %dma_wait3A_334 = arith.constant 0 : i32
      %dma_wait3A_335 = arith.constant 0 : i32
      %dma_wait3A_336 = tpu.memref_slice %arg10[%dma_wait3A_334, %dma_wait3A_335] : memref<100096x8xf32, #tpu.memory_space<vmem_shared>> -> memref<100096x8xf32, #tpu.memory_space<vmem_shared>>
      tpu.wait_indirect_dma semaphore(%arg12 : memref<!tpu.dma_semaphore, #tpu.memory_space<semaphore_mem>>) src(%dma_wait3A_330 : memref<128x8xf32, #tpu.memory_space<vmem>>) dst(%dma_wait3A_336 : memref<100096x8xf32, #tpu.memory_space<vmem_shared>>)
    }
    %scan3A_9 = arith.constant 49 : i32
    %barrier3A_10 = arith.constant 0 : index
    tpu.barrier barrier_id(%barrier3A_10)
    %mul3A_11 = arith.constant 6256 : i32
    %mul3A_12 = arith.muli %arg1, %mul3A_11 : i32
    %mul3A_13 = arith.constant 6256 : i32
    %mul3A_14 = arith.muli %arg1, %mul3A_13 : i32
    "tpu.region"() ({
      %run_scoped3A = tpu.sem_alloc : memref<!tpu.dma_semaphore, #tpu.memory_space<semaphore_mem>>
      %dma_start3A = arith.constant 0 : i32
      %dma_start3A_15 = tpu.memref_slice %arg6[%arg0, %mul3A_14, %dma_start3A] : memref<2x100096x8xf32, #tpu.memory_space<hbm>> -> memref<1x6256x8xf32, #tpu.memory_space<hbm>>
      %dma_start3A_16 = tpu.memref_squeeze %dma_start3A_15 : memref<1x6256x8xf32, #tpu.memory_space<hbm>> -> memref<6256x8xf32, #tpu.memory_space<hbm>>
      %dma_start3A_17 = arith.constant 0 : i32
      %dma_start3A_18 = tpu.memref_slice %arg10[%mul3A_12, %dma_start3A_17] : memref<100096x8xf32, #tpu.memory_space<vmem_shared>> -> memref<6256x8xf32, #tpu.memory_space<vmem_shared>>
      tpu.enqueue_dma source(%dma_start3A_18 : memref<6256x8xf32, #tpu.memory_space<vmem_shared>>) target(%dma_start3A_16 : memref<6256x8xf32, #tpu.memory_space<hbm>>) target_semaphore(%run_scoped3A : memref<!tpu.dma_semaphore, #tpu.memory_space<semaphore_mem>>)
      %dma_wait3A = arith.constant 0 : i32
      %dma_wait3A_19 = tpu.memref_slice %arg6[%arg0, %mul3A_14, %dma_wait3A] : memref<2x100096x8xf32, #tpu.memory_space<hbm>> -> memref<1x6256x8xf32, #tpu.memory_space<hbm>>
      %dma_wait3A_20 = tpu.memref_squeeze %dma_wait3A_19 : memref<1x6256x8xf32, #tpu.memory_space<hbm>> -> memref<6256x8xf32, #tpu.memory_space<hbm>>
      %dma_wait3A_21 = arith.constant 0 : i32
      %dma_wait3A_22 = tpu.memref_slice %arg10[%mul3A_12, %dma_wait3A_21] : memref<100096x8xf32, #tpu.memory_space<vmem_shared>> -> memref<6256x8xf32, #tpu.memory_space<vmem_shared>>
      tpu.wait_dma2 semaphore(%run_scoped3A : memref<!tpu.dma_semaphore, #tpu.memory_space<semaphore_mem>>) src(%dma_wait3A_22 : memref<6256x8xf32, #tpu.memory_space<vmem_shared>>) dst(%dma_wait3A_20 : memref<6256x8xf32, #tpu.memory_space<hbm>>)
      tpu.yield
    }) : () -> ()
    return
  }
}

#map = affine_map<(d0, d1) -> (0, 0)>
#map1 = affine_map<(d0, d1) -> (0)>
module attributes {stable_mosaic.version = 14 : i64} {
  func.func @seg1(%arg0: i32, %arg1: i32, %arg2: memref<100000x16xf32, #tpu.memory_space<hbm>>, %arg3: memref<100000x16xf32, #tpu.memory_space<hbm>>, %arg4: memref<100000x8xf32, #tpu.memory_space<hbm>>, %arg5: memref<12544x128xi32, #tpu.memory_space<hbm>>, %arg6: memref<12544x128xi32, #tpu.memory_space<hbm>>, %arg7: memref<1024xi32, #tpu.memory_space<hbm>>, %arg8: memref<1024xi32, #tpu.memory_space<hbm>>, %arg9: memref<6256x16xf32, #tpu.memory_space<hbm>>, %arg10: memref<100096x16xf32, #tpu.memory_space<hbm>>, %arg11: memref<100096x16xf32, #tpu.memory_space<hbm>>, %arg12: memref<1024x16xf32, #tpu.memory_space<hbm>>, %arg13: memref<1024x16xf32, #tpu.memory_space<hbm>>, %arg14: memref<1024x16xf32, #tpu.memory_space<hbm>>, %arg15: memref<1024x16xf32, #tpu.memory_space<hbm>>, %arg16: memref<1024x8xf32, #tpu.memory_space<hbm>>, %arg17: memref<8x128xi32, #tpu.memory_space<vmem>>, %arg18: memref<8x128xi32, #tpu.memory_space<vmem>>, %arg19: memref<1024x16xf32, #tpu.memory_space<vmem>>, %arg20: memref<100096x16xf32, #tpu.memory_space<vmem_shared>>, %arg21: memref<64xi32, #tpu.memory_space<vmem>>, %arg22: memref<64x16xf32, #tpu.memory_space<vmem>>, %arg23: memref<64x16xf32, #tpu.memory_space<vmem>>, %arg24: memref<64x8xf32, #tpu.memory_space<vmem>>, %arg25: memref<!tpu.dma_semaphore, #tpu.memory_space<semaphore_mem>>, %arg26: memref<!tpu.dma_semaphore, #tpu.memory_space<semaphore_mem>>) attributes {dimension_semantics = [#tpu.dimension_semantics<core_parallel>, #tpu.dimension_semantics<subcore_parallel>], iteration_bounds = array<i64: 2, 16>, scalar_prefetch = 0 : i64, scratch_operands = 10 : i64, tpu.core_type = #tpu.core_type<sc_vector_subcore>, window_params = [{transform_indices = #map}, {transform_indices = #map}, {transform_indices = #map}, {transform_indices = #map}, {transform_indices = #map}, {transform_indices = #map1}, {transform_indices = #map1}, {transform_indices = #map}, {transform_indices = #map}, {transform_indices = #map}, {transform_indices = #map}, {transform_indices = #map}, {transform_indices = #map}, {transform_indices = #map}, {transform_indices = #map}]} {
    %mul3A = arith.constant 6256 : i32
    %mul3A_0 = arith.muli %arg1, %mul3A : i32
    "tpu.region"() ({
      %run_scoped3A = tpu.sem_alloc : memref<!tpu.dma_semaphore, #tpu.memory_space<semaphore_mem>>
      %dma_start3A = arith.constant 0 : i32
      %dma_start3A_32 = tpu.memref_slice %arg20[%mul3A_0, %dma_start3A] : memref<100096x16xf32, #tpu.memory_space<vmem_shared>> -> memref<6256x16xf32, #tpu.memory_space<vmem_shared>>
      tpu.enqueue_dma source(%arg9 : memref<6256x16xf32, #tpu.memory_space<hbm>>) target(%dma_start3A_32 : memref<6256x16xf32, #tpu.memory_space<vmem_shared>>) target_semaphore(%run_scoped3A : memref<!tpu.dma_semaphore, #tpu.memory_space<semaphore_mem>>)
      %dma_wait3A = arith.constant 0 : i32
      %dma_wait3A_33 = tpu.memref_slice %arg20[%mul3A_0, %dma_wait3A] : memref<100096x16xf32, #tpu.memory_space<vmem_shared>> -> memref<6256x16xf32, #tpu.memory_space<vmem_shared>>
      tpu.wait_dma2 semaphore(%run_scoped3A : memref<!tpu.dma_semaphore, #tpu.memory_space<semaphore_mem>>) src(%arg9 : memref<6256x16xf32, #tpu.memory_space<hbm>>) dst(%dma_wait3A_33 : memref<6256x16xf32, #tpu.memory_space<vmem_shared>>)
      tpu.yield
    }) : () -> ()
    %barrier3A = arith.constant 0 : index
    tpu.barrier barrier_id(%barrier3A)
    %eq3A = arith.constant 0 : i32
    %eq3A_1 = arith.cmpi eq, %arg0, %eq3A : i32
    %convert_element_type3A = arith.extui %eq3A_1 : i1 to i32
    %cond3A = arith.constant 0 : i32
    %cond3A_2 = arith.cmpi ne, %convert_element_type3A, %cond3A : i32
    scf.if %cond3A_2 {
      %mul3A_32 = arith.constant 784 : i32
      %mul3A_33 = arith.muli %arg1, %mul3A_32 : i32
      %scan3A = arith.constant 0 : i32
      %scan3A_34 = arith.constant 0 : i32
      %scan3A_35 = arith.constant 98 : i32
      %scan3A_36 = arith.addi %scan3A_34, %scan3A_35 : i32
      %scan3A_37 = arith.constant 1 : i32
      scf.for %scan3A_39 = %scan3A_34 to %scan3A_36 step %scan3A_37  : i32 {
        %mul3A_40 = arith.constant 8 : i32
        %mul3A_41 = arith.muli %scan3A_39, %mul3A_40 : i32
        %add3A = arith.addi %mul3A_33, %mul3A_41 : i32
        "tpu.region"() ({
          %run_scoped3A = tpu.sem_alloc : memref<!tpu.dma_semaphore, #tpu.memory_space<semaphore_mem>>
          %dma_start3A_360 = arith.constant 0 : i32
          %dma_start3A_361 = tpu.memref_slice %arg5[%add3A, %dma_start3A_360] : memref<12544x128xi32, #tpu.memory_space<hbm>> -> memref<8x128xi32, #tpu.memory_space<hbm>>
          %dma_start3A_362 = arith.constant 0 : i32
          %dma_start3A_363 = tpu.memref_slice %arg5[%add3A, %dma_start3A_362] : memref<12544x128xi32, #tpu.memory_space<hbm>> -> memref<8x128xi32, #tpu.memory_space<hbm>>
          tpu.enqueue_dma source(%dma_start3A_363 : memref<8x128xi32, #tpu.memory_space<hbm>>) target(%arg17 : memref<8x128xi32, #tpu.memory_space<vmem>>) target_semaphore(%run_scoped3A : memref<!tpu.dma_semaphore, #tpu.memory_space<semaphore_mem>>)
          %dma_wait3A_364 = arith.constant 0 : i32
          %dma_wait3A_365 = tpu.memref_slice %arg5[%add3A, %dma_wait3A_364] : memref<12544x128xi32, #tpu.memory_space<hbm>> -> memref<8x128xi32, #tpu.memory_space<hbm>>
          %dma_wait3A_366 = arith.constant 0 : i32
          %dma_wait3A_367 = tpu.memref_slice %arg5[%add3A, %dma_wait3A_366] : memref<12544x128xi32, #tpu.memory_space<hbm>> -> memref<8x128xi32, #tpu.memory_space<hbm>>
          tpu.wait_dma2 semaphore(%run_scoped3A : memref<!tpu.dma_semaphore, #tpu.memory_space<semaphore_mem>>) src(%dma_wait3A_367 : memref<8x128xi32, #tpu.memory_space<hbm>>) dst(%arg17 : memref<8x128xi32, #tpu.memory_space<vmem>>)
          tpu.yield
        }) : () -> ()
        "tpu.region"() ({
          %run_scoped3A = tpu.sem_alloc : memref<!tpu.dma_semaphore, #tpu.memory_space<semaphore_mem>>
          %dma_start3A_360 = arith.constant 0 : i32
          %dma_start3A_361 = tpu.memref_slice %arg6[%add3A, %dma_start3A_360] : memref<12544x128xi32, #tpu.memory_space<hbm>> -> memref<8x128xi32, #tpu.memory_space<hbm>>
          %dma_start3A_362 = arith.constant 0 : i32
          %dma_start3A_363 = tpu.memref_slice %arg6[%add3A, %dma_start3A_362] : memref<12544x128xi32, #tpu.memory_space<hbm>> -> memref<8x128xi32, #tpu.memory_space<hbm>>
          tpu.enqueue_dma source(%dma_start3A_363 : memref<8x128xi32, #tpu.memory_space<hbm>>) target(%arg18 : memref<8x128xi32, #tpu.memory_space<vmem>>) target_semaphore(%run_scoped3A : memref<!tpu.dma_semaphore, #tpu.memory_space<semaphore_mem>>)
          %dma_wait3A_364 = arith.constant 0 : i32
          %dma_wait3A_365 = tpu.memref_slice %arg6[%add3A, %dma_wait3A_364] : memref<12544x128xi32, #tpu.memory_space<hbm>> -> memref<8x128xi32, #tpu.memory_space<hbm>>
          %dma_wait3A_366 = arith.constant 0 : i32
          %dma_wait3A_367 = tpu.memref_slice %arg6[%add3A, %dma_wait3A_366] : memref<12544x128xi32, #tpu.memory_space<hbm>> -> memref<8x128xi32, #tpu.memory_space<hbm>>
          tpu.wait_dma2 semaphore(%run_scoped3A : memref<!tpu.dma_semaphore, #tpu.memory_space<semaphore_mem>>) src(%dma_wait3A_367 : memref<8x128xi32, #tpu.memory_space<hbm>>) dst(%arg18 : memref<8x128xi32, #tpu.memory_space<vmem>>)
          tpu.yield
        }) : () -> ()
        %dma_start3A = arith.constant 0 : i32
        %dma_start3A_42 = arith.constant 0 : i32
        %dma_start3A_43 = arith.constant 0 : i32
        %dma_start3A_44 = tpu.memref_slice %arg19[%dma_start3A_42, %dma_start3A_43] : memref<1024x16xf32, #tpu.memory_space<vmem>> -> memref<128x16xf32, #tpu.memory_space<vmem>>
        %dma_start3A_45 = arith.constant 0 : i32
        %dma_start3A_46 = tpu.memref_slice %arg17[%dma_start3A, %dma_start3A_45] : memref<8x128xi32, #tpu.memory_space<vmem>> -> memref<1x128xi32, #tpu.memory_space<vmem>>
        %dma_start3A_47 = tpu.memref_squeeze %dma_start3A_46 : memref<1x128xi32, #tpu.memory_space<vmem>> -> memref<128xi32, #tpu.memory_space<vmem>>
        %dma_start3A_48 = arith.constant 0 : i32
        %dma_start3A_49 = arith.constant 0 : i32
        %dma_start3A_50 = tpu.memref_slice %arg2[%dma_start3A_48, %dma_start3A_49] : memref<100000x16xf32, #tpu.memory_space<hbm>> -> memref<100000x16xf32, #tpu.memory_space<hbm>>
        tpu.enqueue_indirect_dma source(%dma_start3A_50 : memref<100000x16xf32, #tpu.memory_space<hbm>>) target(%dma_start3A_44 : memref<128x16xf32, #tpu.memory_space<vmem>>) offsets(%dma_start3A_47 : memref<128xi32, #tpu.memory_space<vmem>>) semaphore(%arg25 : memref<!tpu.dma_semaphore, #tpu.memory_space<semaphore_mem>>)
        %dma_start3A_51 = arith.constant 1 : i32
        %dma_start3A_52 = arith.constant 128 : i32
        %dma_start3A_53 = arith.constant 0 : i32
        %dma_start3A_54 = tpu.memref_slice %arg19[%dma_start3A_52, %dma_start3A_53] : memref<1024x16xf32, #tpu.memory_space<vmem>> -> memref<128x16xf32, #tpu.memory_space<vmem>>
        %dma_start3A_55 = arith.constant 0 : i32
        %dma_start3A_56 = tpu.memref_slice %arg17[%dma_start3A_51, %dma_start3A_55] : memref<8x128xi32, #tpu.memory_space<vmem>> -> memref<1x128xi32, #tpu.memory_space<vmem>>
        %dma_start3A_57 = tpu.memref_squeeze %dma_start3A_56 : memref<1x128xi32, #tpu.memory_space<vmem>> -> memref<128xi32, #tpu.memory_space<vmem>>
        %dma_start3A_58 = arith.constant 0 : i32
        %dma_start3A_59 = arith.constant 0 : i32
        %dma_start3A_60 = tpu.memref_slice %arg2[%dma_start3A_58, %dma_start3A_59] : memref<100000x16xf32, #tpu.memory_space<hbm>> -> memref<100000x16xf32, #tpu.memory_space<hbm>>
        tpu.enqueue_indirect_dma source(%dma_start3A_60 : memref<100000x16xf32, #tpu.memory_space<hbm>>) target(%dma_start3A_54 : memref<128x16xf32, #tpu.memory_space<vmem>>) offsets(%dma_start3A_57 : memref<128xi32, #tpu.memory_space<vmem>>) semaphore(%arg25 : memref<!tpu.dma_semaphore, #tpu.memory_space<semaphore_mem>>)
        %dma_start3A_61 = arith.constant 2 : i32
        %dma_start3A_62 = arith.constant 256 : i32
        %dma_start3A_63 = arith.constant 0 : i32
        %dma_start3A_64 = tpu.memref_slice %arg19[%dma_start3A_62, %dma_start3A_63] : memref<1024x16xf32, #tpu.memory_space<vmem>> -> memref<128x16xf32, #tpu.memory_space<vmem>>
        %dma_start3A_65 = arith.constant 0 : i32
        %dma_start3A_66 = tpu.memref_slice %arg17[%dma_start3A_61, %dma_start3A_65] : memref<8x128xi32, #tpu.memory_space<vmem>> -> memref<1x128xi32, #tpu.memory_space<vmem>>
        %dma_start3A_67 = tpu.memref_squeeze %dma_start3A_66 : memref<1x128xi32, #tpu.memory_space<vmem>> -> memref<128xi32, #tpu.memory_space<vmem>>
        %dma_start3A_68 = arith.constant 0 : i32
        %dma_start3A_69 = arith.constant 0 : i32
        %dma_start3A_70 = tpu.memref_slice %arg2[%dma_start3A_68, %dma_start3A_69] : memref<100000x16xf32, #tpu.memory_space<hbm>> -> memref<100000x16xf32, #tpu.memory_space<hbm>>
        tpu.enqueue_indirect_dma source(%dma_start3A_70 : memref<100000x16xf32, #tpu.memory_space<hbm>>) target(%dma_start3A_64 : memref<128x16xf32, #tpu.memory_space<vmem>>) offsets(%dma_start3A_67 : memref<128xi32, #tpu.memory_space<vmem>>) semaphore(%arg25 : memref<!tpu.dma_semaphore, #tpu.memory_space<semaphore_mem>>)
        %dma_start3A_71 = arith.constant 3 : i32
        %dma_start3A_72 = arith.constant 384 : i32
        %dma_start3A_73 = arith.constant 0 : i32
        %dma_start3A_74 = tpu.memref_slice %arg19[%dma_start3A_72, %dma_start3A_73] : memref<1024x16xf32, #tpu.memory_space<vmem>> -> memref<128x16xf32, #tpu.memory_space<vmem>>
        %dma_start3A_75 = arith.constant 0 : i32
        %dma_start3A_76 = tpu.memref_slice %arg17[%dma_start3A_71, %dma_start3A_75] : memref<8x128xi32, #tpu.memory_space<vmem>> -> memref<1x128xi32, #tpu.memory_space<vmem>>
        %dma_start3A_77 = tpu.memref_squeeze %dma_start3A_76 : memref<1x128xi32, #tpu.memory_space<vmem>> -> memref<128xi32, #tpu.memory_space<vmem>>
        %dma_start3A_78 = arith.constant 0 : i32
        %dma_start3A_79 = arith.constant 0 : i32
        %dma_start3A_80 = tpu.memref_slice %arg2[%dma_start3A_78, %dma_start3A_79] : memref<100000x16xf32, #tpu.memory_space<hbm>> -> memref<100000x16xf32, #tpu.memory_space<hbm>>
        tpu.enqueue_indirect_dma source(%dma_start3A_80 : memref<100000x16xf32, #tpu.memory_space<hbm>>) target(%dma_start3A_74 : memref<128x16xf32, #tpu.memory_space<vmem>>) offsets(%dma_start3A_77 : memref<128xi32, #tpu.memory_space<vmem>>) semaphore(%arg25 : memref<!tpu.dma_semaphore, #tpu.memory_space<semaphore_mem>>)
        %dma_start3A_81 = arith.constant 4 : i32
        %dma_start3A_82 = arith.constant 512 : i32
        %dma_start3A_83 = arith.constant 0 : i32
        %dma_start3A_84 = tpu.memref_slice %arg19[%dma_start3A_82, %dma_start3A_83] : memref<1024x16xf32, #tpu.memory_space<vmem>> -> memref<128x16xf32, #tpu.memory_space<vmem>>
        %dma_start3A_85 = arith.constant 0 : i32
        %dma_start3A_86 = tpu.memref_slice %arg17[%dma_start3A_81, %dma_start3A_85] : memref<8x128xi32, #tpu.memory_space<vmem>> -> memref<1x128xi32, #tpu.memory_space<vmem>>
        %dma_start3A_87 = tpu.memref_squeeze %dma_start3A_86 : memref<1x128xi32, #tpu.memory_space<vmem>> -> memref<128xi32, #tpu.memory_space<vmem>>
        %dma_start3A_88 = arith.constant 0 : i32
        %dma_start3A_89 = arith.constant 0 : i32
        %dma_start3A_90 = tpu.memref_slice %arg2[%dma_start3A_88, %dma_start3A_89] : memref<100000x16xf32, #tpu.memory_space<hbm>> -> memref<100000x16xf32, #tpu.memory_space<hbm>>
        tpu.enqueue_indirect_dma source(%dma_start3A_90 : memref<100000x16xf32, #tpu.memory_space<hbm>>) target(%dma_start3A_84 : memref<128x16xf32, #tpu.memory_space<vmem>>) offsets(%dma_start3A_87 : memref<128xi32, #tpu.memory_space<vmem>>) semaphore(%arg25 : memref<!tpu.dma_semaphore, #tpu.memory_space<semaphore_mem>>)
        %dma_start3A_91 = arith.constant 5 : i32
        %dma_start3A_92 = arith.constant 640 : i32
        %dma_start3A_93 = arith.constant 0 : i32
        %dma_start3A_94 = tpu.memref_slice %arg19[%dma_start3A_92, %dma_start3A_93] : memref<1024x16xf32, #tpu.memory_space<vmem>> -> memref<128x16xf32, #tpu.memory_space<vmem>>
        %dma_start3A_95 = arith.constant 0 : i32
        %dma_start3A_96 = tpu.memref_slice %arg17[%dma_start3A_91, %dma_start3A_95] : memref<8x128xi32, #tpu.memory_space<vmem>> -> memref<1x128xi32, #tpu.memory_space<vmem>>
        %dma_start3A_97 = tpu.memref_squeeze %dma_start3A_96 : memref<1x128xi32, #tpu.memory_space<vmem>> -> memref<128xi32, #tpu.memory_space<vmem>>
        %dma_start3A_98 = arith.constant 0 : i32
        %dma_start3A_99 = arith.constant 0 : i32
        %dma_start3A_100 = tpu.memref_slice %arg2[%dma_start3A_98, %dma_start3A_99] : memref<100000x16xf32, #tpu.memory_space<hbm>> -> memref<100000x16xf32, #tpu.memory_space<hbm>>
        tpu.enqueue_indirect_dma source(%dma_start3A_100 : memref<100000x16xf32, #tpu.memory_space<hbm>>) target(%dma_start3A_94 : memref<128x16xf32, #tpu.memory_space<vmem>>) offsets(%dma_start3A_97 : memref<128xi32, #tpu.memory_space<vmem>>) semaphore(%arg25 : memref<!tpu.dma_semaphore, #tpu.memory_space<semaphore_mem>>)
        %dma_start3A_101 = arith.constant 6 : i32
        %dma_start3A_102 = arith.constant 768 : i32
        %dma_start3A_103 = arith.constant 0 : i32
        %dma_start3A_104 = tpu.memref_slice %arg19[%dma_start3A_102, %dma_start3A_103] : memref<1024x16xf32, #tpu.memory_space<vmem>> -> memref<128x16xf32, #tpu.memory_space<vmem>>
        %dma_start3A_105 = arith.constant 0 : i32
        %dma_start3A_106 = tpu.memref_slice %arg17[%dma_start3A_101, %dma_start3A_105] : memref<8x128xi32, #tpu.memory_space<vmem>> -> memref<1x128xi32, #tpu.memory_space<vmem>>
        %dma_start3A_107 = tpu.memref_squeeze %dma_start3A_106 : memref<1x128xi32, #tpu.memory_space<vmem>> -> memref<128xi32, #tpu.memory_space<vmem>>
        %dma_start3A_108 = arith.constant 0 : i32
        %dma_start3A_109 = arith.constant 0 : i32
        %dma_start3A_110 = tpu.memref_slice %arg2[%dma_start3A_108, %dma_start3A_109] : memref<100000x16xf32, #tpu.memory_space<hbm>> -> memref<100000x16xf32, #tpu.memory_space<hbm>>
        tpu.enqueue_indirect_dma source(%dma_start3A_110 : memref<100000x16xf32, #tpu.memory_space<hbm>>) target(%dma_start3A_104 : memref<128x16xf32, #tpu.memory_space<vmem>>) offsets(%dma_start3A_107 : memref<128xi32, #tpu.memory_space<vmem>>) semaphore(%arg25 : memref<!tpu.dma_semaphore, #tpu.memory_space<semaphore_mem>>)
        %dma_start3A_111 = arith.constant 7 : i32
        %dma_start3A_112 = arith.constant 896 : i32
        %dma_start3A_113 = arith.constant 0 : i32
        %dma_start3A_114 = tpu.memref_slice %arg19[%dma_start3A_112, %dma_start3A_113] : memref<1024x16xf32, #tpu.memory_space<vmem>> -> memref<128x16xf32, #tpu.memory_space<vmem>>
        %dma_start3A_115 = arith.constant 0 : i32
        %dma_start3A_116 = tpu.memref_slice %arg17[%dma_start3A_111, %dma_start3A_115] : memref<8x128xi32, #tpu.memory_space<vmem>> -> memref<1x128xi32, #tpu.memory_space<vmem>>
        %dma_start3A_117 = tpu.memref_squeeze %dma_start3A_116 : memref<1x128xi32, #tpu.memory_space<vmem>> -> memref<128xi32, #tpu.memory_space<vmem>>
        %dma_start3A_118 = arith.constant 0 : i32
        %dma_start3A_119 = arith.constant 0 : i32
        %dma_start3A_120 = tpu.memref_slice %arg2[%dma_start3A_118, %dma_start3A_119] : memref<100000x16xf32, #tpu.memory_space<hbm>> -> memref<100000x16xf32, #tpu.memory_space<hbm>>
        tpu.enqueue_indirect_dma source(%dma_start3A_120 : memref<100000x16xf32, #tpu.memory_space<hbm>>) target(%dma_start3A_114 : memref<128x16xf32, #tpu.memory_space<vmem>>) offsets(%dma_start3A_117 : memref<128xi32, #tpu.memory_space<vmem>>) semaphore(%arg25 : memref<!tpu.dma_semaphore, #tpu.memory_space<semaphore_mem>>)
        %dma_wait3A = arith.constant 0 : i32
        %dma_wait3A_121 = arith.constant 0 : i32
        %dma_wait3A_122 = arith.constant 0 : i32
        %dma_wait3A_123 = tpu.memref_slice %arg19[%dma_wait3A_121, %dma_wait3A_122] : memref<1024x16xf32, #tpu.memory_space<vmem>> -> memref<128x16xf32, #tpu.memory_space<vmem>>
        %dma_wait3A_124 = arith.constant 0 : i32
        %dma_wait3A_125 = tpu.memref_slice %arg17[%dma_wait3A, %dma_wait3A_124] : memref<8x128xi32, #tpu.memory_space<vmem>> -> memref<1x128xi32, #tpu.memory_space<vmem>>
        %dma_wait3A_126 = tpu.memref_squeeze %dma_wait3A_125 : memref<1x128xi32, #tpu.memory_space<vmem>> -> memref<128xi32, #tpu.memory_space<vmem>>
        %dma_wait3A_127 = arith.constant 0 : i32
        %dma_wait3A_128 = arith.constant 0 : i32
        %dma_wait3A_129 = tpu.memref_slice %arg2[%dma_wait3A_127, %dma_wait3A_128] : memref<100000x16xf32, #tpu.memory_space<hbm>> -> memref<100000x16xf32, #tpu.memory_space<hbm>>
        tpu.wait_indirect_dma semaphore(%arg25 : memref<!tpu.dma_semaphore, #tpu.memory_space<semaphore_mem>>) src(%dma_wait3A_129 : memref<100000x16xf32, #tpu.memory_space<hbm>>) dst(%dma_wait3A_123 : memref<128x16xf32, #tpu.memory_space<vmem>>)
        %dma_wait3A_130 = arith.constant 1 : i32
        %dma_wait3A_131 = arith.constant 128 : i32
        %dma_wait3A_132 = arith.constant 0 : i32
        %dma_wait3A_133 = tpu.memref_slice %arg19[%dma_wait3A_131, %dma_wait3A_132] : memref<1024x16xf32, #tpu.memory_space<vmem>> -> memref<128x16xf32, #tpu.memory_space<vmem>>
        %dma_wait3A_134 = arith.constant 0 : i32
        %dma_wait3A_135 = tpu.memref_slice %arg17[%dma_wait3A_130, %dma_wait3A_134] : memref<8x128xi32, #tpu.memory_space<vmem>> -> memref<1x128xi32, #tpu.memory_space<vmem>>
        %dma_wait3A_136 = tpu.memref_squeeze %dma_wait3A_135 : memref<1x128xi32, #tpu.memory_space<vmem>> -> memref<128xi32, #tpu.memory_space<vmem>>
        %dma_wait3A_137 = arith.constant 0 : i32
        %dma_wait3A_138 = arith.constant 0 : i32
        %dma_wait3A_139 = tpu.memref_slice %arg2[%dma_wait3A_137, %dma_wait3A_138] : memref<100000x16xf32, #tpu.memory_space<hbm>> -> memref<100000x16xf32, #tpu.memory_space<hbm>>
        tpu.wait_indirect_dma semaphore(%arg25 : memref<!tpu.dma_semaphore, #tpu.memory_space<semaphore_mem>>) src(%dma_wait3A_139 : memref<100000x16xf32, #tpu.memory_space<hbm>>) dst(%dma_wait3A_133 : memref<128x16xf32, #tpu.memory_space<vmem>>)
        %dma_wait3A_140 = arith.constant 2 : i32
        %dma_wait3A_141 = arith.constant 256 : i32
        %dma_wait3A_142 = arith.constant 0 : i32
        %dma_wait3A_143 = tpu.memref_slice %arg19[%dma_wait3A_141, %dma_wait3A_142] : memref<1024x16xf32, #tpu.memory_space<vmem>> -> memref<128x16xf32, #tpu.memory_space<vmem>>
        %dma_wait3A_144 = arith.constant 0 : i32
        %dma_wait3A_145 = tpu.memref_slice %arg17[%dma_wait3A_140, %dma_wait3A_144] : memref<8x128xi32, #tpu.memory_space<vmem>> -> memref<1x128xi32, #tpu.memory_space<vmem>>
        %dma_wait3A_146 = tpu.memref_squeeze %dma_wait3A_145 : memref<1x128xi32, #tpu.memory_space<vmem>> -> memref<128xi32, #tpu.memory_space<vmem>>
        %dma_wait3A_147 = arith.constant 0 : i32
        %dma_wait3A_148 = arith.constant 0 : i32
        %dma_wait3A_149 = tpu.memref_slice %arg2[%dma_wait3A_147, %dma_wait3A_148] : memref<100000x16xf32, #tpu.memory_space<hbm>> -> memref<100000x16xf32, #tpu.memory_space<hbm>>
        tpu.wait_indirect_dma semaphore(%arg25 : memref<!tpu.dma_semaphore, #tpu.memory_space<semaphore_mem>>) src(%dma_wait3A_149 : memref<100000x16xf32, #tpu.memory_space<hbm>>) dst(%dma_wait3A_143 : memref<128x16xf32, #tpu.memory_space<vmem>>)
        %dma_wait3A_150 = arith.constant 3 : i32
        %dma_wait3A_151 = arith.constant 384 : i32
        %dma_wait3A_152 = arith.constant 0 : i32
        %dma_wait3A_153 = tpu.memref_slice %arg19[%dma_wait3A_151, %dma_wait3A_152] : memref<1024x16xf32, #tpu.memory_space<vmem>> -> memref<128x16xf32, #tpu.memory_space<vmem>>
        %dma_wait3A_154 = arith.constant 0 : i32
        %dma_wait3A_155 = tpu.memref_slice %arg17[%dma_wait3A_150, %dma_wait3A_154] : memref<8x128xi32, #tpu.memory_space<vmem>> -> memref<1x128xi32, #tpu.memory_space<vmem>>
        %dma_wait3A_156 = tpu.memref_squeeze %dma_wait3A_155 : memref<1x128xi32, #tpu.memory_space<vmem>> -> memref<128xi32, #tpu.memory_space<vmem>>
        %dma_wait3A_157 = arith.constant 0 : i32
        %dma_wait3A_158 = arith.constant 0 : i32
        %dma_wait3A_159 = tpu.memref_slice %arg2[%dma_wait3A_157, %dma_wait3A_158] : memref<100000x16xf32, #tpu.memory_space<hbm>> -> memref<100000x16xf32, #tpu.memory_space<hbm>>
        tpu.wait_indirect_dma semaphore(%arg25 : memref<!tpu.dma_semaphore, #tpu.memory_space<semaphore_mem>>) src(%dma_wait3A_159 : memref<100000x16xf32, #tpu.memory_space<hbm>>) dst(%dma_wait3A_153 : memref<128x16xf32, #tpu.memory_space<vmem>>)
        %dma_wait3A_160 = arith.constant 4 : i32
        %dma_wait3A_161 = arith.constant 512 : i32
        %dma_wait3A_162 = arith.constant 0 : i32
        %dma_wait3A_163 = tpu.memref_slice %arg19[%dma_wait3A_161, %dma_wait3A_162] : memref<1024x16xf32, #tpu.memory_space<vmem>> -> memref<128x16xf32, #tpu.memory_space<vmem>>
        %dma_wait3A_164 = arith.constant 0 : i32
        %dma_wait3A_165 = tpu.memref_slice %arg17[%dma_wait3A_160, %dma_wait3A_164] : memref<8x128xi32, #tpu.memory_space<vmem>> -> memref<1x128xi32, #tpu.memory_space<vmem>>
        %dma_wait3A_166 = tpu.memref_squeeze %dma_wait3A_165 : memref<1x128xi32, #tpu.memory_space<vmem>> -> memref<128xi32, #tpu.memory_space<vmem>>
        %dma_wait3A_167 = arith.constant 0 : i32
        %dma_wait3A_168 = arith.constant 0 : i32
        %dma_wait3A_169 = tpu.memref_slice %arg2[%dma_wait3A_167, %dma_wait3A_168] : memref<100000x16xf32, #tpu.memory_space<hbm>> -> memref<100000x16xf32, #tpu.memory_space<hbm>>
        tpu.wait_indirect_dma semaphore(%arg25 : memref<!tpu.dma_semaphore, #tpu.memory_space<semaphore_mem>>) src(%dma_wait3A_169 : memref<100000x16xf32, #tpu.memory_space<hbm>>) dst(%dma_wait3A_163 : memref<128x16xf32, #tpu.memory_space<vmem>>)
        %dma_wait3A_170 = arith.constant 5 : i32
        %dma_wait3A_171 = arith.constant 640 : i32
        %dma_wait3A_172 = arith.constant 0 : i32
        %dma_wait3A_173 = tpu.memref_slice %arg19[%dma_wait3A_171, %dma_wait3A_172] : memref<1024x16xf32, #tpu.memory_space<vmem>> -> memref<128x16xf32, #tpu.memory_space<vmem>>
        %dma_wait3A_174 = arith.constant 0 : i32
        %dma_wait3A_175 = tpu.memref_slice %arg17[%dma_wait3A_170, %dma_wait3A_174] : memref<8x128xi32, #tpu.memory_space<vmem>> -> memref<1x128xi32, #tpu.memory_space<vmem>>
        %dma_wait3A_176 = tpu.memref_squeeze %dma_wait3A_175 : memref<1x128xi32, #tpu.memory_space<vmem>> -> memref<128xi32, #tpu.memory_space<vmem>>
        %dma_wait3A_177 = arith.constant 0 : i32
        %dma_wait3A_178 = arith.constant 0 : i32
        %dma_wait3A_179 = tpu.memref_slice %arg2[%dma_wait3A_177, %dma_wait3A_178] : memref<100000x16xf32, #tpu.memory_space<hbm>> -> memref<100000x16xf32, #tpu.memory_space<hbm>>
        tpu.wait_indirect_dma semaphore(%arg25 : memref<!tpu.dma_semaphore, #tpu.memory_space<semaphore_mem>>) src(%dma_wait3A_179 : memref<100000x16xf32, #tpu.memory_space<hbm>>) dst(%dma_wait3A_173 : memref<128x16xf32, #tpu.memory_space<vmem>>)
        %dma_wait3A_180 = arith.constant 6 : i32
        %dma_wait3A_181 = arith.constant 768 : i32
        %dma_wait3A_182 = arith.constant 0 : i32
        %dma_wait3A_183 = tpu.memref_slice %arg19[%dma_wait3A_181, %dma_wait3A_182] : memref<1024x16xf32, #tpu.memory_space<vmem>> -> memref<128x16xf32, #tpu.memory_space<vmem>>
        %dma_wait3A_184 = arith.constant 0 : i32
        %dma_wait3A_185 = tpu.memref_slice %arg17[%dma_wait3A_180, %dma_wait3A_184] : memref<8x128xi32, #tpu.memory_space<vmem>> -> memref<1x128xi32, #tpu.memory_space<vmem>>
        %dma_wait3A_186 = tpu.memref_squeeze %dma_wait3A_185 : memref<1x128xi32, #tpu.memory_space<vmem>> -> memref<128xi32, #tpu.memory_space<vmem>>
        %dma_wait3A_187 = arith.constant 0 : i32
        %dma_wait3A_188 = arith.constant 0 : i32
        %dma_wait3A_189 = tpu.memref_slice %arg2[%dma_wait3A_187, %dma_wait3A_188] : memref<100000x16xf32, #tpu.memory_space<hbm>> -> memref<100000x16xf32, #tpu.memory_space<hbm>>
        tpu.wait_indirect_dma semaphore(%arg25 : memref<!tpu.dma_semaphore, #tpu.memory_space<semaphore_mem>>) src(%dma_wait3A_189 : memref<100000x16xf32, #tpu.memory_space<hbm>>) dst(%dma_wait3A_183 : memref<128x16xf32, #tpu.memory_space<vmem>>)
        %dma_wait3A_190 = arith.constant 7 : i32
        %dma_wait3A_191 = arith.constant 896 : i32
        %dma_wait3A_192 = arith.constant 0 : i32
        %dma_wait3A_193 = tpu.memref_slice %arg19[%dma_wait3A_191, %dma_wait3A_192] : memref<1024x16xf32, #tpu.memory_space<vmem>> -> memref<128x16xf32, #tpu.memory_space<vmem>>
        %dma_wait3A_194 = arith.constant 0 : i32
        %dma_wait3A_195 = tpu.memref_slice %arg17[%dma_wait3A_190, %dma_wait3A_194] : memref<8x128xi32, #tpu.memory_space<vmem>> -> memref<1x128xi32, #tpu.memory_space<vmem>>
        %dma_wait3A_196 = tpu.memref_squeeze %dma_wait3A_195 : memref<1x128xi32, #tpu.memory_space<vmem>> -> memref<128xi32, #tpu.memory_space<vmem>>
        %dma_wait3A_197 = arith.constant 0 : i32
        %dma_wait3A_198 = arith.constant 0 : i32
        %dma_wait3A_199 = tpu.memref_slice %arg2[%dma_wait3A_197, %dma_wait3A_198] : memref<100000x16xf32, #tpu.memory_space<hbm>> -> memref<100000x16xf32, #tpu.memory_space<hbm>>
        tpu.wait_indirect_dma semaphore(%arg25 : memref<!tpu.dma_semaphore, #tpu.memory_space<semaphore_mem>>) src(%dma_wait3A_199 : memref<100000x16xf32, #tpu.memory_space<hbm>>) dst(%dma_wait3A_193 : memref<128x16xf32, #tpu.memory_space<vmem>>)
        %dma_start3A_200 = arith.constant 0 : i32
        %dma_start3A_201 = arith.constant 0 : i32
        %dma_start3A_202 = arith.constant 0 : i32
        %dma_start3A_203 = tpu.memref_slice %arg19[%dma_start3A_201, %dma_start3A_202] : memref<1024x16xf32, #tpu.memory_space<vmem>> -> memref<128x16xf32, #tpu.memory_space<vmem>>
        %dma_start3A_204 = arith.constant 0 : i32
        %dma_start3A_205 = tpu.memref_slice %arg18[%dma_start3A_200, %dma_start3A_204] : memref<8x128xi32, #tpu.memory_space<vmem>> -> memref<1x128xi32, #tpu.memory_space<vmem>>
        %dma_start3A_206 = tpu.memref_squeeze %dma_start3A_205 : memref<1x128xi32, #tpu.memory_space<vmem>> -> memref<128xi32, #tpu.memory_space<vmem>>
        %dma_start3A_207 = arith.constant 0 : i32
        %dma_start3A_208 = arith.constant 0 : i32
        %dma_start3A_209 = tpu.memref_slice %arg20[%dma_start3A_207, %dma_start3A_208] : memref<100096x16xf32, #tpu.memory_space<vmem_shared>> -> memref<100096x16xf32, #tpu.memory_space<vmem_shared>>
        tpu.enqueue_indirect_dma source(%dma_start3A_203 : memref<128x16xf32, #tpu.memory_space<vmem>>) target(%dma_start3A_209 : memref<100096x16xf32, #tpu.memory_space<vmem_shared>>) offsets(%dma_start3A_206 : memref<128xi32, #tpu.memory_space<vmem>>) semaphore(%arg26 : memref<!tpu.dma_semaphore, #tpu.memory_space<semaphore_mem>>) {add = true}
        %dma_start3A_210 = arith.constant 1 : i32
        %dma_start3A_211 = arith.constant 128 : i32
        %dma_start3A_212 = arith.constant 0 : i32
        %dma_start3A_213 = tpu.memref_slice %arg19[%dma_start3A_211, %dma_start3A_212] : memref<1024x16xf32, #tpu.memory_space<vmem>> -> memref<128x16xf32, #tpu.memory_space<vmem>>
        %dma_start3A_214 = arith.constant 0 : i32
        %dma_start3A_215 = tpu.memref_slice %arg18[%dma_start3A_210, %dma_start3A_214] : memref<8x128xi32, #tpu.memory_space<vmem>> -> memref<1x128xi32, #tpu.memory_space<vmem>>
        %dma_start3A_216 = tpu.memref_squeeze %dma_start3A_215 : memref<1x128xi32, #tpu.memory_space<vmem>> -> memref<128xi32, #tpu.memory_space<vmem>>
        %dma_start3A_217 = arith.constant 0 : i32
        %dma_start3A_218 = arith.constant 0 : i32
        %dma_start3A_219 = tpu.memref_slice %arg20[%dma_start3A_217, %dma_start3A_218] : memref<100096x16xf32, #tpu.memory_space<vmem_shared>> -> memref<100096x16xf32, #tpu.memory_space<vmem_shared>>
        tpu.enqueue_indirect_dma source(%dma_start3A_213 : memref<128x16xf32, #tpu.memory_space<vmem>>) target(%dma_start3A_219 : memref<100096x16xf32, #tpu.memory_space<vmem_shared>>) offsets(%dma_start3A_216 : memref<128xi32, #tpu.memory_space<vmem>>) semaphore(%arg26 : memref<!tpu.dma_semaphore, #tpu.memory_space<semaphore_mem>>) {add = true}
        %dma_start3A_220 = arith.constant 2 : i32
        %dma_start3A_221 = arith.constant 256 : i32
        %dma_start3A_222 = arith.constant 0 : i32
        %dma_start3A_223 = tpu.memref_slice %arg19[%dma_start3A_221, %dma_start3A_222] : memref<1024x16xf32, #tpu.memory_space<vmem>> -> memref<128x16xf32, #tpu.memory_space<vmem>>
        %dma_start3A_224 = arith.constant 0 : i32
        %dma_start3A_225 = tpu.memref_slice %arg18[%dma_start3A_220, %dma_start3A_224] : memref<8x128xi32, #tpu.memory_space<vmem>> -> memref<1x128xi32, #tpu.memory_space<vmem>>
        %dma_start3A_226 = tpu.memref_squeeze %dma_start3A_225 : memref<1x128xi32, #tpu.memory_space<vmem>> -> memref<128xi32, #tpu.memory_space<vmem>>
        %dma_start3A_227 = arith.constant 0 : i32
        %dma_start3A_228 = arith.constant 0 : i32
        %dma_start3A_229 = tpu.memref_slice %arg20[%dma_start3A_227, %dma_start3A_228] : memref<100096x16xf32, #tpu.memory_space<vmem_shared>> -> memref<100096x16xf32, #tpu.memory_space<vmem_shared>>
        tpu.enqueue_indirect_dma source(%dma_start3A_223 : memref<128x16xf32, #tpu.memory_space<vmem>>) target(%dma_start3A_229 : memref<100096x16xf32, #tpu.memory_space<vmem_shared>>) offsets(%dma_start3A_226 : memref<128xi32, #tpu.memory_space<vmem>>) semaphore(%arg26 : memref<!tpu.dma_semaphore, #tpu.memory_space<semaphore_mem>>) {add = true}
        %dma_start3A_230 = arith.constant 3 : i32
        %dma_start3A_231 = arith.constant 384 : i32
        %dma_start3A_232 = arith.constant 0 : i32
        %dma_start3A_233 = tpu.memref_slice %arg19[%dma_start3A_231, %dma_start3A_232] : memref<1024x16xf32, #tpu.memory_space<vmem>> -> memref<128x16xf32, #tpu.memory_space<vmem>>
        %dma_start3A_234 = arith.constant 0 : i32
        %dma_start3A_235 = tpu.memref_slice %arg18[%dma_start3A_230, %dma_start3A_234] : memref<8x128xi32, #tpu.memory_space<vmem>> -> memref<1x128xi32, #tpu.memory_space<vmem>>
        %dma_start3A_236 = tpu.memref_squeeze %dma_start3A_235 : memref<1x128xi32, #tpu.memory_space<vmem>> -> memref<128xi32, #tpu.memory_space<vmem>>
        %dma_start3A_237 = arith.constant 0 : i32
        %dma_start3A_238 = arith.constant 0 : i32
        %dma_start3A_239 = tpu.memref_slice %arg20[%dma_start3A_237, %dma_start3A_238] : memref<100096x16xf32, #tpu.memory_space<vmem_shared>> -> memref<100096x16xf32, #tpu.memory_space<vmem_shared>>
        tpu.enqueue_indirect_dma source(%dma_start3A_233 : memref<128x16xf32, #tpu.memory_space<vmem>>) target(%dma_start3A_239 : memref<100096x16xf32, #tpu.memory_space<vmem_shared>>) offsets(%dma_start3A_236 : memref<128xi32, #tpu.memory_space<vmem>>) semaphore(%arg26 : memref<!tpu.dma_semaphore, #tpu.memory_space<semaphore_mem>>) {add = true}
        %dma_start3A_240 = arith.constant 4 : i32
        %dma_start3A_241 = arith.constant 512 : i32
        %dma_start3A_242 = arith.constant 0 : i32
        %dma_start3A_243 = tpu.memref_slice %arg19[%dma_start3A_241, %dma_start3A_242] : memref<1024x16xf32, #tpu.memory_space<vmem>> -> memref<128x16xf32, #tpu.memory_space<vmem>>
        %dma_start3A_244 = arith.constant 0 : i32
        %dma_start3A_245 = tpu.memref_slice %arg18[%dma_start3A_240, %dma_start3A_244] : memref<8x128xi32, #tpu.memory_space<vmem>> -> memref<1x128xi32, #tpu.memory_space<vmem>>
        %dma_start3A_246 = tpu.memref_squeeze %dma_start3A_245 : memref<1x128xi32, #tpu.memory_space<vmem>> -> memref<128xi32, #tpu.memory_space<vmem>>
        %dma_start3A_247 = arith.constant 0 : i32
        %dma_start3A_248 = arith.constant 0 : i32
        %dma_start3A_249 = tpu.memref_slice %arg20[%dma_start3A_247, %dma_start3A_248] : memref<100096x16xf32, #tpu.memory_space<vmem_shared>> -> memref<100096x16xf32, #tpu.memory_space<vmem_shared>>
        tpu.enqueue_indirect_dma source(%dma_start3A_243 : memref<128x16xf32, #tpu.memory_space<vmem>>) target(%dma_start3A_249 : memref<100096x16xf32, #tpu.memory_space<vmem_shared>>) offsets(%dma_start3A_246 : memref<128xi32, #tpu.memory_space<vmem>>) semaphore(%arg26 : memref<!tpu.dma_semaphore, #tpu.memory_space<semaphore_mem>>) {add = true}
        %dma_start3A_250 = arith.constant 5 : i32
        %dma_start3A_251 = arith.constant 640 : i32
        %dma_start3A_252 = arith.constant 0 : i32
        %dma_start3A_253 = tpu.memref_slice %arg19[%dma_start3A_251, %dma_start3A_252] : memref<1024x16xf32, #tpu.memory_space<vmem>> -> memref<128x16xf32, #tpu.memory_space<vmem>>
        %dma_start3A_254 = arith.constant 0 : i32
        %dma_start3A_255 = tpu.memref_slice %arg18[%dma_start3A_250, %dma_start3A_254] : memref<8x128xi32, #tpu.memory_space<vmem>> -> memref<1x128xi32, #tpu.memory_space<vmem>>
        %dma_start3A_256 = tpu.memref_squeeze %dma_start3A_255 : memref<1x128xi32, #tpu.memory_space<vmem>> -> memref<128xi32, #tpu.memory_space<vmem>>
        %dma_start3A_257 = arith.constant 0 : i32
        %dma_start3A_258 = arith.constant 0 : i32
        %dma_start3A_259 = tpu.memref_slice %arg20[%dma_start3A_257, %dma_start3A_258] : memref<100096x16xf32, #tpu.memory_space<vmem_shared>> -> memref<100096x16xf32, #tpu.memory_space<vmem_shared>>
        tpu.enqueue_indirect_dma source(%dma_start3A_253 : memref<128x16xf32, #tpu.memory_space<vmem>>) target(%dma_start3A_259 : memref<100096x16xf32, #tpu.memory_space<vmem_shared>>) offsets(%dma_start3A_256 : memref<128xi32, #tpu.memory_space<vmem>>) semaphore(%arg26 : memref<!tpu.dma_semaphore, #tpu.memory_space<semaphore_mem>>) {add = true}
        %dma_start3A_260 = arith.constant 6 : i32
        %dma_start3A_261 = arith.constant 768 : i32
        %dma_start3A_262 = arith.constant 0 : i32
        %dma_start3A_263 = tpu.memref_slice %arg19[%dma_start3A_261, %dma_start3A_262] : memref<1024x16xf32, #tpu.memory_space<vmem>> -> memref<128x16xf32, #tpu.memory_space<vmem>>
        %dma_start3A_264 = arith.constant 0 : i32
        %dma_start3A_265 = tpu.memref_slice %arg18[%dma_start3A_260, %dma_start3A_264] : memref<8x128xi32, #tpu.memory_space<vmem>> -> memref<1x128xi32, #tpu.memory_space<vmem>>
        %dma_start3A_266 = tpu.memref_squeeze %dma_start3A_265 : memref<1x128xi32, #tpu.memory_space<vmem>> -> memref<128xi32, #tpu.memory_space<vmem>>
        %dma_start3A_267 = arith.constant 0 : i32
        %dma_start3A_268 = arith.constant 0 : i32
        %dma_start3A_269 = tpu.memref_slice %arg20[%dma_start3A_267, %dma_start3A_268] : memref<100096x16xf32, #tpu.memory_space<vmem_shared>> -> memref<100096x16xf32, #tpu.memory_space<vmem_shared>>
        tpu.enqueue_indirect_dma source(%dma_start3A_263 : memref<128x16xf32, #tpu.memory_space<vmem>>) target(%dma_start3A_269 : memref<100096x16xf32, #tpu.memory_space<vmem_shared>>) offsets(%dma_start3A_266 : memref<128xi32, #tpu.memory_space<vmem>>) semaphore(%arg26 : memref<!tpu.dma_semaphore, #tpu.memory_space<semaphore_mem>>) {add = true}
        %dma_start3A_270 = arith.constant 7 : i32
        %dma_start3A_271 = arith.constant 896 : i32
        %dma_start3A_272 = arith.constant 0 : i32
        %dma_start3A_273 = tpu.memref_slice %arg19[%dma_start3A_271, %dma_start3A_272] : memref<1024x16xf32, #tpu.memory_space<vmem>> -> memref<128x16xf32, #tpu.memory_space<vmem>>
        %dma_start3A_274 = arith.constant 0 : i32
        %dma_start3A_275 = tpu.memref_slice %arg18[%dma_start3A_270, %dma_start3A_274] : memref<8x128xi32, #tpu.memory_space<vmem>> -> memref<1x128xi32, #tpu.memory_space<vmem>>
        %dma_start3A_276 = tpu.memref_squeeze %dma_start3A_275 : memref<1x128xi32, #tpu.memory_space<vmem>> -> memref<128xi32, #tpu.memory_space<vmem>>
        %dma_start3A_277 = arith.constant 0 : i32
        %dma_start3A_278 = arith.constant 0 : i32
        %dma_start3A_279 = tpu.memref_slice %arg20[%dma_start3A_277, %dma_start3A_278] : memref<100096x16xf32, #tpu.memory_space<vmem_shared>> -> memref<100096x16xf32, #tpu.memory_space<vmem_shared>>
        tpu.enqueue_indirect_dma source(%dma_start3A_273 : memref<128x16xf32, #tpu.memory_space<vmem>>) target(%dma_start3A_279 : memref<100096x16xf32, #tpu.memory_space<vmem_shared>>) offsets(%dma_start3A_276 : memref<128xi32, #tpu.memory_space<vmem>>) semaphore(%arg26 : memref<!tpu.dma_semaphore, #tpu.memory_space<semaphore_mem>>) {add = true}
        %dma_wait3A_280 = arith.constant 0 : i32
        %dma_wait3A_281 = arith.constant 0 : i32
        %dma_wait3A_282 = arith.constant 0 : i32
        %dma_wait3A_283 = tpu.memref_slice %arg19[%dma_wait3A_281, %dma_wait3A_282] : memref<1024x16xf32, #tpu.memory_space<vmem>> -> memref<128x16xf32, #tpu.memory_space<vmem>>
        %dma_wait3A_284 = arith.constant 0 : i32
        %dma_wait3A_285 = tpu.memref_slice %arg18[%dma_wait3A_280, %dma_wait3A_284] : memref<8x128xi32, #tpu.memory_space<vmem>> -> memref<1x128xi32, #tpu.memory_space<vmem>>
        %dma_wait3A_286 = tpu.memref_squeeze %dma_wait3A_285 : memref<1x128xi32, #tpu.memory_space<vmem>> -> memref<128xi32, #tpu.memory_space<vmem>>
        %dma_wait3A_287 = arith.constant 0 : i32
        %dma_wait3A_288 = arith.constant 0 : i32
        %dma_wait3A_289 = tpu.memref_slice %arg20[%dma_wait3A_287, %dma_wait3A_288] : memref<100096x16xf32, #tpu.memory_space<vmem_shared>> -> memref<100096x16xf32, #tpu.memory_space<vmem_shared>>
        tpu.wait_indirect_dma semaphore(%arg26 : memref<!tpu.dma_semaphore, #tpu.memory_space<semaphore_mem>>) src(%dma_wait3A_283 : memref<128x16xf32, #tpu.memory_space<vmem>>) dst(%dma_wait3A_289 : memref<100096x16xf32, #tpu.memory_space<vmem_shared>>)
        %dma_wait3A_290 = arith.constant 1 : i32
        %dma_wait3A_291 = arith.constant 128 : i32
        %dma_wait3A_292 = arith.constant 0 : i32
        %dma_wait3A_293 = tpu.memref_slice %arg19[%dma_wait3A_291, %dma_wait3A_292] : memref<1024x16xf32, #tpu.memory_space<vmem>> -> memref<128x16xf32, #tpu.memory_space<vmem>>
        %dma_wait3A_294 = arith.constant 0 : i32
        %dma_wait3A_295 = tpu.memref_slice %arg18[%dma_wait3A_290, %dma_wait3A_294] : memref<8x128xi32, #tpu.memory_space<vmem>> -> memref<1x128xi32, #tpu.memory_space<vmem>>
        %dma_wait3A_296 = tpu.memref_squeeze %dma_wait3A_295 : memref<1x128xi32, #tpu.memory_space<vmem>> -> memref<128xi32, #tpu.memory_space<vmem>>
        %dma_wait3A_297 = arith.constant 0 : i32
        %dma_wait3A_298 = arith.constant 0 : i32
        %dma_wait3A_299 = tpu.memref_slice %arg20[%dma_wait3A_297, %dma_wait3A_298] : memref<100096x16xf32, #tpu.memory_space<vmem_shared>> -> memref<100096x16xf32, #tpu.memory_space<vmem_shared>>
        tpu.wait_indirect_dma semaphore(%arg26 : memref<!tpu.dma_semaphore, #tpu.memory_space<semaphore_mem>>) src(%dma_wait3A_293 : memref<128x16xf32, #tpu.memory_space<vmem>>) dst(%dma_wait3A_299 : memref<100096x16xf32, #tpu.memory_space<vmem_shared>>)
        %dma_wait3A_300 = arith.constant 2 : i32
        %dma_wait3A_301 = arith.constant 256 : i32
        %dma_wait3A_302 = arith.constant 0 : i32
        %dma_wait3A_303 = tpu.memref_slice %arg19[%dma_wait3A_301, %dma_wait3A_302] : memref<1024x16xf32, #tpu.memory_space<vmem>> -> memref<128x16xf32, #tpu.memory_space<vmem>>
        %dma_wait3A_304 = arith.constant 0 : i32
        %dma_wait3A_305 = tpu.memref_slice %arg18[%dma_wait3A_300, %dma_wait3A_304] : memref<8x128xi32, #tpu.memory_space<vmem>> -> memref<1x128xi32, #tpu.memory_space<vmem>>
        %dma_wait3A_306 = tpu.memref_squeeze %dma_wait3A_305 : memref<1x128xi32, #tpu.memory_space<vmem>> -> memref<128xi32, #tpu.memory_space<vmem>>
        %dma_wait3A_307 = arith.constant 0 : i32
        %dma_wait3A_308 = arith.constant 0 : i32
        %dma_wait3A_309 = tpu.memref_slice %arg20[%dma_wait3A_307, %dma_wait3A_308] : memref<100096x16xf32, #tpu.memory_space<vmem_shared>> -> memref<100096x16xf32, #tpu.memory_space<vmem_shared>>
        tpu.wait_indirect_dma semaphore(%arg26 : memref<!tpu.dma_semaphore, #tpu.memory_space<semaphore_mem>>) src(%dma_wait3A_303 : memref<128x16xf32, #tpu.memory_space<vmem>>) dst(%dma_wait3A_309 : memref<100096x16xf32, #tpu.memory_space<vmem_shared>>)
        %dma_wait3A_310 = arith.constant 3 : i32
        %dma_wait3A_311 = arith.constant 384 : i32
        %dma_wait3A_312 = arith.constant 0 : i32
        %dma_wait3A_313 = tpu.memref_slice %arg19[%dma_wait3A_311, %dma_wait3A_312] : memref<1024x16xf32, #tpu.memory_space<vmem>> -> memref<128x16xf32, #tpu.memory_space<vmem>>
        %dma_wait3A_314 = arith.constant 0 : i32
        %dma_wait3A_315 = tpu.memref_slice %arg18[%dma_wait3A_310, %dma_wait3A_314] : memref<8x128xi32, #tpu.memory_space<vmem>> -> memref<1x128xi32, #tpu.memory_space<vmem>>
        %dma_wait3A_316 = tpu.memref_squeeze %dma_wait3A_315 : memref<1x128xi32, #tpu.memory_space<vmem>> -> memref<128xi32, #tpu.memory_space<vmem>>
        %dma_wait3A_317 = arith.constant 0 : i32
        %dma_wait3A_318 = arith.constant 0 : i32
        %dma_wait3A_319 = tpu.memref_slice %arg20[%dma_wait3A_317, %dma_wait3A_318] : memref<100096x16xf32, #tpu.memory_space<vmem_shared>> -> memref<100096x16xf32, #tpu.memory_space<vmem_shared>>
        tpu.wait_indirect_dma semaphore(%arg26 : memref<!tpu.dma_semaphore, #tpu.memory_space<semaphore_mem>>) src(%dma_wait3A_313 : memref<128x16xf32, #tpu.memory_space<vmem>>) dst(%dma_wait3A_319 : memref<100096x16xf32, #tpu.memory_space<vmem_shared>>)
        %dma_wait3A_320 = arith.constant 4 : i32
        %dma_wait3A_321 = arith.constant 512 : i32
        %dma_wait3A_322 = arith.constant 0 : i32
        %dma_wait3A_323 = tpu.memref_slice %arg19[%dma_wait3A_321, %dma_wait3A_322] : memref<1024x16xf32, #tpu.memory_space<vmem>> -> memref<128x16xf32, #tpu.memory_space<vmem>>
        %dma_wait3A_324 = arith.constant 0 : i32
        %dma_wait3A_325 = tpu.memref_slice %arg18[%dma_wait3A_320, %dma_wait3A_324] : memref<8x128xi32, #tpu.memory_space<vmem>> -> memref<1x128xi32, #tpu.memory_space<vmem>>
        %dma_wait3A_326 = tpu.memref_squeeze %dma_wait3A_325 : memref<1x128xi32, #tpu.memory_space<vmem>> -> memref<128xi32, #tpu.memory_space<vmem>>
        %dma_wait3A_327 = arith.constant 0 : i32
        %dma_wait3A_328 = arith.constant 0 : i32
        %dma_wait3A_329 = tpu.memref_slice %arg20[%dma_wait3A_327, %dma_wait3A_328] : memref<100096x16xf32, #tpu.memory_space<vmem_shared>> -> memref<100096x16xf32, #tpu.memory_space<vmem_shared>>
        tpu.wait_indirect_dma semaphore(%arg26 : memref<!tpu.dma_semaphore, #tpu.memory_space<semaphore_mem>>) src(%dma_wait3A_323 : memref<128x16xf32, #tpu.memory_space<vmem>>) dst(%dma_wait3A_329 : memref<100096x16xf32, #tpu.memory_space<vmem_shared>>)
        %dma_wait3A_330 = arith.constant 5 : i32
        %dma_wait3A_331 = arith.constant 640 : i32
        %dma_wait3A_332 = arith.constant 0 : i32
        %dma_wait3A_333 = tpu.memref_slice %arg19[%dma_wait3A_331, %dma_wait3A_332] : memref<1024x16xf32, #tpu.memory_space<vmem>> -> memref<128x16xf32, #tpu.memory_space<vmem>>
        %dma_wait3A_334 = arith.constant 0 : i32
        %dma_wait3A_335 = tpu.memref_slice %arg18[%dma_wait3A_330, %dma_wait3A_334] : memref<8x128xi32, #tpu.memory_space<vmem>> -> memref<1x128xi32, #tpu.memory_space<vmem>>
        %dma_wait3A_336 = tpu.memref_squeeze %dma_wait3A_335 : memref<1x128xi32, #tpu.memory_space<vmem>> -> memref<128xi32, #tpu.memory_space<vmem>>
        %dma_wait3A_337 = arith.constant 0 : i32
        %dma_wait3A_338 = arith.constant 0 : i32
        %dma_wait3A_339 = tpu.memref_slice %arg20[%dma_wait3A_337, %dma_wait3A_338] : memref<100096x16xf32, #tpu.memory_space<vmem_shared>> -> memref<100096x16xf32, #tpu.memory_space<vmem_shared>>
        tpu.wait_indirect_dma semaphore(%arg26 : memref<!tpu.dma_semaphore, #tpu.memory_space<semaphore_mem>>) src(%dma_wait3A_333 : memref<128x16xf32, #tpu.memory_space<vmem>>) dst(%dma_wait3A_339 : memref<100096x16xf32, #tpu.memory_space<vmem_shared>>)
        %dma_wait3A_340 = arith.constant 6 : i32
        %dma_wait3A_341 = arith.constant 768 : i32
        %dma_wait3A_342 = arith.constant 0 : i32
        %dma_wait3A_343 = tpu.memref_slice %arg19[%dma_wait3A_341, %dma_wait3A_342] : memref<1024x16xf32, #tpu.memory_space<vmem>> -> memref<128x16xf32, #tpu.memory_space<vmem>>
        %dma_wait3A_344 = arith.constant 0 : i32
        %dma_wait3A_345 = tpu.memref_slice %arg18[%dma_wait3A_340, %dma_wait3A_344] : memref<8x128xi32, #tpu.memory_space<vmem>> -> memref<1x128xi32, #tpu.memory_space<vmem>>
        %dma_wait3A_346 = tpu.memref_squeeze %dma_wait3A_345 : memref<1x128xi32, #tpu.memory_space<vmem>> -> memref<128xi32, #tpu.memory_space<vmem>>
        %dma_wait3A_347 = arith.constant 0 : i32
        %dma_wait3A_348 = arith.constant 0 : i32
        %dma_wait3A_349 = tpu.memref_slice %arg20[%dma_wait3A_347, %dma_wait3A_348] : memref<100096x16xf32, #tpu.memory_space<vmem_shared>> -> memref<100096x16xf32, #tpu.memory_space<vmem_shared>>
        tpu.wait_indirect_dma semaphore(%arg26 : memref<!tpu.dma_semaphore, #tpu.memory_space<semaphore_mem>>) src(%dma_wait3A_343 : memref<128x16xf32, #tpu.memory_space<vmem>>) dst(%dma_wait3A_349 : memref<100096x16xf32, #tpu.memory_space<vmem_shared>>)
        %dma_wait3A_350 = arith.constant 7 : i32
        %dma_wait3A_351 = arith.constant 896 : i32
        %dma_wait3A_352 = arith.constant 0 : i32
        %dma_wait3A_353 = tpu.memref_slice %arg19[%dma_wait3A_351, %dma_wait3A_352] : memref<1024x16xf32, #tpu.memory_space<vmem>> -> memref<128x16xf32, #tpu.memory_space<vmem>>
        %dma_wait3A_354 = arith.constant 0 : i32
        %dma_wait3A_355 = tpu.memref_slice %arg18[%dma_wait3A_350, %dma_wait3A_354] : memref<8x128xi32, #tpu.memory_space<vmem>> -> memref<1x128xi32, #tpu.memory_space<vmem>>
        %dma_wait3A_356 = tpu.memref_squeeze %dma_wait3A_355 : memref<1x128xi32, #tpu.memory_space<vmem>> -> memref<128xi32, #tpu.memory_space<vmem>>
        %dma_wait3A_357 = arith.constant 0 : i32
        %dma_wait3A_358 = arith.constant 0 : i32
        %dma_wait3A_359 = tpu.memref_slice %arg20[%dma_wait3A_357, %dma_wait3A_358] : memref<100096x16xf32, #tpu.memory_space<vmem_shared>> -> memref<100096x16xf32, #tpu.memory_space<vmem_shared>>
        tpu.wait_indirect_dma semaphore(%arg26 : memref<!tpu.dma_semaphore, #tpu.memory_space<semaphore_mem>>) src(%dma_wait3A_353 : memref<128x16xf32, #tpu.memory_space<vmem>>) dst(%dma_wait3A_359 : memref<100096x16xf32, #tpu.memory_space<vmem_shared>>)
      }
      %scan3A_38 = arith.constant 98 : i32
    } else {
    }
    %eq3A_3 = arith.constant 1 : i32
    %eq3A_4 = arith.cmpi eq, %arg0, %eq3A_3 : i32
    %convert_element_type3A_5 = arith.extui %eq3A_4 : i1 to i32
    %cond3A_6 = arith.constant 0 : i32
    %cond3A_7 = arith.cmpi ne, %convert_element_type3A_5, %cond3A_6 : i32
    scf.if %cond3A_7 {
      %mul3A_32 = arith.constant 784 : i32
      %mul3A_33 = arith.muli %arg1, %mul3A_32 : i32
      %scan3A = arith.constant 0 : i32
      %scan3A_34 = arith.constant 0 : i32
      %scan3A_35 = arith.constant 98 : i32
      %scan3A_36 = arith.addi %scan3A_34, %scan3A_35 : i32
      %scan3A_37 = arith.constant 1 : i32
      scf.for %scan3A_39 = %scan3A_34 to %scan3A_36 step %scan3A_37  : i32 {
        %mul3A_40 = arith.constant 8 : i32
        %mul3A_41 = arith.muli %scan3A_39, %mul3A_40 : i32
        %add3A = arith.addi %mul3A_33, %mul3A_41 : i32
        "tpu.region"() ({
          %run_scoped3A = tpu.sem_alloc : memref<!tpu.dma_semaphore, #tpu.memory_space<semaphore_mem>>
          %dma_start3A_360 = arith.constant 0 : i32
          %dma_start3A_361 = tpu.memref_slice %arg5[%add3A, %dma_start3A_360] : memref<12544x128xi32, #tpu.memory_space<hbm>> -> memref<8x128xi32, #tpu.memory_space<hbm>>
          %dma_start3A_362 = arith.constant 0 : i32
          %dma_start3A_363 = tpu.memref_slice %arg5[%add3A, %dma_start3A_362] : memref<12544x128xi32, #tpu.memory_space<hbm>> -> memref<8x128xi32, #tpu.memory_space<hbm>>
          tpu.enqueue_dma source(%dma_start3A_363 : memref<8x128xi32, #tpu.memory_space<hbm>>) target(%arg17 : memref<8x128xi32, #tpu.memory_space<vmem>>) target_semaphore(%run_scoped3A : memref<!tpu.dma_semaphore, #tpu.memory_space<semaphore_mem>>)
          %dma_wait3A_364 = arith.constant 0 : i32
          %dma_wait3A_365 = tpu.memref_slice %arg5[%add3A, %dma_wait3A_364] : memref<12544x128xi32, #tpu.memory_space<hbm>> -> memref<8x128xi32, #tpu.memory_space<hbm>>
          %dma_wait3A_366 = arith.constant 0 : i32
          %dma_wait3A_367 = tpu.memref_slice %arg5[%add3A, %dma_wait3A_366] : memref<12544x128xi32, #tpu.memory_space<hbm>> -> memref<8x128xi32, #tpu.memory_space<hbm>>
          tpu.wait_dma2 semaphore(%run_scoped3A : memref<!tpu.dma_semaphore, #tpu.memory_space<semaphore_mem>>) src(%dma_wait3A_367 : memref<8x128xi32, #tpu.memory_space<hbm>>) dst(%arg17 : memref<8x128xi32, #tpu.memory_space<vmem>>)
          tpu.yield
        }) : () -> ()
        "tpu.region"() ({
          %run_scoped3A = tpu.sem_alloc : memref<!tpu.dma_semaphore, #tpu.memory_space<semaphore_mem>>
          %dma_start3A_360 = arith.constant 0 : i32
          %dma_start3A_361 = tpu.memref_slice %arg6[%add3A, %dma_start3A_360] : memref<12544x128xi32, #tpu.memory_space<hbm>> -> memref<8x128xi32, #tpu.memory_space<hbm>>
          %dma_start3A_362 = arith.constant 0 : i32
          %dma_start3A_363 = tpu.memref_slice %arg6[%add3A, %dma_start3A_362] : memref<12544x128xi32, #tpu.memory_space<hbm>> -> memref<8x128xi32, #tpu.memory_space<hbm>>
          tpu.enqueue_dma source(%dma_start3A_363 : memref<8x128xi32, #tpu.memory_space<hbm>>) target(%arg18 : memref<8x128xi32, #tpu.memory_space<vmem>>) target_semaphore(%run_scoped3A : memref<!tpu.dma_semaphore, #tpu.memory_space<semaphore_mem>>)
          %dma_wait3A_364 = arith.constant 0 : i32
          %dma_wait3A_365 = tpu.memref_slice %arg6[%add3A, %dma_wait3A_364] : memref<12544x128xi32, #tpu.memory_space<hbm>> -> memref<8x128xi32, #tpu.memory_space<hbm>>
          %dma_wait3A_366 = arith.constant 0 : i32
          %dma_wait3A_367 = tpu.memref_slice %arg6[%add3A, %dma_wait3A_366] : memref<12544x128xi32, #tpu.memory_space<hbm>> -> memref<8x128xi32, #tpu.memory_space<hbm>>
          tpu.wait_dma2 semaphore(%run_scoped3A : memref<!tpu.dma_semaphore, #tpu.memory_space<semaphore_mem>>) src(%dma_wait3A_367 : memref<8x128xi32, #tpu.memory_space<hbm>>) dst(%arg18 : memref<8x128xi32, #tpu.memory_space<vmem>>)
          tpu.yield
        }) : () -> ()
        %dma_start3A = arith.constant 0 : i32
        %dma_start3A_42 = arith.constant 0 : i32
        %dma_start3A_43 = arith.constant 0 : i32
        %dma_start3A_44 = tpu.memref_slice %arg19[%dma_start3A_42, %dma_start3A_43] : memref<1024x16xf32, #tpu.memory_space<vmem>> -> memref<128x16xf32, #tpu.memory_space<vmem>>
        %dma_start3A_45 = arith.constant 0 : i32
        %dma_start3A_46 = tpu.memref_slice %arg17[%dma_start3A, %dma_start3A_45] : memref<8x128xi32, #tpu.memory_space<vmem>> -> memref<1x128xi32, #tpu.memory_space<vmem>>
        %dma_start3A_47 = tpu.memref_squeeze %dma_start3A_46 : memref<1x128xi32, #tpu.memory_space<vmem>> -> memref<128xi32, #tpu.memory_space<vmem>>
        %dma_start3A_48 = arith.constant 0 : i32
        %dma_start3A_49 = arith.constant 0 : i32
        %dma_start3A_50 = tpu.memref_slice %arg3[%dma_start3A_48, %dma_start3A_49] : memref<100000x16xf32, #tpu.memory_space<hbm>> -> memref<100000x16xf32, #tpu.memory_space<hbm>>
        tpu.enqueue_indirect_dma source(%dma_start3A_50 : memref<100000x16xf32, #tpu.memory_space<hbm>>) target(%dma_start3A_44 : memref<128x16xf32, #tpu.memory_space<vmem>>) offsets(%dma_start3A_47 : memref<128xi32, #tpu.memory_space<vmem>>) semaphore(%arg25 : memref<!tpu.dma_semaphore, #tpu.memory_space<semaphore_mem>>)
        %dma_start3A_51 = arith.constant 1 : i32
        %dma_start3A_52 = arith.constant 128 : i32
        %dma_start3A_53 = arith.constant 0 : i32
        %dma_start3A_54 = tpu.memref_slice %arg19[%dma_start3A_52, %dma_start3A_53] : memref<1024x16xf32, #tpu.memory_space<vmem>> -> memref<128x16xf32, #tpu.memory_space<vmem>>
        %dma_start3A_55 = arith.constant 0 : i32
        %dma_start3A_56 = tpu.memref_slice %arg17[%dma_start3A_51, %dma_start3A_55] : memref<8x128xi32, #tpu.memory_space<vmem>> -> memref<1x128xi32, #tpu.memory_space<vmem>>
        %dma_start3A_57 = tpu.memref_squeeze %dma_start3A_56 : memref<1x128xi32, #tpu.memory_space<vmem>> -> memref<128xi32, #tpu.memory_space<vmem>>
        %dma_start3A_58 = arith.constant 0 : i32
        %dma_start3A_59 = arith.constant 0 : i32
        %dma_start3A_60 = tpu.memref_slice %arg3[%dma_start3A_58, %dma_start3A_59] : memref<100000x16xf32, #tpu.memory_space<hbm>> -> memref<100000x16xf32, #tpu.memory_space<hbm>>
        tpu.enqueue_indirect_dma source(%dma_start3A_60 : memref<100000x16xf32, #tpu.memory_space<hbm>>) target(%dma_start3A_54 : memref<128x16xf32, #tpu.memory_space<vmem>>) offsets(%dma_start3A_57 : memref<128xi32, #tpu.memory_space<vmem>>) semaphore(%arg25 : memref<!tpu.dma_semaphore, #tpu.memory_space<semaphore_mem>>)
        %dma_start3A_61 = arith.constant 2 : i32
        %dma_start3A_62 = arith.constant 256 : i32
        %dma_start3A_63 = arith.constant 0 : i32
        %dma_start3A_64 = tpu.memref_slice %arg19[%dma_start3A_62, %dma_start3A_63] : memref<1024x16xf32, #tpu.memory_space<vmem>> -> memref<128x16xf32, #tpu.memory_space<vmem>>
        %dma_start3A_65 = arith.constant 0 : i32
        %dma_start3A_66 = tpu.memref_slice %arg17[%dma_start3A_61, %dma_start3A_65] : memref<8x128xi32, #tpu.memory_space<vmem>> -> memref<1x128xi32, #tpu.memory_space<vmem>>
        %dma_start3A_67 = tpu.memref_squeeze %dma_start3A_66 : memref<1x128xi32, #tpu.memory_space<vmem>> -> memref<128xi32, #tpu.memory_space<vmem>>
        %dma_start3A_68 = arith.constant 0 : i32
        %dma_start3A_69 = arith.constant 0 : i32
        %dma_start3A_70 = tpu.memref_slice %arg3[%dma_start3A_68, %dma_start3A_69] : memref<100000x16xf32, #tpu.memory_space<hbm>> -> memref<100000x16xf32, #tpu.memory_space<hbm>>
        tpu.enqueue_indirect_dma source(%dma_start3A_70 : memref<100000x16xf32, #tpu.memory_space<hbm>>) target(%dma_start3A_64 : memref<128x16xf32, #tpu.memory_space<vmem>>) offsets(%dma_start3A_67 : memref<128xi32, #tpu.memory_space<vmem>>) semaphore(%arg25 : memref<!tpu.dma_semaphore, #tpu.memory_space<semaphore_mem>>)
        %dma_start3A_71 = arith.constant 3 : i32
        %dma_start3A_72 = arith.constant 384 : i32
        %dma_start3A_73 = arith.constant 0 : i32
        %dma_start3A_74 = tpu.memref_slice %arg19[%dma_start3A_72, %dma_start3A_73] : memref<1024x16xf32, #tpu.memory_space<vmem>> -> memref<128x16xf32, #tpu.memory_space<vmem>>
        %dma_start3A_75 = arith.constant 0 : i32
        %dma_start3A_76 = tpu.memref_slice %arg17[%dma_start3A_71, %dma_start3A_75] : memref<8x128xi32, #tpu.memory_space<vmem>> -> memref<1x128xi32, #tpu.memory_space<vmem>>
        %dma_start3A_77 = tpu.memref_squeeze %dma_start3A_76 : memref<1x128xi32, #tpu.memory_space<vmem>> -> memref<128xi32, #tpu.memory_space<vmem>>
        %dma_start3A_78 = arith.constant 0 : i32
        %dma_start3A_79 = arith.constant 0 : i32
        %dma_start3A_80 = tpu.memref_slice %arg3[%dma_start3A_78, %dma_start3A_79] : memref<100000x16xf32, #tpu.memory_space<hbm>> -> memref<100000x16xf32, #tpu.memory_space<hbm>>
        tpu.enqueue_indirect_dma source(%dma_start3A_80 : memref<100000x16xf32, #tpu.memory_space<hbm>>) target(%dma_start3A_74 : memref<128x16xf32, #tpu.memory_space<vmem>>) offsets(%dma_start3A_77 : memref<128xi32, #tpu.memory_space<vmem>>) semaphore(%arg25 : memref<!tpu.dma_semaphore, #tpu.memory_space<semaphore_mem>>)
        %dma_start3A_81 = arith.constant 4 : i32
        %dma_start3A_82 = arith.constant 512 : i32
        %dma_start3A_83 = arith.constant 0 : i32
        %dma_start3A_84 = tpu.memref_slice %arg19[%dma_start3A_82, %dma_start3A_83] : memref<1024x16xf32, #tpu.memory_space<vmem>> -> memref<128x16xf32, #tpu.memory_space<vmem>>
        %dma_start3A_85 = arith.constant 0 : i32
        %dma_start3A_86 = tpu.memref_slice %arg17[%dma_start3A_81, %dma_start3A_85] : memref<8x128xi32, #tpu.memory_space<vmem>> -> memref<1x128xi32, #tpu.memory_space<vmem>>
        %dma_start3A_87 = tpu.memref_squeeze %dma_start3A_86 : memref<1x128xi32, #tpu.memory_space<vmem>> -> memref<128xi32, #tpu.memory_space<vmem>>
        %dma_start3A_88 = arith.constant 0 : i32
        %dma_start3A_89 = arith.constant 0 : i32
        %dma_start3A_90 = tpu.memref_slice %arg3[%dma_start3A_88, %dma_start3A_89] : memref<100000x16xf32, #tpu.memory_space<hbm>> -> memref<100000x16xf32, #tpu.memory_space<hbm>>
        tpu.enqueue_indirect_dma source(%dma_start3A_90 : memref<100000x16xf32, #tpu.memory_space<hbm>>) target(%dma_start3A_84 : memref<128x16xf32, #tpu.memory_space<vmem>>) offsets(%dma_start3A_87 : memref<128xi32, #tpu.memory_space<vmem>>) semaphore(%arg25 : memref<!tpu.dma_semaphore, #tpu.memory_space<semaphore_mem>>)
        %dma_start3A_91 = arith.constant 5 : i32
        %dma_start3A_92 = arith.constant 640 : i32
        %dma_start3A_93 = arith.constant 0 : i32
        %dma_start3A_94 = tpu.memref_slice %arg19[%dma_start3A_92, %dma_start3A_93] : memref<1024x16xf32, #tpu.memory_space<vmem>> -> memref<128x16xf32, #tpu.memory_space<vmem>>
        %dma_start3A_95 = arith.constant 0 : i32
        %dma_start3A_96 = tpu.memref_slice %arg17[%dma_start3A_91, %dma_start3A_95] : memref<8x128xi32, #tpu.memory_space<vmem>> -> memref<1x128xi32, #tpu.memory_space<vmem>>
        %dma_start3A_97 = tpu.memref_squeeze %dma_start3A_96 : memref<1x128xi32, #tpu.memory_space<vmem>> -> memref<128xi32, #tpu.memory_space<vmem>>
        %dma_start3A_98 = arith.constant 0 : i32
        %dma_start3A_99 = arith.constant 0 : i32
        %dma_start3A_100 = tpu.memref_slice %arg3[%dma_start3A_98, %dma_start3A_99] : memref<100000x16xf32, #tpu.memory_space<hbm>> -> memref<100000x16xf32, #tpu.memory_space<hbm>>
        tpu.enqueue_indirect_dma source(%dma_start3A_100 : memref<100000x16xf32, #tpu.memory_space<hbm>>) target(%dma_start3A_94 : memref<128x16xf32, #tpu.memory_space<vmem>>) offsets(%dma_start3A_97 : memref<128xi32, #tpu.memory_space<vmem>>) semaphore(%arg25 : memref<!tpu.dma_semaphore, #tpu.memory_space<semaphore_mem>>)
        %dma_start3A_101 = arith.constant 6 : i32
        %dma_start3A_102 = arith.constant 768 : i32
        %dma_start3A_103 = arith.constant 0 : i32
        %dma_start3A_104 = tpu.memref_slice %arg19[%dma_start3A_102, %dma_start3A_103] : memref<1024x16xf32, #tpu.memory_space<vmem>> -> memref<128x16xf32, #tpu.memory_space<vmem>>
        %dma_start3A_105 = arith.constant 0 : i32
        %dma_start3A_106 = tpu.memref_slice %arg17[%dma_start3A_101, %dma_start3A_105] : memref<8x128xi32, #tpu.memory_space<vmem>> -> memref<1x128xi32, #tpu.memory_space<vmem>>
        %dma_start3A_107 = tpu.memref_squeeze %dma_start3A_106 : memref<1x128xi32, #tpu.memory_space<vmem>> -> memref<128xi32, #tpu.memory_space<vmem>>
        %dma_start3A_108 = arith.constant 0 : i32
        %dma_start3A_109 = arith.constant 0 : i32
        %dma_start3A_110 = tpu.memref_slice %arg3[%dma_start3A_108, %dma_start3A_109] : memref<100000x16xf32, #tpu.memory_space<hbm>> -> memref<100000x16xf32, #tpu.memory_space<hbm>>
        tpu.enqueue_indirect_dma source(%dma_start3A_110 : memref<100000x16xf32, #tpu.memory_space<hbm>>) target(%dma_start3A_104 : memref<128x16xf32, #tpu.memory_space<vmem>>) offsets(%dma_start3A_107 : memref<128xi32, #tpu.memory_space<vmem>>) semaphore(%arg25 : memref<!tpu.dma_semaphore, #tpu.memory_space<semaphore_mem>>)
        %dma_start3A_111 = arith.constant 7 : i32
        %dma_start3A_112 = arith.constant 896 : i32
        %dma_start3A_113 = arith.constant 0 : i32
        %dma_start3A_114 = tpu.memref_slice %arg19[%dma_start3A_112, %dma_start3A_113] : memref<1024x16xf32, #tpu.memory_space<vmem>> -> memref<128x16xf32, #tpu.memory_space<vmem>>
        %dma_start3A_115 = arith.constant 0 : i32
        %dma_start3A_116 = tpu.memref_slice %arg17[%dma_start3A_111, %dma_start3A_115] : memref<8x128xi32, #tpu.memory_space<vmem>> -> memref<1x128xi32, #tpu.memory_space<vmem>>
        %dma_start3A_117 = tpu.memref_squeeze %dma_start3A_116 : memref<1x128xi32, #tpu.memory_space<vmem>> -> memref<128xi32, #tpu.memory_space<vmem>>
        %dma_start3A_118 = arith.constant 0 : i32
        %dma_start3A_119 = arith.constant 0 : i32
        %dma_start3A_120 = tpu.memref_slice %arg3[%dma_start3A_118, %dma_start3A_119] : memref<100000x16xf32, #tpu.memory_space<hbm>> -> memref<100000x16xf32, #tpu.memory_space<hbm>>
        tpu.enqueue_indirect_dma source(%dma_start3A_120 : memref<100000x16xf32, #tpu.memory_space<hbm>>) target(%dma_start3A_114 : memref<128x16xf32, #tpu.memory_space<vmem>>) offsets(%dma_start3A_117 : memref<128xi32, #tpu.memory_space<vmem>>) semaphore(%arg25 : memref<!tpu.dma_semaphore, #tpu.memory_space<semaphore_mem>>)
        %dma_wait3A = arith.constant 0 : i32
        %dma_wait3A_121 = arith.constant 0 : i32
        %dma_wait3A_122 = arith.constant 0 : i32
        %dma_wait3A_123 = tpu.memref_slice %arg19[%dma_wait3A_121, %dma_wait3A_122] : memref<1024x16xf32, #tpu.memory_space<vmem>> -> memref<128x16xf32, #tpu.memory_space<vmem>>
        %dma_wait3A_124 = arith.constant 0 : i32
        %dma_wait3A_125 = tpu.memref_slice %arg17[%dma_wait3A, %dma_wait3A_124] : memref<8x128xi32, #tpu.memory_space<vmem>> -> memref<1x128xi32, #tpu.memory_space<vmem>>
        %dma_wait3A_126 = tpu.memref_squeeze %dma_wait3A_125 : memref<1x128xi32, #tpu.memory_space<vmem>> -> memref<128xi32, #tpu.memory_space<vmem>>
        %dma_wait3A_127 = arith.constant 0 : i32
        %dma_wait3A_128 = arith.constant 0 : i32
        %dma_wait3A_129 = tpu.memref_slice %arg3[%dma_wait3A_127, %dma_wait3A_128] : memref<100000x16xf32, #tpu.memory_space<hbm>> -> memref<100000x16xf32, #tpu.memory_space<hbm>>
        tpu.wait_indirect_dma semaphore(%arg25 : memref<!tpu.dma_semaphore, #tpu.memory_space<semaphore_mem>>) src(%dma_wait3A_129 : memref<100000x16xf32, #tpu.memory_space<hbm>>) dst(%dma_wait3A_123 : memref<128x16xf32, #tpu.memory_space<vmem>>)
        %dma_wait3A_130 = arith.constant 1 : i32
        %dma_wait3A_131 = arith.constant 128 : i32
        %dma_wait3A_132 = arith.constant 0 : i32
        %dma_wait3A_133 = tpu.memref_slice %arg19[%dma_wait3A_131, %dma_wait3A_132] : memref<1024x16xf32, #tpu.memory_space<vmem>> -> memref<128x16xf32, #tpu.memory_space<vmem>>
        %dma_wait3A_134 = arith.constant 0 : i32
        %dma_wait3A_135 = tpu.memref_slice %arg17[%dma_wait3A_130, %dma_wait3A_134] : memref<8x128xi32, #tpu.memory_space<vmem>> -> memref<1x128xi32, #tpu.memory_space<vmem>>
        %dma_wait3A_136 = tpu.memref_squeeze %dma_wait3A_135 : memref<1x128xi32, #tpu.memory_space<vmem>> -> memref<128xi32, #tpu.memory_space<vmem>>
        %dma_wait3A_137 = arith.constant 0 : i32
        %dma_wait3A_138 = arith.constant 0 : i32
        %dma_wait3A_139 = tpu.memref_slice %arg3[%dma_wait3A_137, %dma_wait3A_138] : memref<100000x16xf32, #tpu.memory_space<hbm>> -> memref<100000x16xf32, #tpu.memory_space<hbm>>
        tpu.wait_indirect_dma semaphore(%arg25 : memref<!tpu.dma_semaphore, #tpu.memory_space<semaphore_mem>>) src(%dma_wait3A_139 : memref<100000x16xf32, #tpu.memory_space<hbm>>) dst(%dma_wait3A_133 : memref<128x16xf32, #tpu.memory_space<vmem>>)
        %dma_wait3A_140 = arith.constant 2 : i32
        %dma_wait3A_141 = arith.constant 256 : i32
        %dma_wait3A_142 = arith.constant 0 : i32
        %dma_wait3A_143 = tpu.memref_slice %arg19[%dma_wait3A_141, %dma_wait3A_142] : memref<1024x16xf32, #tpu.memory_space<vmem>> -> memref<128x16xf32, #tpu.memory_space<vmem>>
        %dma_wait3A_144 = arith.constant 0 : i32
        %dma_wait3A_145 = tpu.memref_slice %arg17[%dma_wait3A_140, %dma_wait3A_144] : memref<8x128xi32, #tpu.memory_space<vmem>> -> memref<1x128xi32, #tpu.memory_space<vmem>>
        %dma_wait3A_146 = tpu.memref_squeeze %dma_wait3A_145 : memref<1x128xi32, #tpu.memory_space<vmem>> -> memref<128xi32, #tpu.memory_space<vmem>>
        %dma_wait3A_147 = arith.constant 0 : i32
        %dma_wait3A_148 = arith.constant 0 : i32
        %dma_wait3A_149 = tpu.memref_slice %arg3[%dma_wait3A_147, %dma_wait3A_148] : memref<100000x16xf32, #tpu.memory_space<hbm>> -> memref<100000x16xf32, #tpu.memory_space<hbm>>
        tpu.wait_indirect_dma semaphore(%arg25 : memref<!tpu.dma_semaphore, #tpu.memory_space<semaphore_mem>>) src(%dma_wait3A_149 : memref<100000x16xf32, #tpu.memory_space<hbm>>) dst(%dma_wait3A_143 : memref<128x16xf32, #tpu.memory_space<vmem>>)
        %dma_wait3A_150 = arith.constant 3 : i32
        %dma_wait3A_151 = arith.constant 384 : i32
        %dma_wait3A_152 = arith.constant 0 : i32
        %dma_wait3A_153 = tpu.memref_slice %arg19[%dma_wait3A_151, %dma_wait3A_152] : memref<1024x16xf32, #tpu.memory_space<vmem>> -> memref<128x16xf32, #tpu.memory_space<vmem>>
        %dma_wait3A_154 = arith.constant 0 : i32
        %dma_wait3A_155 = tpu.memref_slice %arg17[%dma_wait3A_150, %dma_wait3A_154] : memref<8x128xi32, #tpu.memory_space<vmem>> -> memref<1x128xi32, #tpu.memory_space<vmem>>
        %dma_wait3A_156 = tpu.memref_squeeze %dma_wait3A_155 : memref<1x128xi32, #tpu.memory_space<vmem>> -> memref<128xi32, #tpu.memory_space<vmem>>
        %dma_wait3A_157 = arith.constant 0 : i32
        %dma_wait3A_158 = arith.constant 0 : i32
        %dma_wait3A_159 = tpu.memref_slice %arg3[%dma_wait3A_157, %dma_wait3A_158] : memref<100000x16xf32, #tpu.memory_space<hbm>> -> memref<100000x16xf32, #tpu.memory_space<hbm>>
        tpu.wait_indirect_dma semaphore(%arg25 : memref<!tpu.dma_semaphore, #tpu.memory_space<semaphore_mem>>) src(%dma_wait3A_159 : memref<100000x16xf32, #tpu.memory_space<hbm>>) dst(%dma_wait3A_153 : memref<128x16xf32, #tpu.memory_space<vmem>>)
        %dma_wait3A_160 = arith.constant 4 : i32
        %dma_wait3A_161 = arith.constant 512 : i32
        %dma_wait3A_162 = arith.constant 0 : i32
        %dma_wait3A_163 = tpu.memref_slice %arg19[%dma_wait3A_161, %dma_wait3A_162] : memref<1024x16xf32, #tpu.memory_space<vmem>> -> memref<128x16xf32, #tpu.memory_space<vmem>>
        %dma_wait3A_164 = arith.constant 0 : i32
        %dma_wait3A_165 = tpu.memref_slice %arg17[%dma_wait3A_160, %dma_wait3A_164] : memref<8x128xi32, #tpu.memory_space<vmem>> -> memref<1x128xi32, #tpu.memory_space<vmem>>
        %dma_wait3A_166 = tpu.memref_squeeze %dma_wait3A_165 : memref<1x128xi32, #tpu.memory_space<vmem>> -> memref<128xi32, #tpu.memory_space<vmem>>
        %dma_wait3A_167 = arith.constant 0 : i32
        %dma_wait3A_168 = arith.constant 0 : i32
        %dma_wait3A_169 = tpu.memref_slice %arg3[%dma_wait3A_167, %dma_wait3A_168] : memref<100000x16xf32, #tpu.memory_space<hbm>> -> memref<100000x16xf32, #tpu.memory_space<hbm>>
        tpu.wait_indirect_dma semaphore(%arg25 : memref<!tpu.dma_semaphore, #tpu.memory_space<semaphore_mem>>) src(%dma_wait3A_169 : memref<100000x16xf32, #tpu.memory_space<hbm>>) dst(%dma_wait3A_163 : memref<128x16xf32, #tpu.memory_space<vmem>>)
        %dma_wait3A_170 = arith.constant 5 : i32
        %dma_wait3A_171 = arith.constant 640 : i32
        %dma_wait3A_172 = arith.constant 0 : i32
        %dma_wait3A_173 = tpu.memref_slice %arg19[%dma_wait3A_171, %dma_wait3A_172] : memref<1024x16xf32, #tpu.memory_space<vmem>> -> memref<128x16xf32, #tpu.memory_space<vmem>>
        %dma_wait3A_174 = arith.constant 0 : i32
        %dma_wait3A_175 = tpu.memref_slice %arg17[%dma_wait3A_170, %dma_wait3A_174] : memref<8x128xi32, #tpu.memory_space<vmem>> -> memref<1x128xi32, #tpu.memory_space<vmem>>
        %dma_wait3A_176 = tpu.memref_squeeze %dma_wait3A_175 : memref<1x128xi32, #tpu.memory_space<vmem>> -> memref<128xi32, #tpu.memory_space<vmem>>
        %dma_wait3A_177 = arith.constant 0 : i32
        %dma_wait3A_178 = arith.constant 0 : i32
        %dma_wait3A_179 = tpu.memref_slice %arg3[%dma_wait3A_177, %dma_wait3A_178] : memref<100000x16xf32, #tpu.memory_space<hbm>> -> memref<100000x16xf32, #tpu.memory_space<hbm>>
        tpu.wait_indirect_dma semaphore(%arg25 : memref<!tpu.dma_semaphore, #tpu.memory_space<semaphore_mem>>) src(%dma_wait3A_179 : memref<100000x16xf32, #tpu.memory_space<hbm>>) dst(%dma_wait3A_173 : memref<128x16xf32, #tpu.memory_space<vmem>>)
        %dma_wait3A_180 = arith.constant 6 : i32
        %dma_wait3A_181 = arith.constant 768 : i32
        %dma_wait3A_182 = arith.constant 0 : i32
        %dma_wait3A_183 = tpu.memref_slice %arg19[%dma_wait3A_181, %dma_wait3A_182] : memref<1024x16xf32, #tpu.memory_space<vmem>> -> memref<128x16xf32, #tpu.memory_space<vmem>>
        %dma_wait3A_184 = arith.constant 0 : i32
        %dma_wait3A_185 = tpu.memref_slice %arg17[%dma_wait3A_180, %dma_wait3A_184] : memref<8x128xi32, #tpu.memory_space<vmem>> -> memref<1x128xi32, #tpu.memory_space<vmem>>
        %dma_wait3A_186 = tpu.memref_squeeze %dma_wait3A_185 : memref<1x128xi32, #tpu.memory_space<vmem>> -> memref<128xi32, #tpu.memory_space<vmem>>
        %dma_wait3A_187 = arith.constant 0 : i32
        %dma_wait3A_188 = arith.constant 0 : i32
        %dma_wait3A_189 = tpu.memref_slice %arg3[%dma_wait3A_187, %dma_wait3A_188] : memref<100000x16xf32, #tpu.memory_space<hbm>> -> memref<100000x16xf32, #tpu.memory_space<hbm>>
        tpu.wait_indirect_dma semaphore(%arg25 : memref<!tpu.dma_semaphore, #tpu.memory_space<semaphore_mem>>) src(%dma_wait3A_189 : memref<100000x16xf32, #tpu.memory_space<hbm>>) dst(%dma_wait3A_183 : memref<128x16xf32, #tpu.memory_space<vmem>>)
        %dma_wait3A_190 = arith.constant 7 : i32
        %dma_wait3A_191 = arith.constant 896 : i32
        %dma_wait3A_192 = arith.constant 0 : i32
        %dma_wait3A_193 = tpu.memref_slice %arg19[%dma_wait3A_191, %dma_wait3A_192] : memref<1024x16xf32, #tpu.memory_space<vmem>> -> memref<128x16xf32, #tpu.memory_space<vmem>>
        %dma_wait3A_194 = arith.constant 0 : i32
        %dma_wait3A_195 = tpu.memref_slice %arg17[%dma_wait3A_190, %dma_wait3A_194] : memref<8x128xi32, #tpu.memory_space<vmem>> -> memref<1x128xi32, #tpu.memory_space<vmem>>
        %dma_wait3A_196 = tpu.memref_squeeze %dma_wait3A_195 : memref<1x128xi32, #tpu.memory_space<vmem>> -> memref<128xi32, #tpu.memory_space<vmem>>
        %dma_wait3A_197 = arith.constant 0 : i32
        %dma_wait3A_198 = arith.constant 0 : i32
        %dma_wait3A_199 = tpu.memref_slice %arg3[%dma_wait3A_197, %dma_wait3A_198] : memref<100000x16xf32, #tpu.memory_space<hbm>> -> memref<100000x16xf32, #tpu.memory_space<hbm>>
        tpu.wait_indirect_dma semaphore(%arg25 : memref<!tpu.dma_semaphore, #tpu.memory_space<semaphore_mem>>) src(%dma_wait3A_199 : memref<100000x16xf32, #tpu.memory_space<hbm>>) dst(%dma_wait3A_193 : memref<128x16xf32, #tpu.memory_space<vmem>>)
        %dma_start3A_200 = arith.constant 0 : i32
        %dma_start3A_201 = arith.constant 0 : i32
        %dma_start3A_202 = arith.constant 0 : i32
        %dma_start3A_203 = tpu.memref_slice %arg19[%dma_start3A_201, %dma_start3A_202] : memref<1024x16xf32, #tpu.memory_space<vmem>> -> memref<128x16xf32, #tpu.memory_space<vmem>>
        %dma_start3A_204 = arith.constant 0 : i32
        %dma_start3A_205 = tpu.memref_slice %arg18[%dma_start3A_200, %dma_start3A_204] : memref<8x128xi32, #tpu.memory_space<vmem>> -> memref<1x128xi32, #tpu.memory_space<vmem>>
        %dma_start3A_206 = tpu.memref_squeeze %dma_start3A_205 : memref<1x128xi32, #tpu.memory_space<vmem>> -> memref<128xi32, #tpu.memory_space<vmem>>
        %dma_start3A_207 = arith.constant 0 : i32
        %dma_start3A_208 = arith.constant 0 : i32
        %dma_start3A_209 = tpu.memref_slice %arg20[%dma_start3A_207, %dma_start3A_208] : memref<100096x16xf32, #tpu.memory_space<vmem_shared>> -> memref<100096x16xf32, #tpu.memory_space<vmem_shared>>
        tpu.enqueue_indirect_dma source(%dma_start3A_203 : memref<128x16xf32, #tpu.memory_space<vmem>>) target(%dma_start3A_209 : memref<100096x16xf32, #tpu.memory_space<vmem_shared>>) offsets(%dma_start3A_206 : memref<128xi32, #tpu.memory_space<vmem>>) semaphore(%arg26 : memref<!tpu.dma_semaphore, #tpu.memory_space<semaphore_mem>>) {add = true}
        %dma_start3A_210 = arith.constant 1 : i32
        %dma_start3A_211 = arith.constant 128 : i32
        %dma_start3A_212 = arith.constant 0 : i32
        %dma_start3A_213 = tpu.memref_slice %arg19[%dma_start3A_211, %dma_start3A_212] : memref<1024x16xf32, #tpu.memory_space<vmem>> -> memref<128x16xf32, #tpu.memory_space<vmem>>
        %dma_start3A_214 = arith.constant 0 : i32
        %dma_start3A_215 = tpu.memref_slice %arg18[%dma_start3A_210, %dma_start3A_214] : memref<8x128xi32, #tpu.memory_space<vmem>> -> memref<1x128xi32, #tpu.memory_space<vmem>>
        %dma_start3A_216 = tpu.memref_squeeze %dma_start3A_215 : memref<1x128xi32, #tpu.memory_space<vmem>> -> memref<128xi32, #tpu.memory_space<vmem>>
        %dma_start3A_217 = arith.constant 0 : i32
        %dma_start3A_218 = arith.constant 0 : i32
        %dma_start3A_219 = tpu.memref_slice %arg20[%dma_start3A_217, %dma_start3A_218] : memref<100096x16xf32, #tpu.memory_space<vmem_shared>> -> memref<100096x16xf32, #tpu.memory_space<vmem_shared>>
        tpu.enqueue_indirect_dma source(%dma_start3A_213 : memref<128x16xf32, #tpu.memory_space<vmem>>) target(%dma_start3A_219 : memref<100096x16xf32, #tpu.memory_space<vmem_shared>>) offsets(%dma_start3A_216 : memref<128xi32, #tpu.memory_space<vmem>>) semaphore(%arg26 : memref<!tpu.dma_semaphore, #tpu.memory_space<semaphore_mem>>) {add = true}
        %dma_start3A_220 = arith.constant 2 : i32
        %dma_start3A_221 = arith.constant 256 : i32
        %dma_start3A_222 = arith.constant 0 : i32
        %dma_start3A_223 = tpu.memref_slice %arg19[%dma_start3A_221, %dma_start3A_222] : memref<1024x16xf32, #tpu.memory_space<vmem>> -> memref<128x16xf32, #tpu.memory_space<vmem>>
        %dma_start3A_224 = arith.constant 0 : i32
        %dma_start3A_225 = tpu.memref_slice %arg18[%dma_start3A_220, %dma_start3A_224] : memref<8x128xi32, #tpu.memory_space<vmem>> -> memref<1x128xi32, #tpu.memory_space<vmem>>
        %dma_start3A_226 = tpu.memref_squeeze %dma_start3A_225 : memref<1x128xi32, #tpu.memory_space<vmem>> -> memref<128xi32, #tpu.memory_space<vmem>>
        %dma_start3A_227 = arith.constant 0 : i32
        %dma_start3A_228 = arith.constant 0 : i32
        %dma_start3A_229 = tpu.memref_slice %arg20[%dma_start3A_227, %dma_start3A_228] : memref<100096x16xf32, #tpu.memory_space<vmem_shared>> -> memref<100096x16xf32, #tpu.memory_space<vmem_shared>>
        tpu.enqueue_indirect_dma source(%dma_start3A_223 : memref<128x16xf32, #tpu.memory_space<vmem>>) target(%dma_start3A_229 : memref<100096x16xf32, #tpu.memory_space<vmem_shared>>) offsets(%dma_start3A_226 : memref<128xi32, #tpu.memory_space<vmem>>) semaphore(%arg26 : memref<!tpu.dma_semaphore, #tpu.memory_space<semaphore_mem>>) {add = true}
        %dma_start3A_230 = arith.constant 3 : i32
        %dma_start3A_231 = arith.constant 384 : i32
        %dma_start3A_232 = arith.constant 0 : i32
        %dma_start3A_233 = tpu.memref_slice %arg19[%dma_start3A_231, %dma_start3A_232] : memref<1024x16xf32, #tpu.memory_space<vmem>> -> memref<128x16xf32, #tpu.memory_space<vmem>>
        %dma_start3A_234 = arith.constant 0 : i32
        %dma_start3A_235 = tpu.memref_slice %arg18[%dma_start3A_230, %dma_start3A_234] : memref<8x128xi32, #tpu.memory_space<vmem>> -> memref<1x128xi32, #tpu.memory_space<vmem>>
        %dma_start3A_236 = tpu.memref_squeeze %dma_start3A_235 : memref<1x128xi32, #tpu.memory_space<vmem>> -> memref<128xi32, #tpu.memory_space<vmem>>
        %dma_start3A_237 = arith.constant 0 : i32
        %dma_start3A_238 = arith.constant 0 : i32
        %dma_start3A_239 = tpu.memref_slice %arg20[%dma_start3A_237, %dma_start3A_238] : memref<100096x16xf32, #tpu.memory_space<vmem_shared>> -> memref<100096x16xf32, #tpu.memory_space<vmem_shared>>
        tpu.enqueue_indirect_dma source(%dma_start3A_233 : memref<128x16xf32, #tpu.memory_space<vmem>>) target(%dma_start3A_239 : memref<100096x16xf32, #tpu.memory_space<vmem_shared>>) offsets(%dma_start3A_236 : memref<128xi32, #tpu.memory_space<vmem>>) semaphore(%arg26 : memref<!tpu.dma_semaphore, #tpu.memory_space<semaphore_mem>>) {add = true}
        %dma_start3A_240 = arith.constant 4 : i32
        %dma_start3A_241 = arith.constant 512 : i32
        %dma_start3A_242 = arith.constant 0 : i32
        %dma_start3A_243 = tpu.memref_slice %arg19[%dma_start3A_241, %dma_start3A_242] : memref<1024x16xf32, #tpu.memory_space<vmem>> -> memref<128x16xf32, #tpu.memory_space<vmem>>
        %dma_start3A_244 = arith.constant 0 : i32
        %dma_start3A_245 = tpu.memref_slice %arg18[%dma_start3A_240, %dma_start3A_244] : memref<8x128xi32, #tpu.memory_space<vmem>> -> memref<1x128xi32, #tpu.memory_space<vmem>>
        %dma_start3A_246 = tpu.memref_squeeze %dma_start3A_245 : memref<1x128xi32, #tpu.memory_space<vmem>> -> memref<128xi32, #tpu.memory_space<vmem>>
        %dma_start3A_247 = arith.constant 0 : i32
        %dma_start3A_248 = arith.constant 0 : i32
        %dma_start3A_249 = tpu.memref_slice %arg20[%dma_start3A_247, %dma_start3A_248] : memref<100096x16xf32, #tpu.memory_space<vmem_shared>> -> memref<100096x16xf32, #tpu.memory_space<vmem_shared>>
        tpu.enqueue_indirect_dma source(%dma_start3A_243 : memref<128x16xf32, #tpu.memory_space<vmem>>) target(%dma_start3A_249 : memref<100096x16xf32, #tpu.memory_space<vmem_shared>>) offsets(%dma_start3A_246 : memref<128xi32, #tpu.memory_space<vmem>>) semaphore(%arg26 : memref<!tpu.dma_semaphore, #tpu.memory_space<semaphore_mem>>) {add = true}
        %dma_start3A_250 = arith.constant 5 : i32
        %dma_start3A_251 = arith.constant 640 : i32
        %dma_start3A_252 = arith.constant 0 : i32
        %dma_start3A_253 = tpu.memref_slice %arg19[%dma_start3A_251, %dma_start3A_252] : memref<1024x16xf32, #tpu.memory_space<vmem>> -> memref<128x16xf32, #tpu.memory_space<vmem>>
        %dma_start3A_254 = arith.constant 0 : i32
        %dma_start3A_255 = tpu.memref_slice %arg18[%dma_start3A_250, %dma_start3A_254] : memref<8x128xi32, #tpu.memory_space<vmem>> -> memref<1x128xi32, #tpu.memory_space<vmem>>
        %dma_start3A_256 = tpu.memref_squeeze %dma_start3A_255 : memref<1x128xi32, #tpu.memory_space<vmem>> -> memref<128xi32, #tpu.memory_space<vmem>>
        %dma_start3A_257 = arith.constant 0 : i32
        %dma_start3A_258 = arith.constant 0 : i32
        %dma_start3A_259 = tpu.memref_slice %arg20[%dma_start3A_257, %dma_start3A_258] : memref<100096x16xf32, #tpu.memory_space<vmem_shared>> -> memref<100096x16xf32, #tpu.memory_space<vmem_shared>>
        tpu.enqueue_indirect_dma source(%dma_start3A_253 : memref<128x16xf32, #tpu.memory_space<vmem>>) target(%dma_start3A_259 : memref<100096x16xf32, #tpu.memory_space<vmem_shared>>) offsets(%dma_start3A_256 : memref<128xi32, #tpu.memory_space<vmem>>) semaphore(%arg26 : memref<!tpu.dma_semaphore, #tpu.memory_space<semaphore_mem>>) {add = true}
        %dma_start3A_260 = arith.constant 6 : i32
        %dma_start3A_261 = arith.constant 768 : i32
        %dma_start3A_262 = arith.constant 0 : i32
        %dma_start3A_263 = tpu.memref_slice %arg19[%dma_start3A_261, %dma_start3A_262] : memref<1024x16xf32, #tpu.memory_space<vmem>> -> memref<128x16xf32, #tpu.memory_space<vmem>>
        %dma_start3A_264 = arith.constant 0 : i32
        %dma_start3A_265 = tpu.memref_slice %arg18[%dma_start3A_260, %dma_start3A_264] : memref<8x128xi32, #tpu.memory_space<vmem>> -> memref<1x128xi32, #tpu.memory_space<vmem>>
        %dma_start3A_266 = tpu.memref_squeeze %dma_start3A_265 : memref<1x128xi32, #tpu.memory_space<vmem>> -> memref<128xi32, #tpu.memory_space<vmem>>
        %dma_start3A_267 = arith.constant 0 : i32
        %dma_start3A_268 = arith.constant 0 : i32
        %dma_start3A_269 = tpu.memref_slice %arg20[%dma_start3A_267, %dma_start3A_268] : memref<100096x16xf32, #tpu.memory_space<vmem_shared>> -> memref<100096x16xf32, #tpu.memory_space<vmem_shared>>
        tpu.enqueue_indirect_dma source(%dma_start3A_263 : memref<128x16xf32, #tpu.memory_space<vmem>>) target(%dma_start3A_269 : memref<100096x16xf32, #tpu.memory_space<vmem_shared>>) offsets(%dma_start3A_266 : memref<128xi32, #tpu.memory_space<vmem>>) semaphore(%arg26 : memref<!tpu.dma_semaphore, #tpu.memory_space<semaphore_mem>>) {add = true}
        %dma_start3A_270 = arith.constant 7 : i32
        %dma_start3A_271 = arith.constant 896 : i32
        %dma_start3A_272 = arith.constant 0 : i32
        %dma_start3A_273 = tpu.memref_slice %arg19[%dma_start3A_271, %dma_start3A_272] : memref<1024x16xf32, #tpu.memory_space<vmem>> -> memref<128x16xf32, #tpu.memory_space<vmem>>
        %dma_start3A_274 = arith.constant 0 : i32
        %dma_start3A_275 = tpu.memref_slice %arg18[%dma_start3A_270, %dma_start3A_274] : memref<8x128xi32, #tpu.memory_space<vmem>> -> memref<1x128xi32, #tpu.memory_space<vmem>>
        %dma_start3A_276 = tpu.memref_squeeze %dma_start3A_275 : memref<1x128xi32, #tpu.memory_space<vmem>> -> memref<128xi32, #tpu.memory_space<vmem>>
        %dma_start3A_277 = arith.constant 0 : i32
        %dma_start3A_278 = arith.constant 0 : i32
        %dma_start3A_279 = tpu.memref_slice %arg20[%dma_start3A_277, %dma_start3A_278] : memref<100096x16xf32, #tpu.memory_space<vmem_shared>> -> memref<100096x16xf32, #tpu.memory_space<vmem_shared>>
        tpu.enqueue_indirect_dma source(%dma_start3A_273 : memref<128x16xf32, #tpu.memory_space<vmem>>) target(%dma_start3A_279 : memref<100096x16xf32, #tpu.memory_space<vmem_shared>>) offsets(%dma_start3A_276 : memref<128xi32, #tpu.memory_space<vmem>>) semaphore(%arg26 : memref<!tpu.dma_semaphore, #tpu.memory_space<semaphore_mem>>) {add = true}
        %dma_wait3A_280 = arith.constant 0 : i32
        %dma_wait3A_281 = arith.constant 0 : i32
        %dma_wait3A_282 = arith.constant 0 : i32
        %dma_wait3A_283 = tpu.memref_slice %arg19[%dma_wait3A_281, %dma_wait3A_282] : memref<1024x16xf32, #tpu.memory_space<vmem>> -> memref<128x16xf32, #tpu.memory_space<vmem>>
        %dma_wait3A_284 = arith.constant 0 : i32
        %dma_wait3A_285 = tpu.memref_slice %arg18[%dma_wait3A_280, %dma_wait3A_284] : memref<8x128xi32, #tpu.memory_space<vmem>> -> memref<1x128xi32, #tpu.memory_space<vmem>>
        %dma_wait3A_286 = tpu.memref_squeeze %dma_wait3A_285 : memref<1x128xi32, #tpu.memory_space<vmem>> -> memref<128xi32, #tpu.memory_space<vmem>>
        %dma_wait3A_287 = arith.constant 0 : i32
        %dma_wait3A_288 = arith.constant 0 : i32
        %dma_wait3A_289 = tpu.memref_slice %arg20[%dma_wait3A_287, %dma_wait3A_288] : memref<100096x16xf32, #tpu.memory_space<vmem_shared>> -> memref<100096x16xf32, #tpu.memory_space<vmem_shared>>
        tpu.wait_indirect_dma semaphore(%arg26 : memref<!tpu.dma_semaphore, #tpu.memory_space<semaphore_mem>>) src(%dma_wait3A_283 : memref<128x16xf32, #tpu.memory_space<vmem>>) dst(%dma_wait3A_289 : memref<100096x16xf32, #tpu.memory_space<vmem_shared>>)
        %dma_wait3A_290 = arith.constant 1 : i32
        %dma_wait3A_291 = arith.constant 128 : i32
        %dma_wait3A_292 = arith.constant 0 : i32
        %dma_wait3A_293 = tpu.memref_slice %arg19[%dma_wait3A_291, %dma_wait3A_292] : memref<1024x16xf32, #tpu.memory_space<vmem>> -> memref<128x16xf32, #tpu.memory_space<vmem>>
        %dma_wait3A_294 = arith.constant 0 : i32
        %dma_wait3A_295 = tpu.memref_slice %arg18[%dma_wait3A_290, %dma_wait3A_294] : memref<8x128xi32, #tpu.memory_space<vmem>> -> memref<1x128xi32, #tpu.memory_space<vmem>>
        %dma_wait3A_296 = tpu.memref_squeeze %dma_wait3A_295 : memref<1x128xi32, #tpu.memory_space<vmem>> -> memref<128xi32, #tpu.memory_space<vmem>>
        %dma_wait3A_297 = arith.constant 0 : i32
        %dma_wait3A_298 = arith.constant 0 : i32
        %dma_wait3A_299 = tpu.memref_slice %arg20[%dma_wait3A_297, %dma_wait3A_298] : memref<100096x16xf32, #tpu.memory_space<vmem_shared>> -> memref<100096x16xf32, #tpu.memory_space<vmem_shared>>
        tpu.wait_indirect_dma semaphore(%arg26 : memref<!tpu.dma_semaphore, #tpu.memory_space<semaphore_mem>>) src(%dma_wait3A_293 : memref<128x16xf32, #tpu.memory_space<vmem>>) dst(%dma_wait3A_299 : memref<100096x16xf32, #tpu.memory_space<vmem_shared>>)
        %dma_wait3A_300 = arith.constant 2 : i32
        %dma_wait3A_301 = arith.constant 256 : i32
        %dma_wait3A_302 = arith.constant 0 : i32
        %dma_wait3A_303 = tpu.memref_slice %arg19[%dma_wait3A_301, %dma_wait3A_302] : memref<1024x16xf32, #tpu.memory_space<vmem>> -> memref<128x16xf32, #tpu.memory_space<vmem>>
        %dma_wait3A_304 = arith.constant 0 : i32
        %dma_wait3A_305 = tpu.memref_slice %arg18[%dma_wait3A_300, %dma_wait3A_304] : memref<8x128xi32, #tpu.memory_space<vmem>> -> memref<1x128xi32, #tpu.memory_space<vmem>>
        %dma_wait3A_306 = tpu.memref_squeeze %dma_wait3A_305 : memref<1x128xi32, #tpu.memory_space<vmem>> -> memref<128xi32, #tpu.memory_space<vmem>>
        %dma_wait3A_307 = arith.constant 0 : i32
        %dma_wait3A_308 = arith.constant 0 : i32
        %dma_wait3A_309 = tpu.memref_slice %arg20[%dma_wait3A_307, %dma_wait3A_308] : memref<100096x16xf32, #tpu.memory_space<vmem_shared>> -> memref<100096x16xf32, #tpu.memory_space<vmem_shared>>
        tpu.wait_indirect_dma semaphore(%arg26 : memref<!tpu.dma_semaphore, #tpu.memory_space<semaphore_mem>>) src(%dma_wait3A_303 : memref<128x16xf32, #tpu.memory_space<vmem>>) dst(%dma_wait3A_309 : memref<100096x16xf32, #tpu.memory_space<vmem_shared>>)
        %dma_wait3A_310 = arith.constant 3 : i32
        %dma_wait3A_311 = arith.constant 384 : i32
        %dma_wait3A_312 = arith.constant 0 : i32
        %dma_wait3A_313 = tpu.memref_slice %arg19[%dma_wait3A_311, %dma_wait3A_312] : memref<1024x16xf32, #tpu.memory_space<vmem>> -> memref<128x16xf32, #tpu.memory_space<vmem>>
        %dma_wait3A_314 = arith.constant 0 : i32
        %dma_wait3A_315 = tpu.memref_slice %arg18[%dma_wait3A_310, %dma_wait3A_314] : memref<8x128xi32, #tpu.memory_space<vmem>> -> memref<1x128xi32, #tpu.memory_space<vmem>>
        %dma_wait3A_316 = tpu.memref_squeeze %dma_wait3A_315 : memref<1x128xi32, #tpu.memory_space<vmem>> -> memref<128xi32, #tpu.memory_space<vmem>>
        %dma_wait3A_317 = arith.constant 0 : i32
        %dma_wait3A_318 = arith.constant 0 : i32
        %dma_wait3A_319 = tpu.memref_slice %arg20[%dma_wait3A_317, %dma_wait3A_318] : memref<100096x16xf32, #tpu.memory_space<vmem_shared>> -> memref<100096x16xf32, #tpu.memory_space<vmem_shared>>
        tpu.wait_indirect_dma semaphore(%arg26 : memref<!tpu.dma_semaphore, #tpu.memory_space<semaphore_mem>>) src(%dma_wait3A_313 : memref<128x16xf32, #tpu.memory_space<vmem>>) dst(%dma_wait3A_319 : memref<100096x16xf32, #tpu.memory_space<vmem_shared>>)
        %dma_wait3A_320 = arith.constant 4 : i32
        %dma_wait3A_321 = arith.constant 512 : i32
        %dma_wait3A_322 = arith.constant 0 : i32
        %dma_wait3A_323 = tpu.memref_slice %arg19[%dma_wait3A_321, %dma_wait3A_322] : memref<1024x16xf32, #tpu.memory_space<vmem>> -> memref<128x16xf32, #tpu.memory_space<vmem>>
        %dma_wait3A_324 = arith.constant 0 : i32
        %dma_wait3A_325 = tpu.memref_slice %arg18[%dma_wait3A_320, %dma_wait3A_324] : memref<8x128xi32, #tpu.memory_space<vmem>> -> memref<1x128xi32, #tpu.memory_space<vmem>>
        %dma_wait3A_326 = tpu.memref_squeeze %dma_wait3A_325 : memref<1x128xi32, #tpu.memory_space<vmem>> -> memref<128xi32, #tpu.memory_space<vmem>>
        %dma_wait3A_327 = arith.constant 0 : i32
        %dma_wait3A_328 = arith.constant 0 : i32
        %dma_wait3A_329 = tpu.memref_slice %arg20[%dma_wait3A_327, %dma_wait3A_328] : memref<100096x16xf32, #tpu.memory_space<vmem_shared>> -> memref<100096x16xf32, #tpu.memory_space<vmem_shared>>
        tpu.wait_indirect_dma semaphore(%arg26 : memref<!tpu.dma_semaphore, #tpu.memory_space<semaphore_mem>>) src(%dma_wait3A_323 : memref<128x16xf32, #tpu.memory_space<vmem>>) dst(%dma_wait3A_329 : memref<100096x16xf32, #tpu.memory_space<vmem_shared>>)
        %dma_wait3A_330 = arith.constant 5 : i32
        %dma_wait3A_331 = arith.constant 640 : i32
        %dma_wait3A_332 = arith.constant 0 : i32
        %dma_wait3A_333 = tpu.memref_slice %arg19[%dma_wait3A_331, %dma_wait3A_332] : memref<1024x16xf32, #tpu.memory_space<vmem>> -> memref<128x16xf32, #tpu.memory_space<vmem>>
        %dma_wait3A_334 = arith.constant 0 : i32
        %dma_wait3A_335 = tpu.memref_slice %arg18[%dma_wait3A_330, %dma_wait3A_334] : memref<8x128xi32, #tpu.memory_space<vmem>> -> memref<1x128xi32, #tpu.memory_space<vmem>>
        %dma_wait3A_336 = tpu.memref_squeeze %dma_wait3A_335 : memref<1x128xi32, #tpu.memory_space<vmem>> -> memref<128xi32, #tpu.memory_space<vmem>>
        %dma_wait3A_337 = arith.constant 0 : i32
        %dma_wait3A_338 = arith.constant 0 : i32
        %dma_wait3A_339 = tpu.memref_slice %arg20[%dma_wait3A_337, %dma_wait3A_338] : memref<100096x16xf32, #tpu.memory_space<vmem_shared>> -> memref<100096x16xf32, #tpu.memory_space<vmem_shared>>
        tpu.wait_indirect_dma semaphore(%arg26 : memref<!tpu.dma_semaphore, #tpu.memory_space<semaphore_mem>>) src(%dma_wait3A_333 : memref<128x16xf32, #tpu.memory_space<vmem>>) dst(%dma_wait3A_339 : memref<100096x16xf32, #tpu.memory_space<vmem_shared>>)
        %dma_wait3A_340 = arith.constant 6 : i32
        %dma_wait3A_341 = arith.constant 768 : i32
        %dma_wait3A_342 = arith.constant 0 : i32
        %dma_wait3A_343 = tpu.memref_slice %arg19[%dma_wait3A_341, %dma_wait3A_342] : memref<1024x16xf32, #tpu.memory_space<vmem>> -> memref<128x16xf32, #tpu.memory_space<vmem>>
        %dma_wait3A_344 = arith.constant 0 : i32
        %dma_wait3A_345 = tpu.memref_slice %arg18[%dma_wait3A_340, %dma_wait3A_344] : memref<8x128xi32, #tpu.memory_space<vmem>> -> memref<1x128xi32, #tpu.memory_space<vmem>>
        %dma_wait3A_346 = tpu.memref_squeeze %dma_wait3A_345 : memref<1x128xi32, #tpu.memory_space<vmem>> -> memref<128xi32, #tpu.memory_space<vmem>>
        %dma_wait3A_347 = arith.constant 0 : i32
        %dma_wait3A_348 = arith.constant 0 : i32
        %dma_wait3A_349 = tpu.memref_slice %arg20[%dma_wait3A_347, %dma_wait3A_348] : memref<100096x16xf32, #tpu.memory_space<vmem_shared>> -> memref<100096x16xf32, #tpu.memory_space<vmem_shared>>
        tpu.wait_indirect_dma semaphore(%arg26 : memref<!tpu.dma_semaphore, #tpu.memory_space<semaphore_mem>>) src(%dma_wait3A_343 : memref<128x16xf32, #tpu.memory_space<vmem>>) dst(%dma_wait3A_349 : memref<100096x16xf32, #tpu.memory_space<vmem_shared>>)
        %dma_wait3A_350 = arith.constant 7 : i32
        %dma_wait3A_351 = arith.constant 896 : i32
        %dma_wait3A_352 = arith.constant 0 : i32
        %dma_wait3A_353 = tpu.memref_slice %arg19[%dma_wait3A_351, %dma_wait3A_352] : memref<1024x16xf32, #tpu.memory_space<vmem>> -> memref<128x16xf32, #tpu.memory_space<vmem>>
        %dma_wait3A_354 = arith.constant 0 : i32
        %dma_wait3A_355 = tpu.memref_slice %arg18[%dma_wait3A_350, %dma_wait3A_354] : memref<8x128xi32, #tpu.memory_space<vmem>> -> memref<1x128xi32, #tpu.memory_space<vmem>>
        %dma_wait3A_356 = tpu.memref_squeeze %dma_wait3A_355 : memref<1x128xi32, #tpu.memory_space<vmem>> -> memref<128xi32, #tpu.memory_space<vmem>>
        %dma_wait3A_357 = arith.constant 0 : i32
        %dma_wait3A_358 = arith.constant 0 : i32
        %dma_wait3A_359 = tpu.memref_slice %arg20[%dma_wait3A_357, %dma_wait3A_358] : memref<100096x16xf32, #tpu.memory_space<vmem_shared>> -> memref<100096x16xf32, #tpu.memory_space<vmem_shared>>
        tpu.wait_indirect_dma semaphore(%arg26 : memref<!tpu.dma_semaphore, #tpu.memory_space<semaphore_mem>>) src(%dma_wait3A_353 : memref<128x16xf32, #tpu.memory_space<vmem>>) dst(%dma_wait3A_359 : memref<100096x16xf32, #tpu.memory_space<vmem_shared>>)
      }
      %scan3A_38 = arith.constant 98 : i32
    } else {
    }
    %barrier3A_8 = arith.constant 0 : index
    tpu.barrier barrier_id(%barrier3A_8)
    %eq3A_9 = arith.constant 0 : i32
    %eq3A_10 = arith.cmpi eq, %arg0, %eq3A_9 : i32
    %convert_element_type3A_11 = arith.extui %eq3A_10 : i1 to i32
    %cond3A_12 = arith.constant 0 : i32
    %cond3A_13 = arith.cmpi ne, %convert_element_type3A_11, %cond3A_12 : i32
    scf.if %cond3A_13 {
      %mul3A_32 = arith.constant 6256 : i32
      %mul3A_33 = arith.muli %arg1, %mul3A_32 : i32
      %mul3A_34 = arith.constant 6256 : i32
      %mul3A_35 = arith.muli %arg1, %mul3A_34 : i32
      "tpu.region"() ({
        %run_scoped3A = tpu.sem_alloc : memref<!tpu.dma_semaphore, #tpu.memory_space<semaphore_mem>>
        %dma_start3A = arith.constant 0 : i32
        %dma_start3A_36 = tpu.memref_slice %arg10[%mul3A_35, %dma_start3A] : memref<100096x16xf32, #tpu.memory_space<hbm>> -> memref<6256x16xf32, #tpu.memory_space<hbm>>
        %dma_start3A_37 = arith.constant 0 : i32
        %dma_start3A_38 = tpu.memref_slice %arg20[%mul3A_33, %dma_start3A_37] : memref<100096x16xf32, #tpu.memory_space<vmem_shared>> -> memref<6256x16xf32, #tpu.memory_space<vmem_shared>>
        tpu.enqueue_dma source(%dma_start3A_38 : memref<6256x16xf32, #tpu.memory_space<vmem_shared>>) target(%dma_start3A_36 : memref<6256x16xf32, #tpu.memory_space<hbm>>) target_semaphore(%run_scoped3A : memref<!tpu.dma_semaphore, #tpu.memory_space<semaphore_mem>>)
        %dma_wait3A = arith.constant 0 : i32
        %dma_wait3A_39 = tpu.memref_slice %arg10[%mul3A_35, %dma_wait3A] : memref<100096x16xf32, #tpu.memory_space<hbm>> -> memref<6256x16xf32, #tpu.memory_space<hbm>>
        %dma_wait3A_40 = arith.constant 0 : i32
        %dma_wait3A_41 = tpu.memref_slice %arg20[%mul3A_33, %dma_wait3A_40] : memref<100096x16xf32, #tpu.memory_space<vmem_shared>> -> memref<6256x16xf32, #tpu.memory_space<vmem_shared>>
        tpu.wait_dma2 semaphore(%run_scoped3A : memref<!tpu.dma_semaphore, #tpu.memory_space<semaphore_mem>>) src(%dma_wait3A_41 : memref<6256x16xf32, #tpu.memory_space<vmem_shared>>) dst(%dma_wait3A_39 : memref<6256x16xf32, #tpu.memory_space<hbm>>)
        tpu.yield
      }) : () -> ()
    } else {
    }
    %eq3A_14 = arith.constant 1 : i32
    %eq3A_15 = arith.cmpi eq, %arg0, %eq3A_14 : i32
    %convert_element_type3A_16 = arith.extui %eq3A_15 : i1 to i32
    %cond3A_17 = arith.constant 0 : i32
    %cond3A_18 = arith.cmpi ne, %convert_element_type3A_16, %cond3A_17 : i32
    scf.if %cond3A_18 {
      %mul3A_32 = arith.constant 6256 : i32
      %mul3A_33 = arith.muli %arg1, %mul3A_32 : i32
      %mul3A_34 = arith.constant 6256 : i32
      %mul3A_35 = arith.muli %arg1, %mul3A_34 : i32
      "tpu.region"() ({
        %run_scoped3A = tpu.sem_alloc : memref<!tpu.dma_semaphore, #tpu.memory_space<semaphore_mem>>
        %dma_start3A = arith.constant 0 : i32
        %dma_start3A_36 = tpu.memref_slice %arg11[%mul3A_35, %dma_start3A] : memref<100096x16xf32, #tpu.memory_space<hbm>> -> memref<6256x16xf32, #tpu.memory_space<hbm>>
        %dma_start3A_37 = arith.constant 0 : i32
        %dma_start3A_38 = tpu.memref_slice %arg20[%mul3A_33, %dma_start3A_37] : memref<100096x16xf32, #tpu.memory_space<vmem_shared>> -> memref<6256x16xf32, #tpu.memory_space<vmem_shared>>
        tpu.enqueue_dma source(%dma_start3A_38 : memref<6256x16xf32, #tpu.memory_space<vmem_shared>>) target(%dma_start3A_36 : memref<6256x16xf32, #tpu.memory_space<hbm>>) target_semaphore(%run_scoped3A : memref<!tpu.dma_semaphore, #tpu.memory_space<semaphore_mem>>)
        %dma_wait3A = arith.constant 0 : i32
        %dma_wait3A_39 = tpu.memref_slice %arg11[%mul3A_35, %dma_wait3A] : memref<100096x16xf32, #tpu.memory_space<hbm>> -> memref<6256x16xf32, #tpu.memory_space<hbm>>
        %dma_wait3A_40 = arith.constant 0 : i32
        %dma_wait3A_41 = tpu.memref_slice %arg20[%mul3A_33, %dma_wait3A_40] : memref<100096x16xf32, #tpu.memory_space<vmem_shared>> -> memref<6256x16xf32, #tpu.memory_space<vmem_shared>>
        tpu.wait_dma2 semaphore(%run_scoped3A : memref<!tpu.dma_semaphore, #tpu.memory_space<semaphore_mem>>) src(%dma_wait3A_41 : memref<6256x16xf32, #tpu.memory_space<vmem_shared>>) dst(%dma_wait3A_39 : memref<6256x16xf32, #tpu.memory_space<hbm>>)
        tpu.yield
      }) : () -> ()
    } else {
    }
    %barrier3A_19 = arith.constant 0 : index
    tpu.barrier barrier_id(%barrier3A_19)
    %mul3A_20 = arith.constant 64 : i32
    %mul3A_21 = arith.muli %arg1, %mul3A_20 : i32
    %eq3A_22 = arith.constant 0 : i32
    %eq3A_23 = arith.cmpi eq, %arg0, %eq3A_22 : i32
    %convert_element_type3A_24 = arith.extui %eq3A_23 : i1 to i32
    %cond3A_25 = arith.constant 0 : i32
    %cond3A_26 = arith.cmpi ne, %convert_element_type3A_24, %cond3A_25 : i32
    scf.if %cond3A_26 {
      "tpu.region"() ({
        %run_scoped3A = tpu.sem_alloc : memref<!tpu.dma_semaphore, #tpu.memory_space<semaphore_mem>>
        %dma_start3A_42 = tpu.memref_slice %arg7[%mul3A_21] : memref<1024xi32, #tpu.memory_space<hbm>> -> memref<64xi32, #tpu.memory_space<hbm>>
        %dma_start3A_43 = tpu.memref_slice %arg7[%mul3A_21] : memref<1024xi32, #tpu.memory_space<hbm>> -> memref<64xi32, #tpu.memory_space<hbm>>
        tpu.enqueue_dma source(%dma_start3A_43 : memref<64xi32, #tpu.memory_space<hbm>>) target(%arg21 : memref<64xi32, #tpu.memory_space<vmem>>) target_semaphore(%run_scoped3A : memref<!tpu.dma_semaphore, #tpu.memory_space<semaphore_mem>>)
        %dma_wait3A_44 = tpu.memref_slice %arg7[%mul3A_21] : memref<1024xi32, #tpu.memory_space<hbm>> -> memref<64xi32, #tpu.memory_space<hbm>>
        %dma_wait3A_45 = tpu.memref_slice %arg7[%mul3A_21] : memref<1024xi32, #tpu.memory_space<hbm>> -> memref<64xi32, #tpu.memory_space<hbm>>
        tpu.wait_dma2 semaphore(%run_scoped3A : memref<!tpu.dma_semaphore, #tpu.memory_space<semaphore_mem>>) src(%dma_wait3A_45 : memref<64xi32, #tpu.memory_space<hbm>>) dst(%arg21 : memref<64xi32, #tpu.memory_space<vmem>>)
        tpu.yield
      }) : () -> ()
      %dma_start3A = arith.constant 0 : i32
      %dma_start3A_32 = arith.constant 0 : i32
      %dma_start3A_33 = tpu.memref_slice %arg2[%dma_start3A, %dma_start3A_32] : memref<100000x16xf32, #tpu.memory_space<hbm>> -> memref<100000x16xf32, #tpu.memory_space<hbm>>
      tpu.enqueue_indirect_dma source(%dma_start3A_33 : memref<100000x16xf32, #tpu.memory_space<hbm>>) target(%arg22 : memref<64x16xf32, #tpu.memory_space<vmem>>) offsets(%arg21 : memref<64xi32, #tpu.memory_space<vmem>>) semaphore(%arg25 : memref<!tpu.dma_semaphore, #tpu.memory_space<semaphore_mem>>)
      %dma_wait3A = arith.constant 0 : i32
      %dma_wait3A_34 = arith.constant 0 : i32
      %dma_wait3A_35 = tpu.memref_slice %arg2[%dma_wait3A, %dma_wait3A_34] : memref<100000x16xf32, #tpu.memory_space<hbm>> -> memref<100000x16xf32, #tpu.memory_space<hbm>>
      tpu.wait_indirect_dma semaphore(%arg25 : memref<!tpu.dma_semaphore, #tpu.memory_space<semaphore_mem>>) src(%dma_wait3A_35 : memref<100000x16xf32, #tpu.memory_space<hbm>>) dst(%arg22 : memref<64x16xf32, #tpu.memory_space<vmem>>)
      "tpu.region"() ({
        %run_scoped3A = tpu.sem_alloc : memref<!tpu.dma_semaphore, #tpu.memory_space<semaphore_mem>>
        %dma_start3A_42 = arith.constant 0 : i32
        %dma_start3A_43 = tpu.memref_slice %arg12[%mul3A_21, %dma_start3A_42] : memref<1024x16xf32, #tpu.memory_space<hbm>> -> memref<64x16xf32, #tpu.memory_space<hbm>>
        %dma_start3A_44 = arith.constant 0 : i32
        %dma_start3A_45 = tpu.memref_slice %arg12[%mul3A_21, %dma_start3A_44] : memref<1024x16xf32, #tpu.memory_space<hbm>> -> memref<64x16xf32, #tpu.memory_space<hbm>>
        tpu.enqueue_dma source(%arg22 : memref<64x16xf32, #tpu.memory_space<vmem>>) target(%dma_start3A_45 : memref<64x16xf32, #tpu.memory_space<hbm>>) target_semaphore(%run_scoped3A : memref<!tpu.dma_semaphore, #tpu.memory_space<semaphore_mem>>)
        %dma_wait3A_46 = arith.constant 0 : i32
        %dma_wait3A_47 = tpu.memref_slice %arg12[%mul3A_21, %dma_wait3A_46] : memref<1024x16xf32, #tpu.memory_space<hbm>> -> memref<64x16xf32, #tpu.memory_space<hbm>>
        %dma_wait3A_48 = arith.constant 0 : i32
        %dma_wait3A_49 = tpu.memref_slice %arg12[%mul3A_21, %dma_wait3A_48] : memref<1024x16xf32, #tpu.memory_space<hbm>> -> memref<64x16xf32, #tpu.memory_space<hbm>>
        tpu.wait_dma2 semaphore(%run_scoped3A : memref<!tpu.dma_semaphore, #tpu.memory_space<semaphore_mem>>) src(%arg22 : memref<64x16xf32, #tpu.memory_space<vmem>>) dst(%dma_wait3A_49 : memref<64x16xf32, #tpu.memory_space<hbm>>)
        tpu.yield
      }) : () -> ()
      %dma_start3A_36 = arith.constant 0 : i32
      %dma_start3A_37 = arith.constant 0 : i32
      %dma_start3A_38 = tpu.memref_slice %arg10[%dma_start3A_36, %dma_start3A_37] : memref<100096x16xf32, #tpu.memory_space<hbm>> -> memref<100096x16xf32, #tpu.memory_space<hbm>>
      tpu.enqueue_indirect_dma source(%dma_start3A_38 : memref<100096x16xf32, #tpu.memory_space<hbm>>) target(%arg23 : memref<64x16xf32, #tpu.memory_space<vmem>>) offsets(%arg21 : memref<64xi32, #tpu.memory_space<vmem>>) semaphore(%arg25 : memref<!tpu.dma_semaphore, #tpu.memory_space<semaphore_mem>>)
      %dma_wait3A_39 = arith.constant 0 : i32
      %dma_wait3A_40 = arith.constant 0 : i32
      %dma_wait3A_41 = tpu.memref_slice %arg10[%dma_wait3A_39, %dma_wait3A_40] : memref<100096x16xf32, #tpu.memory_space<hbm>> -> memref<100096x16xf32, #tpu.memory_space<hbm>>
      tpu.wait_indirect_dma semaphore(%arg25 : memref<!tpu.dma_semaphore, #tpu.memory_space<semaphore_mem>>) src(%dma_wait3A_41 : memref<100096x16xf32, #tpu.memory_space<hbm>>) dst(%arg23 : memref<64x16xf32, #tpu.memory_space<vmem>>)
      "tpu.region"() ({
        %run_scoped3A = tpu.sem_alloc : memref<!tpu.dma_semaphore, #tpu.memory_space<semaphore_mem>>
        %dma_start3A_42 = arith.constant 0 : i32
        %dma_start3A_43 = tpu.memref_slice %arg14[%mul3A_21, %dma_start3A_42] : memref<1024x16xf32, #tpu.memory_space<hbm>> -> memref<64x16xf32, #tpu.memory_space<hbm>>
        %dma_start3A_44 = arith.constant 0 : i32
        %dma_start3A_45 = tpu.memref_slice %arg14[%mul3A_21, %dma_start3A_44] : memref<1024x16xf32, #tpu.memory_space<hbm>> -> memref<64x16xf32, #tpu.memory_space<hbm>>
        tpu.enqueue_dma source(%arg23 : memref<64x16xf32, #tpu.memory_space<vmem>>) target(%dma_start3A_45 : memref<64x16xf32, #tpu.memory_space<hbm>>) target_semaphore(%run_scoped3A : memref<!tpu.dma_semaphore, #tpu.memory_space<semaphore_mem>>)
        %dma_wait3A_46 = arith.constant 0 : i32
        %dma_wait3A_47 = tpu.memref_slice %arg14[%mul3A_21, %dma_wait3A_46] : memref<1024x16xf32, #tpu.memory_space<hbm>> -> memref<64x16xf32, #tpu.memory_space<hbm>>
        %dma_wait3A_48 = arith.constant 0 : i32
        %dma_wait3A_49 = tpu.memref_slice %arg14[%mul3A_21, %dma_wait3A_48] : memref<1024x16xf32, #tpu.memory_space<hbm>> -> memref<64x16xf32, #tpu.memory_space<hbm>>
        tpu.wait_dma2 semaphore(%run_scoped3A : memref<!tpu.dma_semaphore, #tpu.memory_space<semaphore_mem>>) src(%arg23 : memref<64x16xf32, #tpu.memory_space<vmem>>) dst(%dma_wait3A_49 : memref<64x16xf32, #tpu.memory_space<hbm>>)
        tpu.yield
      }) : () -> ()
    } else {
    }
    %eq3A_27 = arith.constant 1 : i32
    %eq3A_28 = arith.cmpi eq, %arg0, %eq3A_27 : i32
    %convert_element_type3A_29 = arith.extui %eq3A_28 : i1 to i32
    %cond3A_30 = arith.constant 0 : i32
    %cond3A_31 = arith.cmpi ne, %convert_element_type3A_29, %cond3A_30 : i32
    scf.if %cond3A_31 {
      "tpu.region"() ({
        %run_scoped3A = tpu.sem_alloc : memref<!tpu.dma_semaphore, #tpu.memory_space<semaphore_mem>>
        %dma_start3A_48 = tpu.memref_slice %arg7[%mul3A_21] : memref<1024xi32, #tpu.memory_space<hbm>> -> memref<64xi32, #tpu.memory_space<hbm>>
        %dma_start3A_49 = tpu.memref_slice %arg7[%mul3A_21] : memref<1024xi32, #tpu.memory_space<hbm>> -> memref<64xi32, #tpu.memory_space<hbm>>
        tpu.enqueue_dma source(%dma_start3A_49 : memref<64xi32, #tpu.memory_space<hbm>>) target(%arg21 : memref<64xi32, #tpu.memory_space<vmem>>) target_semaphore(%run_scoped3A : memref<!tpu.dma_semaphore, #tpu.memory_space<semaphore_mem>>)
        %dma_wait3A_50 = tpu.memref_slice %arg7[%mul3A_21] : memref<1024xi32, #tpu.memory_space<hbm>> -> memref<64xi32, #tpu.memory_space<hbm>>
        %dma_wait3A_51 = tpu.memref_slice %arg7[%mul3A_21] : memref<1024xi32, #tpu.memory_space<hbm>> -> memref<64xi32, #tpu.memory_space<hbm>>
        tpu.wait_dma2 semaphore(%run_scoped3A : memref<!tpu.dma_semaphore, #tpu.memory_space<semaphore_mem>>) src(%dma_wait3A_51 : memref<64xi32, #tpu.memory_space<hbm>>) dst(%arg21 : memref<64xi32, #tpu.memory_space<vmem>>)
        tpu.yield
      }) : () -> ()
      %dma_start3A = arith.constant 0 : i32
      %dma_start3A_32 = arith.constant 0 : i32
      %dma_start3A_33 = tpu.memref_slice %arg3[%dma_start3A, %dma_start3A_32] : memref<100000x16xf32, #tpu.memory_space<hbm>> -> memref<100000x16xf32, #tpu.memory_space<hbm>>
      tpu.enqueue_indirect_dma source(%dma_start3A_33 : memref<100000x16xf32, #tpu.memory_space<hbm>>) target(%arg22 : memref<64x16xf32, #tpu.memory_space<vmem>>) offsets(%arg21 : memref<64xi32, #tpu.memory_space<vmem>>) semaphore(%arg25 : memref<!tpu.dma_semaphore, #tpu.memory_space<semaphore_mem>>)
      %dma_wait3A = arith.constant 0 : i32
      %dma_wait3A_34 = arith.constant 0 : i32
      %dma_wait3A_35 = tpu.memref_slice %arg3[%dma_wait3A, %dma_wait3A_34] : memref<100000x16xf32, #tpu.memory_space<hbm>> -> memref<100000x16xf32, #tpu.memory_space<hbm>>
      tpu.wait_indirect_dma semaphore(%arg25 : memref<!tpu.dma_semaphore, #tpu.memory_space<semaphore_mem>>) src(%dma_wait3A_35 : memref<100000x16xf32, #tpu.memory_space<hbm>>) dst(%arg22 : memref<64x16xf32, #tpu.memory_space<vmem>>)
      "tpu.region"() ({
        %run_scoped3A = tpu.sem_alloc : memref<!tpu.dma_semaphore, #tpu.memory_space<semaphore_mem>>
        %dma_start3A_48 = arith.constant 0 : i32
        %dma_start3A_49 = tpu.memref_slice %arg13[%mul3A_21, %dma_start3A_48] : memref<1024x16xf32, #tpu.memory_space<hbm>> -> memref<64x16xf32, #tpu.memory_space<hbm>>
        %dma_start3A_50 = arith.constant 0 : i32
        %dma_start3A_51 = tpu.memref_slice %arg13[%mul3A_21, %dma_start3A_50] : memref<1024x16xf32, #tpu.memory_space<hbm>> -> memref<64x16xf32, #tpu.memory_space<hbm>>
        tpu.enqueue_dma source(%arg22 : memref<64x16xf32, #tpu.memory_space<vmem>>) target(%dma_start3A_51 : memref<64x16xf32, #tpu.memory_space<hbm>>) target_semaphore(%run_scoped3A : memref<!tpu.dma_semaphore, #tpu.memory_space<semaphore_mem>>)
        %dma_wait3A_52 = arith.constant 0 : i32
        %dma_wait3A_53 = tpu.memref_slice %arg13[%mul3A_21, %dma_wait3A_52] : memref<1024x16xf32, #tpu.memory_space<hbm>> -> memref<64x16xf32, #tpu.memory_space<hbm>>
        %dma_wait3A_54 = arith.constant 0 : i32
        %dma_wait3A_55 = tpu.memref_slice %arg13[%mul3A_21, %dma_wait3A_54] : memref<1024x16xf32, #tpu.memory_space<hbm>> -> memref<64x16xf32, #tpu.memory_space<hbm>>
        tpu.wait_dma2 semaphore(%run_scoped3A : memref<!tpu.dma_semaphore, #tpu.memory_space<semaphore_mem>>) src(%arg22 : memref<64x16xf32, #tpu.memory_space<vmem>>) dst(%dma_wait3A_55 : memref<64x16xf32, #tpu.memory_space<hbm>>)
        tpu.yield
      }) : () -> ()
      %dma_start3A_36 = arith.constant 0 : i32
      %dma_start3A_37 = arith.constant 0 : i32
      %dma_start3A_38 = tpu.memref_slice %arg11[%dma_start3A_36, %dma_start3A_37] : memref<100096x16xf32, #tpu.memory_space<hbm>> -> memref<100096x16xf32, #tpu.memory_space<hbm>>
      tpu.enqueue_indirect_dma source(%dma_start3A_38 : memref<100096x16xf32, #tpu.memory_space<hbm>>) target(%arg23 : memref<64x16xf32, #tpu.memory_space<vmem>>) offsets(%arg21 : memref<64xi32, #tpu.memory_space<vmem>>) semaphore(%arg25 : memref<!tpu.dma_semaphore, #tpu.memory_space<semaphore_mem>>)
      %dma_wait3A_39 = arith.constant 0 : i32
      %dma_wait3A_40 = arith.constant 0 : i32
      %dma_wait3A_41 = tpu.memref_slice %arg11[%dma_wait3A_39, %dma_wait3A_40] : memref<100096x16xf32, #tpu.memory_space<hbm>> -> memref<100096x16xf32, #tpu.memory_space<hbm>>
      tpu.wait_indirect_dma semaphore(%arg25 : memref<!tpu.dma_semaphore, #tpu.memory_space<semaphore_mem>>) src(%dma_wait3A_41 : memref<100096x16xf32, #tpu.memory_space<hbm>>) dst(%arg23 : memref<64x16xf32, #tpu.memory_space<vmem>>)
      "tpu.region"() ({
        %run_scoped3A = tpu.sem_alloc : memref<!tpu.dma_semaphore, #tpu.memory_space<semaphore_mem>>
        %dma_start3A_48 = arith.constant 0 : i32
        %dma_start3A_49 = tpu.memref_slice %arg15[%mul3A_21, %dma_start3A_48] : memref<1024x16xf32, #tpu.memory_space<hbm>> -> memref<64x16xf32, #tpu.memory_space<hbm>>
        %dma_start3A_50 = arith.constant 0 : i32
        %dma_start3A_51 = tpu.memref_slice %arg15[%mul3A_21, %dma_start3A_50] : memref<1024x16xf32, #tpu.memory_space<hbm>> -> memref<64x16xf32, #tpu.memory_space<hbm>>
        tpu.enqueue_dma source(%arg23 : memref<64x16xf32, #tpu.memory_space<vmem>>) target(%dma_start3A_51 : memref<64x16xf32, #tpu.memory_space<hbm>>) target_semaphore(%run_scoped3A : memref<!tpu.dma_semaphore, #tpu.memory_space<semaphore_mem>>)
        %dma_wait3A_52 = arith.constant 0 : i32
        %dma_wait3A_53 = tpu.memref_slice %arg15[%mul3A_21, %dma_wait3A_52] : memref<1024x16xf32, #tpu.memory_space<hbm>> -> memref<64x16xf32, #tpu.memory_space<hbm>>
        %dma_wait3A_54 = arith.constant 0 : i32
        %dma_wait3A_55 = tpu.memref_slice %arg15[%mul3A_21, %dma_wait3A_54] : memref<1024x16xf32, #tpu.memory_space<hbm>> -> memref<64x16xf32, #tpu.memory_space<hbm>>
        tpu.wait_dma2 semaphore(%run_scoped3A : memref<!tpu.dma_semaphore, #tpu.memory_space<semaphore_mem>>) src(%arg23 : memref<64x16xf32, #tpu.memory_space<vmem>>) dst(%dma_wait3A_55 : memref<64x16xf32, #tpu.memory_space<hbm>>)
        tpu.yield
      }) : () -> ()
      "tpu.region"() ({
        %run_scoped3A = tpu.sem_alloc : memref<!tpu.dma_semaphore, #tpu.memory_space<semaphore_mem>>
        %dma_start3A_48 = tpu.memref_slice %arg8[%mul3A_21] : memref<1024xi32, #tpu.memory_space<hbm>> -> memref<64xi32, #tpu.memory_space<hbm>>
        %dma_start3A_49 = tpu.memref_slice %arg8[%mul3A_21] : memref<1024xi32, #tpu.memory_space<hbm>> -> memref<64xi32, #tpu.memory_space<hbm>>
        tpu.enqueue_dma source(%dma_start3A_49 : memref<64xi32, #tpu.memory_space<hbm>>) target(%arg21 : memref<64xi32, #tpu.memory_space<vmem>>) target_semaphore(%run_scoped3A : memref<!tpu.dma_semaphore, #tpu.memory_space<semaphore_mem>>)
        %dma_wait3A_50 = tpu.memref_slice %arg8[%mul3A_21] : memref<1024xi32, #tpu.memory_space<hbm>> -> memref<64xi32, #tpu.memory_space<hbm>>
        %dma_wait3A_51 = tpu.memref_slice %arg8[%mul3A_21] : memref<1024xi32, #tpu.memory_space<hbm>> -> memref<64xi32, #tpu.memory_space<hbm>>
        tpu.wait_dma2 semaphore(%run_scoped3A : memref<!tpu.dma_semaphore, #tpu.memory_space<semaphore_mem>>) src(%dma_wait3A_51 : memref<64xi32, #tpu.memory_space<hbm>>) dst(%arg21 : memref<64xi32, #tpu.memory_space<vmem>>)
        tpu.yield
      }) : () -> ()
      %dma_start3A_42 = arith.constant 0 : i32
      %dma_start3A_43 = arith.constant 0 : i32
      %dma_start3A_44 = tpu.memref_slice %arg4[%dma_start3A_42, %dma_start3A_43] : memref<100000x8xf32, #tpu.memory_space<hbm>> -> memref<100000x8xf32, #tpu.memory_space<hbm>>
      tpu.enqueue_indirect_dma source(%dma_start3A_44 : memref<100000x8xf32, #tpu.memory_space<hbm>>) target(%arg24 : memref<64x8xf32, #tpu.memory_space<vmem>>) offsets(%arg21 : memref<64xi32, #tpu.memory_space<vmem>>) semaphore(%arg25 : memref<!tpu.dma_semaphore, #tpu.memory_space<semaphore_mem>>)
      %dma_wait3A_45 = arith.constant 0 : i32
      %dma_wait3A_46 = arith.constant 0 : i32
      %dma_wait3A_47 = tpu.memref_slice %arg4[%dma_wait3A_45, %dma_wait3A_46] : memref<100000x8xf32, #tpu.memory_space<hbm>> -> memref<100000x8xf32, #tpu.memory_space<hbm>>
      tpu.wait_indirect_dma semaphore(%arg25 : memref<!tpu.dma_semaphore, #tpu.memory_space<semaphore_mem>>) src(%dma_wait3A_47 : memref<100000x8xf32, #tpu.memory_space<hbm>>) dst(%arg24 : memref<64x8xf32, #tpu.memory_space<vmem>>)
      "tpu.region"() ({
        %run_scoped3A = tpu.sem_alloc : memref<!tpu.dma_semaphore, #tpu.memory_space<semaphore_mem>>
        %dma_start3A_48 = arith.constant 0 : i32
        %dma_start3A_49 = tpu.memref_slice %arg16[%mul3A_21, %dma_start3A_48] : memref<1024x8xf32, #tpu.memory_space<hbm>> -> memref<64x8xf32, #tpu.memory_space<hbm>>
        %dma_start3A_50 = arith.constant 0 : i32
        %dma_start3A_51 = tpu.memref_slice %arg16[%mul3A_21, %dma_start3A_50] : memref<1024x8xf32, #tpu.memory_space<hbm>> -> memref<64x8xf32, #tpu.memory_space<hbm>>
        tpu.enqueue_dma source(%arg24 : memref<64x8xf32, #tpu.memory_space<vmem>>) target(%dma_start3A_51 : memref<64x8xf32, #tpu.memory_space<hbm>>) target_semaphore(%run_scoped3A : memref<!tpu.dma_semaphore, #tpu.memory_space<semaphore_mem>>)
        %dma_wait3A_52 = arith.constant 0 : i32
        %dma_wait3A_53 = tpu.memref_slice %arg16[%mul3A_21, %dma_wait3A_52] : memref<1024x8xf32, #tpu.memory_space<hbm>> -> memref<64x8xf32, #tpu.memory_space<hbm>>
        %dma_wait3A_54 = arith.constant 0 : i32
        %dma_wait3A_55 = tpu.memref_slice %arg16[%mul3A_21, %dma_wait3A_54] : memref<1024x8xf32, #tpu.memory_space<hbm>> -> memref<64x8xf32, #tpu.memory_space<hbm>>
        tpu.wait_dma2 semaphore(%run_scoped3A : memref<!tpu.dma_semaphore, #tpu.memory_space<semaphore_mem>>) src(%arg24 : memref<64x8xf32, #tpu.memory_space<vmem>>) dst(%dma_wait3A_55 : memref<64x8xf32, #tpu.memory_space<hbm>>)
        tpu.yield
      }) : () -> ()
    } else {
    }
    return
  }
}

module attributes {stable_mosaic.version = 14 : i64} {
  func.func @h1_body(%arg0: i32, %arg1: memref<4000x3xf32, #tpu.memory_space<vmem>>, %arg2: memref<1x4000x8xf32, #tpu.memory_space<vmem>>, %arg3: memref<1x4000x8xf32, #tpu.memory_space<vmem>>, %arg4: memref<3x32xf32, #tpu.memory_space<vmem>>, %arg5: memref<8x32xf32, #tpu.memory_space<vmem>>, %arg6: memref<1x32xf32, #tpu.memory_space<vmem>>, %arg7: memref<4000x16xf32, #tpu.memory_space<vmem>>, %arg8: memref<4000x16xf32, #tpu.memory_space<vmem>>) attributes {dimension_semantics = [#tpu.dimension_semantics<arbitrary>], iteration_bounds = array<i64: 25>, scalar_prefetch = 0 : i64, scratch_operands = 0 : i64, tpu.core_type = #tpu.core_type<tc>, window_params = [{transform_indices = @transform_0, window_bounds = array<i64: 4000, 3>}, {transform_indices = @transform_1, window_bounds = array<i64: 1, 4000, 8>}, {transform_indices = @transform_2, window_bounds = array<i64: 1, 4000, 8>}, {pipeline_mode = #tpu.pipeline_mode<synchronous>, transform_indices = @transform_3, window_bounds = array<i64: 3, 32>}, {pipeline_mode = #tpu.pipeline_mode<synchronous>, transform_indices = @transform_4, window_bounds = array<i64: 8, 32>}, {pipeline_mode = #tpu.pipeline_mode<synchronous>, transform_indices = @transform_5, window_bounds = array<i64: 1, 32>}, {transform_indices = @transform_6, window_bounds = array<i64: 4000, 16>}, {transform_indices = @transform_7, window_bounds = array<i64: 4000, 16>}]} {
    %get3A = arith.constant 0 : index
    %get3A_0 = arith.constant 0 : index
    %get3A_1 = arith.constant 0 : index
    %get3A_2 = vector.load %arg2[%get3A, %get3A_0, %get3A_1] : memref<1x4000x8xf32, #tpu.memory_space<vmem>>, vector<1x4000x8xf32>
    %get3A_3 = vector.shape_cast %get3A_2 : vector<1x4000x8xf32> to vector<4000x8xf32>
    %get3A_4 = arith.constant 0 : index
    %get3A_5 = arith.constant 0 : index
    %get3A_6 = arith.constant 0 : index
    %get3A_7 = vector.load %arg3[%get3A_4, %get3A_5, %get3A_6] : memref<1x4000x8xf32, #tpu.memory_space<vmem>>, vector<1x4000x8xf32>
    %get3A_8 = vector.shape_cast %get3A_7 : vector<1x4000x8xf32> to vector<4000x8xf32>
    %add3A = arith.addf %get3A_3, %get3A_8 : vector<4000x8xf32>
    %get3A_9 = arith.constant 0 : index
    %get3A_10 = arith.constant 0 : index
    %get3A_11 = vector.load %arg1[%get3A_9, %get3A_10] : memref<4000x3xf32, #tpu.memory_space<vmem>>, vector<4000x3xf32>
    %get3A_12 = arith.constant 0 : index
    %get3A_13 = arith.constant 0 : index
    %get3A_14 = vector.load %arg4[%get3A_12, %get3A_13] : memref<3x32xf32, #tpu.memory_space<vmem>>, vector<3x32xf32>
    %dot_general3A = arith.constant dense<0.000000e+00> : vector<4000x32xf32>
    %dot_general3A_15 = tpu.matmul %get3A_11, %get3A_14, %dot_general3A {dimension_numbers = #tpu.dot_dimension_numbers<[1], [0], [0], [1], [0, 0, 1, 1], [], []>, transpose_lhs_hint = false} : vector<4000x3xf32>, vector<3x32xf32>, vector<4000x32xf32> -> vector<4000x32xf32>
    %get3A_16 = arith.constant 0 : index
    %get3A_17 = arith.constant 0 : index
    %get3A_18 = vector.load %arg5[%get3A_16, %get3A_17] : memref<8x32xf32, #tpu.memory_space<vmem>>, vector<8x32xf32>
    %dot_general3A_19 = arith.constant dense<0.000000e+00> : vector<4000x32xf32>
    %dot_general3A_20 = tpu.matmul %add3A, %get3A_18, %dot_general3A_19 {dimension_numbers = #tpu.dot_dimension_numbers<[1], [0], [0], [1], [0, 0, 1, 1], [], []>, transpose_lhs_hint = false} : vector<4000x8xf32>, vector<8x32xf32>, vector<4000x32xf32> -> vector<4000x32xf32>
    %add3A_21 = arith.addf %dot_general3A_15, %dot_general3A_20 : vector<4000x32xf32>
    %get3A_22 = arith.constant 0 : index
    %get3A_23 = arith.constant 0 : index
    %get3A_24 = vector.load %arg6[%get3A_22, %get3A_23] : memref<1x32xf32, #tpu.memory_space<vmem>>, vector<1x32xf32>
    %add3A_25 = vector.broadcast %get3A_24 : vector<1x32xf32> to vector<4000x32xf32>
    %add3A_26 = arith.addf %add3A_21, %add3A_25 : vector<4000x32xf32>
    %max3A = arith.constant 0.000000e+00 : f32
    %max3A_27 = vector.broadcast %max3A : f32 to vector<4000x32xf32>
    %max3A_28 = arith.maximumf %add3A_26, %max3A_27 : vector<4000x32xf32>
    %slice3A = vector.extract_strided_slice %max3A_28 {offsets = [0, 0], sizes = [4000, 16], strides = [1, 1]} : vector<4000x32xf32> to vector<4000x16xf32>
    %swap3A = arith.constant 0 : index
    %swap3A_29 = arith.constant 0 : index
    %swap3A_30 = vector.load %arg7[%swap3A, %swap3A_29] : memref<4000x16xf32, #tpu.memory_space<vmem>>, vector<4000x16xf32>
    tpu.vector_store %arg7[%swap3A, %swap3A_29], %slice3A {strides = array<i32>} : memref<4000x16xf32, #tpu.memory_space<vmem>>, vector<4000x16xf32>,
    %slice3A_31 = vector.extract_strided_slice %max3A_28 {offsets = [0, 16], sizes = [4000, 16], strides = [1, 1]} : vector<4000x32xf32> to vector<4000x16xf32>
    %swap3A_32 = arith.constant 0 : index
    %swap3A_33 = arith.constant 0 : index
    %swap3A_34 = vector.load %arg8[%swap3A_32, %swap3A_33] : memref<4000x16xf32, #tpu.memory_space<vmem>>, vector<4000x16xf32>
    tpu.vector_store %arg8[%swap3A_32, %swap3A_33], %slice3A_31 {strides = array<i32>} : memref<4000x16xf32, #tpu.memory_space<vmem>>, vector<4000x16xf32>,
    return
  }
  func.func @transform_0(%arg0: i32) -> (i32, i32) {
    %c0_i32 = arith.constant 0 : i32
    %c0_i32_0 = arith.constant 0 : i32
    return %arg0, %c0_i32 : i32, i32
  }
  func.func @transform_1(%arg0: i32) -> (i32, i32, i32) {
    %c0_i32 = arith.constant 0 : i32
    %c0_i32_0 = arith.constant 0 : i32
    %c0_i32_1 = arith.constant 0 : i32
    return %c0_i32, %arg0, %c0_i32_0 : i32, i32, i32
  }
  func.func @transform_2(%arg0: i32) -> (i32, i32, i32) {
    %c1_i32 = arith.constant 1 : i32
    %c0_i32 = arith.constant 0 : i32
    %c0_i32_0 = arith.constant 0 : i32
    return %c1_i32, %arg0, %c0_i32 : i32, i32, i32
  }
  func.func @transform_3(%arg0: i32) -> (i32, i32) {
    %c0_i32 = arith.constant 0 : i32
    %c0_i32_0 = arith.constant 0 : i32
    %c0_i32_1 = arith.constant 0 : i32
    return %c0_i32, %c0_i32_0 : i32, i32
  }
  func.func @transform_4(%arg0: i32) -> (i32, i32) {
    %c0_i32 = arith.constant 0 : i32
    %c0_i32_0 = arith.constant 0 : i32
    %c0_i32_1 = arith.constant 0 : i32
    return %c0_i32, %c0_i32_0 : i32, i32
  }
  func.func @transform_5(%arg0: i32) -> (i32, i32) {
    %c0_i32 = arith.constant 0 : i32
    %c0_i32_0 = arith.constant 0 : i32
    %c0_i32_1 = arith.constant 0 : i32
    return %c0_i32, %c0_i32_0 : i32, i32
  }
  func.func @transform_6(%arg0: i32) -> (i32, i32) {
    %c0_i32 = arith.constant 0 : i32
    %c0_i32_0 = arith.constant 0 : i32
    return %arg0, %c0_i32 : i32, i32
  }
  func.func @transform_7(%arg0: i32) -> (i32, i32) {
    %c0_i32 = arith.constant 0 : i32
    %c0_i32_0 = arith.constant 0 : i32
    return %arg0, %c0_i32 : i32, i32
  }
}

module attributes {stable_mosaic.version = 14 : i64} {
  func.func @tail_body(%arg0: memref<1024x16xf32, #tpu.memory_space<vmem>>, %arg1: memref<1024x16xf32, #tpu.memory_space<vmem>>, %arg2: memref<1024x16xf32, #tpu.memory_space<vmem>>, %arg3: memref<1024x16xf32, #tpu.memory_space<vmem>>, %arg4: memref<1024x8xf32, #tpu.memory_space<vmem>>, %arg5: memref<32x32xf32, #tpu.memory_space<vmem>>, %arg6: memref<32x32xf32, #tpu.memory_space<vmem>>, %arg7: memref<1x32xf32, #tpu.memory_space<vmem>>, %arg8: memref<32x256xf32, #tpu.memory_space<vmem>>, %arg9: memref<1x256xf32, #tpu.memory_space<vmem>>, %arg10: memref<256x18xf32, #tpu.memory_space<vmem>>, %arg11: memref<1x18xf32, #tpu.memory_space<vmem>>, %arg12: memref<6x3xf32, #tpu.memory_space<vmem>>) attributes {dimension_semantics = [], scalar_prefetch = 0 : i64, scratch_operands = 0 : i64, tpu.core_type = #tpu.core_type<tc>} {
    %get3A = arith.constant 0 : index
    %get3A_0 = arith.constant 0 : index
    %get3A_1 = vector.load %arg0[%get3A, %get3A_0] : memref<1024x16xf32, #tpu.memory_space<vmem>>, vector<1024x16xf32>
    %get3A_2 = arith.constant 0 : index
    %get3A_3 = arith.constant 0 : index
    %get3A_4 = vector.load %arg1[%get3A_2, %get3A_3] : memref<1024x16xf32, #tpu.memory_space<vmem>>, vector<1024x16xf32>
    %concatenate3A = tpu.concatenate %get3A_1, %get3A_4 in 1 : vector<1024x16xf32>, vector<1024x16xf32> -> vector<1024x32xf32>
    %get3A_5 = arith.constant 0 : index
    %get3A_6 = arith.constant 0 : index
    %get3A_7 = vector.load %arg2[%get3A_5, %get3A_6] : memref<1024x16xf32, #tpu.memory_space<vmem>>, vector<1024x16xf32>
    %get3A_8 = arith.constant 0 : index
    %get3A_9 = arith.constant 0 : index
    %get3A_10 = vector.load %arg3[%get3A_8, %get3A_9] : memref<1024x16xf32, #tpu.memory_space<vmem>>, vector<1024x16xf32>
    %concatenate3A_11 = tpu.concatenate %get3A_7, %get3A_10 in 1 : vector<1024x16xf32>, vector<1024x16xf32> -> vector<1024x32xf32>
    %get3A_12 = arith.constant 0 : index
    %get3A_13 = arith.constant 0 : index
    %get3A_14 = vector.load %arg5[%get3A_12, %get3A_13] : memref<32x32xf32, #tpu.memory_space<vmem>>, vector<32x32xf32>
    %dot_general3A = arith.constant dense<0.000000e+00> : vector<1024x32xf32>
    %dot_general3A_15 = tpu.matmul %concatenate3A, %get3A_14, %dot_general3A {dimension_numbers = #tpu.dot_dimension_numbers<[1], [0], [0], [1], [0, 0, 1, 1], [], []>, transpose_lhs_hint = false} : vector<1024x32xf32>, vector<32x32xf32>, vector<1024x32xf32> -> vector<1024x32xf32>
    %get3A_16 = arith.constant 0 : index
    %get3A_17 = arith.constant 0 : index
    %get3A_18 = vector.load %arg6[%get3A_16, %get3A_17] : memref<32x32xf32, #tpu.memory_space<vmem>>, vector<32x32xf32>
    %dot_general3A_19 = arith.constant dense<0.000000e+00> : vector<1024x32xf32>
    %dot_general3A_20 = tpu.matmul %concatenate3A_11, %get3A_18, %dot_general3A_19 {dimension_numbers = #tpu.dot_dimension_numbers<[1], [0], [0], [1], [0, 0, 1, 1], [], []>, transpose_lhs_hint = false} : vector<1024x32xf32>, vector<32x32xf32>, vector<1024x32xf32> -> vector<1024x32xf32>
    %add3A = arith.addf %dot_general3A_15, %dot_general3A_20 : vector<1024x32xf32>
    %get3A_21 = arith.constant 0 : index
    %get3A_22 = arith.constant 0 : index
    %get3A_23 = vector.load %arg7[%get3A_21, %get3A_22] : memref<1x32xf32, #tpu.memory_space<vmem>>, vector<1x32xf32>
    %add3A_24 = vector.broadcast %get3A_23 : vector<1x32xf32> to vector<1024x32xf32>
    %add3A_25 = arith.addf %add3A, %add3A_24 : vector<1024x32xf32>
    %max3A = arith.constant 0.000000e+00 : f32
    %max3A_26 = vector.broadcast %max3A : f32 to vector<1024x32xf32>
    %max3A_27 = arith.maximumf %add3A_25, %max3A_26 : vector<1024x32xf32>
    %reduce_sum3A = arith.constant dense<0.000000e+00> : vector<32xf32>
    %reduce_sum3A_28 = vector.multi_reduction <add>, %max3A_27, %reduce_sum3A [0] : vector<1024x32xf32> to vector<32xf32>
    %broadcast_in_dim3A = vector.shape_cast %reduce_sum3A_28 : vector<32xf32> to vector<1x32xf32>
    %div3A = arith.constant 1.024000e+03 : f32
    %div3A_29 = vector.broadcast %div3A : f32 to vector<1x32xf32>
    %div3A_30 = arith.divf %broadcast_in_dim3A, %div3A_29 : vector<1x32xf32>
    %get3A_31 = arith.constant 0 : index
    %get3A_32 = arith.constant 0 : index
    %get3A_33 = vector.load %arg8[%get3A_31, %get3A_32] : memref<32x256xf32, #tpu.memory_space<vmem>>, vector<32x256xf32>
    %dot_general3A_34 = arith.constant dense<0.000000e+00> : vector<1x256xf32>
    %dot_general3A_35 = tpu.matmul %div3A_30, %get3A_33, %dot_general3A_34 {dimension_numbers = #tpu.dot_dimension_numbers<[1], [0], [0], [1], [0, 0, 1, 1], [], []>, transpose_lhs_hint = false} : vector<1x32xf32>, vector<32x256xf32>, vector<1x256xf32> -> vector<1x256xf32>
    %get3A_36 = arith.constant 0 : index
    %get3A_37 = arith.constant 0 : index
    %get3A_38 = vector.load %arg9[%get3A_36, %get3A_37] : memref<1x256xf32, #tpu.memory_space<vmem>>, vector<1x256xf32>
    %add3A_39 = arith.addf %dot_general3A_35, %get3A_38 : vector<1x256xf32>
    %max3A_40 = arith.constant 0.000000e+00 : f32
    %max3A_41 = vector.broadcast %max3A_40 : f32 to vector<1x256xf32>
    %max3A_42 = arith.maximumf %add3A_39, %max3A_41 : vector<1x256xf32>
    %get3A_43 = arith.constant 0 : index
    %get3A_44 = arith.constant 0 : index
    %get3A_45 = vector.load %arg10[%get3A_43, %get3A_44] : memref<256x18xf32, #tpu.memory_space<vmem>>, vector<256x18xf32>
    %dot_general3A_46 = arith.constant dense<0.000000e+00> : vector<1x18xf32>
    %dot_general3A_47 = tpu.matmul %max3A_42, %get3A_45, %dot_general3A_46 {dimension_numbers = #tpu.dot_dimension_numbers<[1], [0], [0], [1], [0, 0, 1, 1], [], []>, transpose_lhs_hint = false} : vector<1x256xf32>, vector<256x18xf32>, vector<1x18xf32> -> vector<1x18xf32>
    %get3A_48 = arith.constant 0 : index
    %get3A_49 = arith.constant 0 : index
    %get3A_50 = vector.load %arg11[%get3A_48, %get3A_49] : memref<1x18xf32, #tpu.memory_space<vmem>>, vector<1x18xf32>
    %add3A_51 = arith.addf %dot_general3A_47, %get3A_50 : vector<1x18xf32>
    %get3A_52 = arith.constant 0 : index
    %get3A_53 = arith.constant 0 : index
    %get3A_54 = vector.load %arg4[%get3A_52, %get3A_53] : memref<1024x8xf32, #tpu.memory_space<vmem>>, vector<1024x8xf32>
    %reduce_sum3A_55 = arith.constant dense<0.000000e+00> : vector<8xf32>
    %reduce_sum3A_56 = vector.multi_reduction <add>, %get3A_54, %reduce_sum3A_55 [0] : vector<1024x8xf32> to vector<8xf32>
    %broadcast_in_dim3A_57 = vector.shape_cast %reduce_sum3A_56 : vector<8xf32> to vector<1x8xf32>
    %div3A_58 = arith.constant 1.024000e+03 : f32
    %div3A_59 = vector.broadcast %div3A_58 : f32 to vector<1x8xf32>
    %div3A_60 = arith.divf %broadcast_in_dim3A_57, %div3A_59 : vector<1x8xf32>
    %slice3A = vector.extract_strided_slice %add3A_51 {offsets = [0, 0], sizes = [1, 3], strides = [1, 1]} : vector<1x18xf32> to vector<1x3xf32>
    %slice3A_61 = vector.extract_strided_slice %div3A_60 {offsets = [0, 0], sizes = [1, 3], strides = [1, 1]} : vector<1x8xf32> to vector<1x3xf32>
    %add3A_62 = arith.addf %slice3A, %slice3A_61 : vector<1x3xf32>
    %swap3A = arith.constant 0 : index
    %swap3A_63 = arith.constant 0 : index
    %swap3A_64 = vector.load %arg12[%swap3A, %swap3A_63] : memref<6x3xf32, #tpu.memory_space<vmem>>, vector<1x3xf32>
    tpu.vector_store %arg12[%swap3A, %swap3A_63], %add3A_62 {strides = array<i32>} : memref<6x3xf32, #tpu.memory_space<vmem>>, vector<1x3xf32>,
    %slice3A_65 = vector.extract_strided_slice %add3A_51 {offsets = [0, 3], sizes = [1, 3], strides = [1, 1]} : vector<1x18xf32> to vector<1x3xf32>
    %slice3A_66 = vector.extract_strided_slice %div3A_60 {offsets = [0, 0], sizes = [1, 3], strides = [1, 1]} : vector<1x8xf32> to vector<1x3xf32>
    %add3A_67 = arith.addf %slice3A_65, %slice3A_66 : vector<1x3xf32>
    %swap3A_68 = arith.constant 1 : index
    %swap3A_69 = arith.constant 0 : index
    %swap3A_70 = vector.load %arg12[%swap3A_68, %swap3A_69] : memref<6x3xf32, #tpu.memory_space<vmem>>, vector<1x3xf32>
    tpu.vector_store %arg12[%swap3A_68, %swap3A_69], %add3A_67 {strides = array<i32>} : memref<6x3xf32, #tpu.memory_space<vmem>>, vector<1x3xf32>,
    %slice3A_71 = vector.extract_strided_slice %add3A_51 {offsets = [0, 6], sizes = [1, 3], strides = [1, 1]} : vector<1x18xf32> to vector<1x3xf32>
    %slice3A_72 = vector.extract_strided_slice %div3A_60 {offsets = [0, 0], sizes = [1, 3], strides = [1, 1]} : vector<1x8xf32> to vector<1x3xf32>
    %add3A_73 = arith.addf %slice3A_71, %slice3A_72 : vector<1x3xf32>
    %swap3A_74 = arith.constant 2 : index
    %swap3A_75 = arith.constant 0 : index
    %swap3A_76 = vector.load %arg12[%swap3A_74, %swap3A_75] : memref<6x3xf32, #tpu.memory_space<vmem>>, vector<1x3xf32>
    tpu.vector_store %arg12[%swap3A_74, %swap3A_75], %add3A_73 {strides = array<i32>} : memref<6x3xf32, #tpu.memory_space<vmem>>, vector<1x3xf32>,
    %slice3A_77 = vector.extract_strided_slice %add3A_51 {offsets = [0, 9], sizes = [1, 3], strides = [1, 1]} : vector<1x18xf32> to vector<1x3xf32>
    %slice3A_78 = vector.extract_strided_slice %div3A_60 {offsets = [0, 0], sizes = [1, 3], strides = [1, 1]} : vector<1x8xf32> to vector<1x3xf32>
    %add3A_79 = arith.addf %slice3A_77, %slice3A_78 : vector<1x3xf32>
    %swap3A_80 = arith.constant 3 : index
    %swap3A_81 = arith.constant 0 : index
    %swap3A_82 = vector.load %arg12[%swap3A_80, %swap3A_81] : memref<6x3xf32, #tpu.memory_space<vmem>>, vector<1x3xf32>
    tpu.vector_store %arg12[%swap3A_80, %swap3A_81], %add3A_79 {strides = array<i32>} : memref<6x3xf32, #tpu.memory_space<vmem>>, vector<1x3xf32>,
    %slice3A_83 = vector.extract_strided_slice %add3A_51 {offsets = [0, 12], sizes = [1, 3], strides = [1, 1]} : vector<1x18xf32> to vector<1x3xf32>
    %slice3A_84 = vector.extract_strided_slice %div3A_60 {offsets = [0, 0], sizes = [1, 3], strides = [1, 1]} : vector<1x8xf32> to vector<1x3xf32>
    %add3A_85 = arith.addf %slice3A_83, %slice3A_84 : vector<1x3xf32>
    %swap3A_86 = arith.constant 4 : index
    %swap3A_87 = arith.constant 0 : index
    %swap3A_88 = vector.load %arg12[%swap3A_86, %swap3A_87] : memref<6x3xf32, #tpu.memory_space<vmem>>, vector<1x3xf32>
    tpu.vector_store %arg12[%swap3A_86, %swap3A_87], %add3A_85 {strides = array<i32>} : memref<6x3xf32, #tpu.memory_space<vmem>>, vector<1x3xf32>,
    %slice3A_89 = vector.extract_strided_slice %add3A_51 {offsets = [0, 15], sizes = [1, 3], strides = [1, 1]} : vector<1x18xf32> to vector<1x3xf32>
    %slice3A_90 = vector.extract_strided_slice %div3A_60 {offsets = [0, 0], sizes = [1, 3], strides = [1, 1]} : vector<1x8xf32> to vector<1x3xf32>
    %add3A_91 = arith.addf %slice3A_89, %slice3A_90 : vector<1x3xf32>
    %swap3A_92 = arith.constant 5 : index
    %swap3A_93 = arith.constant 0 : index
    %swap3A_94 = vector.load %arg12[%swap3A_92, %swap3A_93] : memref<6x3xf32, #tpu.memory_space<vmem>>, vector<1x3xf32>
    tpu.vector_store %arg12[%swap3A_92, %swap3A_93], %add3A_91 {strides = array<i32>} : memref<6x3xf32, #tpu.memory_space<vmem>>, vector<1x3xf32>,
    return
  }
}

</mosaic_0001>

<sc_bundles>
// kernel: kernel.6.cloned.1.call-start
scs
__scs_entry_jumppad:
0x0: {  	(pc) =	sbr.rel $0x88, $3  }
0x1: {  	(tag) =	ssettag $0x0;
	lr =	simm.s32 $0x1  }
0x2: {  	[smem:$0x3F93] =	sst lr;
	_ =	strace $0xD0000000  }
0x3: {  	_ = 	snop  }
0x4: {  	_ = 	snop  }
0x5: {  	_ = 	snop  }
0x6: {  	_ = 	snop  }
0x7: {  	_ = 	snop  }
__scs_overlays_trampoline_lowered:
0x8: {  	[smem:$0x3FA2] =	sst s0  }
0x9: {  	[smem:$0x3FA3] =	sst s1  }
0xa: {  	[smem:$0x3FA4] =	sst s2  }
0xb: {  	[smem:$0x3FA5] =	sst s3  }
0xc: {  	[smem:$0x3FA6] =	sst s4  }
0xd: {  	[smem:$0x3FA7] =	sst s5  }
0xe: {  	[smem:$0x3FA8] =	sst s6  }
0xf: {  	[smem:$0x3FA9] =	sst s7  }
0x10: {  	[smem:$0x3FAA] =	sst s8  }
0x11: {  	[smem:$0x3FAB] =	sst s9;
	s0 =	simm.s32 @!p0 $0x0  }
0x12: {  	s1 =	sld [smem:$0x3F91];
	s0 =	simm.s32 @p0 $0x1  }
0x13: {  	[smem:$0x3FAC] =	sst s0;
	s0 =	simm.s32 @!p1 $0x0  }
0x14: {  	s2 =	sld [smem:$0x3F90];
	s0 =	simm.s32 @p1 $0x1  }
0x15: {  	[smem:$0x3FAD] =	sst s0;
	s0 =	simm.s32 @!p2 $0x0  }
0x16: {  	s3 =	sld [smem:$0x3FDB];
	s0 =	simm.s32 @p2 $0x1  }
0x17: {  	s4 =	simm.s32 $0x1BF5;
	[smem:$0x3FAF] =	sst s0  }
0x18: {  	s0 =	sld [smem:$0x3F92];
	_ =	swait.ge [sflag:s4], $0x0  }
0x19: {  	s7 =	sld [smem:$0x3F93]  }
0x1a: {  	s8 =	sadd.s32 $0xFFFFE003, lr  }
0x1b: {  	s9 =	sadd.s32 $0xFFFFFEF7, lr;
	s5 =	simm.s32 $0xFFFFFFFF;
	p2 =	slt.u32 s8, $0xFFFFF086  }
0x1c: {  	p1 =	slt.u32 s9, $0xF7A;
	s5 =	simm.s32 @!p2 $0x0  }
0x1d: {  	s5 =	simm.s32 @p1 $0x1;
	p0 =	seq.s32 s7, s2  }
0x1e: {  	s7 =	smul.u32 @!p0 $0xF7A, s2;
	p2 =	seq.s32 @!p0 s5, $0x0  }
0x1f: {  	s9 =	smul.u32 $0xF7A, s1;
	s8 =	simm.s32 @!p0 $0x1BF5;
	p2 =	por !p2, p0  }
0x20: {  	[sflag:s8] =	ssyncset.s32 @!p0 $0xFFFFF086;
	s6 =	sadd.s32 @!p0 s3, s7;
	s7 =	simm.s32 @!p0 $0x108  }
0x21: {  	s3 =	sadd.s32 s3, s9;
	s6 =	sadd.s32 @!p0 $0x88, s6;
	s7 =	simm.s32 @p2 $0x1082  }
0x22: {  	[simem:s7], [sflag:s8] =	dma.local @!p0 [hbm:s6], $0xF7A  }
0x23: {  	s9 =	sor.u32 $0xD0000000, s2;
	s6 =	simm.s32 $0x108;
	_ =	swait.ge @!p0 [sflag:s8], $0x0  }
0x24: {  	s3 =	sadd.s32 $0x88, s3;
	s6 =	simm.s32 @!p1 $0x1082;
	[sflag:s4] =	ssyncset.s32 $0xFFFFF086  }
0x25: {  	[simem:s6], [sflag:s4] =	dma.local [hbm:s3], $0xF7A  }
0x26: {  	[smem:$0x3F93] =	sst s1;
	(tag) =	ssettag s2;
	_ =	strace s9  }
0x27: {  	s1 =	sld [smem:$0x3FA3]  }
0x28: {  	s2 =	sld [smem:$0x3FA4]  }
0x29: {  	s4 =	sld [smem:$0x3FA6]  }
0x2a: {  	p0 =	seq.s32 s5, $0x0;
	s5 =	sld [smem:$0x3FA7]  }
0x2b: {  	s6 =	sld [smem:$0x3FA8]  }
0x2c: {  	s7 =	sld [smem:$0x3FA9]  }
0x2d: {  	s3 =	simm.s32 $0x108;
	s8 =	sld [smem:$0x3FAA]  }
0x2e: {  	s3 =	simm.s32 @!p0 $0x1082;
	s9 =	sld [smem:$0x3FAB]  }
0x2f: {  	lr =	sadd.s32 s0, s3;
	s0 =	sld [smem:$0x3FA2]  }
0x30: {  	s3 =	sld [smem:$0x3FA5]  }
0x31: {  	[smem:$0x3FAE] =	sst s10  }
0x32: {  	s10 =	sld [smem:$0x3FAC];
	_ =	sdelay $0x3  }
0x33: {  	p0 =	seq.s32 s10, $0x1;
	s10 =	sld [smem:$0x3FAE];
	_ =	sdelay $0x3  }
0x34: {  	[smem:$0x3FAE] =	sst s10  }
0x35: {  	s10 =	sld [smem:$0x3FAD];
	_ =	sdelay $0x3  }
0x36: {  	p1 =	seq.s32 s10, $0x1;
	s10 =	sld [smem:$0x3FAE];
	_ =	sdelay $0x3  }
0x37: {  	[smem:$0x3FAE] =	sst s10  }
0x38: {  	s10 =	sld [smem:$0x3FAF]  }
0x39: {  	_ = 	snop;
	(pc) =	sbr.ind lr, $3  }
0x3a: {  	_ = 	snop  }
0x3b: {  	_ = 	snop  }
0x3c: {  	p2 =	seq.s32 s10, $0x1;
	s10 =	sld [smem:$0x3FAE]  }
0x3d: {  	_ =	shalt  }
0x3e: {  	_ =	shalt  }
0x3f: {  	_ =	shalt  }
0x40: {  	_ =	shalt  }
0x41: {  	_ =	shalt  }
0x42: {  	_ =	shalt  }
0x43: {  	_ =	shalt  }
0x44: {  	_ =	shalt  }
0x45: {  	_ =	shalt  }
0x46: {  	_ =	shalt  }
0x47: {  	_ =	shalt  }
0x48: {  	_ =	shalt  }
0x49: {  	_ =	shalt  }
0x4a: {  	_ =	shalt  }
0x4b: {  	_ =	shalt  }
0x4c: {  	_ =	shalt  }
0x4d: {  	_ =	shalt  }
0x4e: {  	_ =	shalt  }
0x4f: {  	_ =	shalt  }
0x50: {  	_ =	shalt  }
0x51: {  	_ =	shalt  }
0x52: {  	_ =	shalt  }
0x53: {  	_ =	shalt  }
0x54: {  	_ =	shalt  }
0x55: {  	_ =	shalt  }
0x56: {  	_ =	shalt  }
0x57: {  	_ =	shalt  }
0x58: {  	_ =	shalt  }
0x59: {  	_ =	shalt  }
0x5a: {  	_ =	shalt  }
0x5b: {  	_ =	shalt  }
0x5c: {  	_ =	shalt  }
0x5d: {  	_ =	shalt  }
0x5e: {  	_ =	shalt  }
0x5f: {  	_ =	shalt  }
0x60: {  	_ =	shalt  }
0x61: {  	_ =	shalt  }
0x62: {  	_ =	shalt  }
0x63: {  	_ =	shalt  }
0x64: {  	_ =	shalt  }
0x65: {  	_ =	shalt  }
0x66: {  	_ =	shalt  }
0x67: {  	_ =	shalt  }
0x68: {  	_ =	shalt  }
0x69: {  	_ =	shalt  }
0x6a: {  	_ =	shalt  }
0x6b: {  	_ =	shalt  }
0x6c: {  	_ =	shalt  }
0x6d: {  	_ =	shalt  }
0x6e: {  	_ =	shalt  }
0x6f: {  	_ =	shalt  }
0x70: {  	_ =	shalt  }
0x71: {  	_ =	shalt  }
0x72: {  	_ =	shalt  }
0x73: {  	_ =	shalt  }
0x74: {  	_ =	shalt  }
0x75: {  	_ =	shalt  }
0x76: {  	_ =	shalt  }
0x77: {  	_ =	shalt  }
0x78: {  	_ =	shalt  }
0x79: {  	_ =	shalt  }
0x7a: {  	_ =	shalt  }
0x7b: {  	_ =	shalt  }
0x7c: {  	_ =	shalt  }
0x7d: {  	_ =	shalt  }
0x7e: {  	_ =	shalt  }
0x7f: {  	_ =	shalt  }
0x80: {  	_ =	shalt  }
0x81: {  	_ =	shalt  }
0x82: {  	_ =	shalt  }
0x83: {  	_ =	shalt  }
0x84: {  	_ =	shalt  }
0x85: {  	_ =	shalt  }
0x86: {  	_ =	shalt  }
0x87: {  	_ =	shalt  }
.Lfunc_end0:
.L_simem_size_0:
called_computation_lowered:
.L_overlay_start_0:
0x88: {  	s2 =	sld [smem:$0x3FD9]  }
0x89: {  	s3 =	sld [smem:$0x3FFE];
	_ =	sdelay $0x1  }
0x8a: {  	s1 =	srdreg.scid  }
0x8b: {  	s0 =	sand.u32 $0x1, s1  }
0x8c: {  	s16 =	sshll.u32 s0, $0xA;
	s2 =	sadd.s32 s3, s2  }
0x8d: {  	s2 =	sadd.s32 s2, s16  }
0x8e: {  	[smem:$0x3FBA] =	sst s2  }
0x8f: {  	_ = 	snop  }
0x90: {  	(tm) =	ssettm $0x1  }
0x91: {  	s17 =	sld [smem:$0x3FFB];
	_ =	sdelay $0x3  }
0x92: {  	_ =	strace s17  }
0x93: {  	s2 =	sld [smem:$0x3FFC];
	_ =	sdelay $0x3  }
0x94: {  	_ =	strace s2  }
0x95: {  	s2 =	sld [smem:$0x3FFD];
	_ =	sdelay $0x3  }
0x96: {  	_ =	strace s2  }
0x97: {  	_ =	strace $0x8FFFFFFF  }
0x98: {  	s18 =	sld [smem:$0x3FDB];
	_ =	sdelay $0x1  }
0x99: {  	s19 =	simm.s32 $_scs_section_size  }
0x9a: {  	s4 =	simm.s32 $_size__tile_overlayer_lowered;
	s5 =	simm.s32 $_tile_overlayer_lowered  }
0x9b: {  	s22 =	simm.s32 $0x1BFF;
	s21 =	sshll.u32 s5, $0x1;
	s2 =	sadd.s32 s19, s18  }
0x9c: {  	s6 =	simm.s32 $0x0;
	s20 =	sshll.u32 s4, $0x1;
	s4 =	sadd.s32 s21, s2  }
0x9d: {  	[timem:s6], [sflag:s22] =	dma.local [hbm:s4], s20  }
0x9e: {  	_ =	swait.ge [sflag:s22], s20  }
0x9f: {  	s3 =	ssub.s32 $0x0, s20;
	[sflag:s22] =	ssyncset.done $0x0  }
0xa0: {  	[sflag:s22] =	ssyncadd.s32 s3;
	_ =	sdelay $0x1  }
0xa1: {  	s23 =	simm.s32 $0x1B8B  }
0xa2: {  	_ =	swait.ge [sflag:s23], $0x1  }
0xa3: {  	[sflag:s23] =	ssyncset.done $0x0  }
0xa4: {  	s25 =	simm.s32 $0x1B8E;
	s24 =	sld [smem:$0x3FFE];
	[sflag:s23] =	ssyncadd.s32 $0xFFFFFFFF  }
0xa5: {  	s26 =	simm.s32 $execute0_lowered;
	[smem:$0x3FD2] =	sst s25  }
0xa6: {  	s4 =	sshll.u32 s26, $0x1;
	_ =	strace $0x80000046;
	[dreg:$0x1] =	wrdreg $0xFFFFFFFF  }
0xa7: {  	s28 =	simm.s32 $_size_execute0_lowered;
	s2 =	sadd.s32 s2, s4;
	[dreg:$0x0] =	wrdreg $0x0  }
0xa8: {  	s4 =	sshll.u32 s28, $0x1;
	[dreg:$0x2] =	wrdreg s2  }
0xa9: {  	[dreg:$0x3] =	wrdreg s4  }
0xaa: {  	[dreg:$0x4] =	wrdreg $0xC0  }
0xab: {  	_ =	task [dreg:s6], $0x5FFFF  }
0xac: {  	[dreg:$0x1] =	wrdreg $0xFFFFFFFF  }
0xad: {  	[dreg:$0x0] =	wrdreg $0x60  }
0xae: {  	[dreg:$0x2] =	wrdreg s24  }
0xaf: {  	[dreg:$0x3] =	wrdreg $0x28000  }
0xb0: {  	[dreg:$0x4] =	wrdreg $0x9  }
0xb1: {  	_ =	task.clear_ibuf [dreg:s6], $0x5FFFF;
	_ =	strace $0x90000046  }
0xb2: {  	s29 =	simm.s32 $0x9;
	_ =	strace $0x80000048  }
0xb3: {  	_ =	swait.ge [sflag:s29], $0x1  }
0xb4: {  	[sflag:s29] =	ssyncadd.s32 $0xFFFFFFFF  }
0xb5: {  	_ =	strace $0x90000048  }
0xb6: {  	_ =	sfence  }
0xb7: {  	s30 =	sld [smem:$0x0];
	_ =	sdelay $0x2  }
0xb8: {  	s31 =	sshll.u32 s1, $0xD;
	s1 =	sshrl.u32 s1, $0x2  }
0xb9: {  	s3 =	sand.u32 $0x4000, s31;
	s1 =	sadd.s32 s1, s30  }
0xba: {  	s0 =	sor.u32 s3, s0;
	s1 =	sshll.u32 s1, $0x11  }
0xbb: {  	s0 =	sor.u32 s1, s0  }
0xbc: {  	s0 =	sadd.s32 $0x8F2B, s0  }
0xbd: {  	[sflag:s0] =	ssyncadd.remote.s32 $0x1  }
0xbe: {  	_ =	sfence.sel $0xFFFF  }
0xbf: {  	[dreg:$0x0] =	wrdreg $0xFFFFFFFF;
	(pc) =	sbr.abs _section_cstart, $3  }
0xc0: {  	[dreg:$0x1] =	wrdreg $0xFFFFFFFF  }
0xc1: {  	_ =	task.clear_ibuf [dreg:s6], $0x2FFFF;
	_ =	strace $0x9FFFFFFF  }
0xc2: {  	(tm) =	ssettm $0x7FFFFFFF  }
0xc3: {  	_ =	shalt  }
tec
execute0_lowered:
.L_overlay_start_1:
0x0: {  	(tag) =	ssettag $0x1  }
0x1: {  	s0 =	srdreg.scid;
	s1 =	rddreg [dreg:$0x0]  }
0x2: {  	s9 =	stileid.u32;
	s2 =	rddreg [dreg:$0x1]  }
0x3: {  	s3 =	simm.s32 $0x0;
	s11 =	simm.s32 $0x400;
	s12 =	simm.s32 $0x80  }
0x4: {  	s13 =	simm.s32 $0x800;
	s25 =	simm.s32 $0x100;
	s14 =	simm.s32 $0xC00  }
0x5: {  	s26 =	simm.s32 $0x180;
	s15 =	simm.s32 $0x1000;
	s16 =	simm.s32 $0x1400  }
0x6: {  	s17 =	simm.s32 $0x200;
	s18 =	simm.s32 $0x1800;
	s19 =	simm.s32 $0x280  }
0x7: {  	s28 =	simm.s32 $0x500;
	s29 =	simm.s32 $0x580;
	s30 =	simm.s32 $0x600  }
0x8: {  	s31 =	simm.s32 $0x680;
	s0 =	sand.u32 $0x1, s0;
	s6 =	smul.u32 $0xC400, s9  }
0x9: {  	s7 =	smul.u32 $0xC380, s9;
	[smem:$0x7FF] =	sst s3;
	s4 =	sadd.s32 $0x30FA00, s1  }
0xa: {  	s10 =	sadd.s32 $0x1BA000, s1;
	s23 =	sshll.u32 s9, $0x6;
	s9 =	simm.s32 $0x0  }
0xb: {  	s5 =	smul.u32 $0xC4000, s0;
	_ =	strace $0x80000047;
	[dreg:$0x7] =	wrdreg s10  }
0xc: {  	s8 =	smul.u32 $0xC3800, s0;
	s0 =	ssub.s32 $0x2, s0;
	[dreg:$0x5] =	wrdreg s25  }
0xd: {  	s10 =	simm.s32 $0x3;
	[dreg:$0x6] =	wrdreg s26;
	s25 =	simm.s32 $0x1  }
0xe: {  	s26 =	simm.s32 $0x480;
	s21 =	sshrl.u32 s0, $0x1;
	s22 =	sadd.s32 s7, s2  }
0xf: {  	s5 =	sadd.s32 s6, s5;
	s20 =	sadd.s32 s7, s8;
	s0 =	ssub.s32 s0, s21  }
0x10: {  	s7 =	sor.u32 $0x1C03, s23;
	s8 =	sshrl.u32 s22, $0x3;
	s21 =	simm.s32 $0x300  }
0x11: {  	s5 =	sshrl.u32 s5, $0x3;
	s6 =	sshrl.u32 s20, $0x3;
	[dreg:$0x8] =	wrdreg s7  }
0x12: {  	s0 =	smax.u32 s0, $0x1;
	[dreg:$0xb] =	wrdreg s8;
	s5 =	sadd.s32 s5, s1  }
0x13: {  	s1 =	sadd.s32 s6, s1;
	[dreg:$0xa] =	wrdreg s0;
	s24 =	sadd.s32 $0x1EB000, s5  }
0x14: {  	s22 =	simm.s32 $0x2000;
	s1 =	sadd.s32 $0x21C000, s1;
	[dreg:$0x3] =	wrdreg s24  }
0x15: {  	s23 =	simm.s32 $0x380;
	s5 =	sadd.s32 $0x189000, s5;
	[dreg:$0x9] =	wrdreg s1  }
0x16: {  	s20 =	simm.s32 $0x1C00;
	s0 =	simm.s32 $0x780;
	[dreg:$0x4] =	wrdreg s5  }
0x17: {  	s24 =	simm.s32 $0x2400;
	s1 =	simm.s32 $0x700;
	s5 =	simm.s32 $0x2  }
.LBB2_1:
0x18: {  	[dreg:$0xc] =	wrdreg s9  }
0x19: {  	s6 =	rddreg [dreg:$0x7]  }
0x1a: {  	[spmem:s8], [sflag:s7] =	dma.local [hbm:s6], $0x1870  }
0x1b: {  	_ =	swait.ge [sflag:s10], $0x1870  }
0x1c: {  	[sflag:s10] =	ssyncset.done $0x0  }
0x1d: {  	[sflag:s10] =	ssyncadd.s32 $0xFFFFE790  }
0x1e: {  	[bflag:$0x0] =	sbarrier.arrive $0xFFFF  }
0x1f: {  	s9 =	rddreg [dreg:$0x4]  }
0x20: {  	s6 =	sadd.s32 $0x0, s9  }
0x21: {  	[tilespmem:s3], [sflag:$0x3] =	stream.linear.gather [hbm4b:s6+s3], $0x400, $0x38;
	[tilespmem:$0xEB80] =	vst v63  }
0x22: {  	_ =	swait.ge [sflag:s10], $0x400  }
0x23: {  	s7 =	rddreg [dreg:$0x3];
	[sflag:s10] =	ssyncset.done $0x0  }
0x24: {  	[sflag:s10] =	ssyncadd.s32 $0xFFFFFC00;
	s6 =	sadd.s32 $0x0, s7  }
0x25: {  	[tilespmem:s11], [sflag:$0x3] =	stream.linear.gather [hbm4b:s6+s3], $0x400, $0x38;
	[tilespmem:$0xEB80] =	vst v63  }
0x26: {  	_ =	swait.ge [sflag:s10], $0x400  }
0x27: {  	[sflag:s10] =	ssyncset.done $0x0  }
0x28: {  	[sflag:s10] =	ssyncadd.s32 $0xFFFFFC00  }
0x29: {  	[tilespmem:s13], [sflag:$0x1] =	stream.indirect.gather [hbm4b:s4+s12], $0x8, s3, s12, $0xb8;
	[tilespmem:$0xEB80] =	vst v63  }
0x2a: {  	_ = 	snop  }
0x2b: {  	[tilespmem:s14], [sflag:$0x1] =	stream.indirect.gather [hbm4b:s4+s12], $0x8, s12, s12, $0xb8;
	[tilespmem:$0xEB80] =	vst v63  }
0x2c: {  	s8 =	rddreg [dreg:$0x5]  }
0x2d: {  	[tilespmem:s15], [sflag:$0x1] =	stream.indirect.gather [hbm4b:s4+s12], $0x8, s8, s12, $0xb8;
	[tilespmem:$0xEB80] =	vst v63  }
0x2e: {  	s9 =	rddreg [dreg:$0x6]  }
0x2f: {  	[tilespmem:s16], [sflag:$0x1] =	stream.indirect.gather [hbm4b:s4+s12], $0x8, s9, s12, $0xb8;
	[tilespmem:$0xEB80] =	vst v63  }
0x30: {  	_ = 	snop  }
0x31: {  	[tilespmem:s18], [sflag:$0x1] =	stream.indirect.gather [hbm4b:s4+s12], $0x8, s17, s12, $0xb8;
	[tilespmem:$0xEB80] =	vst v63  }
0x32: {  	_ = 	snop  }
0x33: {  	[tilespmem:s20], [sflag:$0x1] =	stream.indirect.gather [hbm4b:s4+s12], $0x8, s19, s12, $0xb8;
	[tilespmem:$0xEB80] =	vst v63  }
0x34: {  	_ = 	snop  }
0x35: {  	[tilespmem:s22], [sflag:$0x1] =	stream.indirect.gather [hbm4b:s4+s12], $0x8, s21, s12, $0xb8;
	[tilespmem:$0xEB80] =	vst v63  }
0x36: {  	_ = 	snop  }
0x37: {  	[tilespmem:s24], [sflag:$0x1] =	stream.indirect.gather [hbm4b:s4+s12], $0x8, s23, s12, $0xb8;
	[tilespmem:$0xEB80] =	vst v63  }
0x38: {  	_ =	swait.ge [sflag:s25], $0x400  }
0x39: {  	[sflag:s25] =	ssyncset.done $0x0  }
0x3a: {  	[sflag:s25] =	ssyncadd.s32 $0xFFFFFC00  }
0x3b: {  	_ =	swait.ge [sflag:s25], $0x400  }
0x3c: {  	[sflag:s25] =	ssyncset.done $0x0  }
0x3d: {  	[sflag:s25] =	ssyncadd.s32 $0xFFFFFC00  }
0x3e: {  	_ =	swait.ge [sflag:s25], $0x400  }
0x3f: {  	[sflag:s25] =	ssyncset.done $0x0  }
0x40: {  	[sflag:s25] =	ssyncadd.s32 $0xFFFFFC00  }
0x41: {  	_ =	swait.ge [sflag:s25], $0x400  }
0x42: {  	[sflag:s25] =	ssyncset.done $0x0  }
0x43: {  	[sflag:s25] =	ssyncadd.s32 $0xFFFFFC00  }
0x44: {  	_ =	swait.ge [sflag:s25], $0x400  }
0x45: {  	[sflag:s25] =	ssyncset.done $0x0  }
0x46: {  	[sflag:s25] =	ssyncadd.s32 $0xFFFFFC00  }
0x47: {  	_ =	swait.ge [sflag:s25], $0x400  }
0x48: {  	[sflag:s25] =	ssyncset.done $0x0  }
0x49: {  	[sflag:s25] =	ssyncadd.s32 $0xFFFFFC00  }
0x4a: {  	_ =	swait.ge [sflag:s25], $0x400  }
0x4b: {  	[sflag:s25] =	ssyncset.done $0x0  }
0x4c: {  	[sflag:s25] =	ssyncadd.s32 $0xFFFFFC00  }
0x4d: {  	_ =	swait.ge [sflag:s25], $0x400  }
0x4e: {  	[sflag:s25] =	ssyncset.done $0x0  }
0x4f: {  	[sflag:s25] =	ssyncadd.s32 $0xFFFFFC00  }
0x50: {  	[spmem:s2] =	stream.indirect.scatter.add.f32 [tilespmem:s13], [sflag:$0x2], $0x8, s11, s12, $0xb8;
	[tilespmem:$0xEB80] =	vst v63  }
0x51: {  	_ = 	snop  }
0x52: {  	[spmem:s2] =	stream.indirect.scatter.add.f32 [tilespmem:s14], [sflag:$0x2], $0x8, s26, s12, $0xb8;
	[tilespmem:$0xEB80] =	vst v63  }
0x53: {  	_ = 	snop  }
0x54: {  	[spmem:s2] =	stream.indirect.scatter.add.f32 [tilespmem:s15], [sflag:$0x2], $0x8, s28, s12, $0xb8;
	[tilespmem:$0xEB80] =	vst v63  }
0x55: {  	_ = 	snop  }
0x56: {  	[spmem:s2] =	stream.indirect.scatter.add.f32 [tilespmem:s16], [sflag:$0x2], $0x8, s29, s12, $0xb8;
	[tilespmem:$0xEB80] =	vst v63  }
0x57: {  	_ = 	snop  }
0x58: {  	[spmem:s2] =	stream.indirect.scatter.add.f32 [tilespmem:s18], [sflag:$0x2], $0x8, s30, s12, $0xb8;
	[tilespmem:$0xEB80] =	vst v63  }
0x59: {  	_ = 	snop  }
0x5a: {  	[spmem:s2] =	stream.indirect.scatter.add.f32 [tilespmem:s20], [sflag:$0x2], $0x8, s31, s12, $0xb8;
	[tilespmem:$0xEB80] =	vst v63  }
0x5b: {  	_ = 	snop  }
0x5c: {  	[spmem:s2] =	stream.indirect.scatter.add.f32 [tilespmem:s22], [sflag:$0x2], $0x8, s1, s12, $0xb8;
	[tilespmem:$0xEB80] =	vst v63  }
0x5d: {  	_ = 	snop  }
0x5e: {  	[spmem:s2] =	stream.indirect.scatter.add.f32 [tilespmem:s24], [sflag:$0x2], $0x8, s0, s12, $0xb8;
	[tilespmem:$0xEB80] =	vst v63  }
0x5f: {  	_ =	swait.ge [sflag:s5], $0x400  }
0x60: {  	[sflag:s5] =	ssyncset.done $0x0  }
0x61: {  	[sflag:s5] =	ssyncadd.s32 $0xFFFFFC00  }
0x62: {  	_ =	swait.ge [sflag:s5], $0x400  }
0x63: {  	[sflag:s5] =	ssyncset.done $0x0  }
0x64: {  	[sflag:s5] =	ssyncadd.s32 $0xFFFFFC00  }
0x65: {  	_ =	swait.ge [sflag:s5], $0x400  }
0x66: {  	[sflag:s5] =	ssyncset.done $0x0  }
0x67: {  	[sflag:s5] =	ssyncadd.s32 $0xFFFFFC00  }
0x68: {  	_ =	swait.ge [sflag:s5], $0x400  }
0x69: {  	[sflag:s5] =	ssyncset.done $0x0  }
0x6a: {  	[sflag:s5] =	ssyncadd.s32 $0xFFFFFC00  }
0x6b: {  	_ =	swait.ge [sflag:s5], $0x400  }
0x6c: {  	[sflag:s5] =	ssyncset.done $0x0  }
0x6d: {  	[sflag:s5] =	ssyncadd.s32 $0xFFFFFC00  }
0x6e: {  	_ =	swait.ge [sflag:s5], $0x400  }
0x6f: {  	[sflag:s5] =	ssyncset.done $0x0  }
0x70: {  	[sflag:s5] =	ssyncadd.s32 $0xFFFFFC00  }
0x71: {  	_ =	swait.ge [sflag:s5], $0x400  }
0x72: {  	[sflag:s5] =	ssyncset.done $0x0  }
0x73: {  	[sflag:s5] =	ssyncadd.s32 $0xFFFFFC00  }
0x74: {  	s6 =	simm.s32 $0x100;
	_ =	swait.ge [sflag:s5], $0x400  }
0x75: {  	s8 =	simm.s32 $0x80;
	s9 =	rddreg [dreg:$0x4];
	[sflag:s5] =	ssyncset.done $0x0  }
.LBB2_2:
0x76: {  	[sflag:s5] =	ssyncadd.s32 $0xFFFFFC00;
	s9 =	sadd.s32 s8, s9  }
0x77: {  	[tilespmem:s3], [sflag:$0x3] =	stream.linear.gather [hbm4b:s9+s3], $0x400, $0x38;
	[tilespmem:$0xEB80] =	vst v63  }
0x78: {  	_ =	swait.ge [sflag:s10], $0x400  }
0x79: {  	s9 =	rddreg [dreg:$0x3];
	[sflag:s10] =	ssyncset.done $0x0  }
0x7a: {  	[sflag:s10] =	ssyncadd.s32 $0xFFFFFC00;
	s9 =	sadd.s32 s8, s9  }
0x7b: {  	[tilespmem:s11], [sflag:$0x3] =	stream.linear.gather [hbm4b:s9+s3], $0x400, $0x38;
	[tilespmem:$0xEB80] =	vst v63  }
0x7c: {  	_ =	swait.ge [sflag:s10], $0x400  }
0x7d: {  	[sflag:s10] =	ssyncset.done $0x0  }
0x7e: {  	[sflag:s10] =	ssyncadd.s32 $0xFFFFFC00  }
0x7f: {  	[tilespmem:s13], [sflag:$0x1] =	stream.indirect.gather [hbm4b:s4+s12], $0x8, s3, s12, $0xb8;
	[tilespmem:$0xEB80] =	vst v63  }
0x80: {  	s7 =	smov.u32 s6  }
0x81: {  	[tilespmem:s14], [sflag:$0x1] =	stream.indirect.gather [hbm4b:s4+s12], $0x8, s12, s12, $0xb8;
	[tilespmem:$0xEB80] =	vst v63  }
0x82: {  	s8 =	smov.u32 s7;
	s7 =	rddreg [dreg:$0x5]  }
0x83: {  	[tilespmem:s15], [sflag:$0x1] =	stream.indirect.gather [hbm4b:s4+s12], $0x8, s7, s12, $0xb8;
	[tilespmem:$0xEB80] =	vst v63  }
0x84: {  	s9 =	rddreg [dreg:$0x6]  }
0x85: {  	[tilespmem:s16], [sflag:$0x1] =	stream.indirect.gather [hbm4b:s4+s12], $0x8, s9, s12, $0xb8;
	[tilespmem:$0xEB80] =	vst v63  }
0x86: {  	_ = 	snop  }
0x87: {  	[tilespmem:s18], [sflag:$0x1] =	stream.indirect.gather [hbm4b:s4+s12], $0x8, s17, s12, $0xb8;
	[tilespmem:$0xEB80] =	vst v63  }
0x88: {  	_ = 	snop  }
0x89: {  	[tilespmem:s20], [sflag:$0x1] =	stream.indirect.gather [hbm4b:s4+s12], $0x8, s19, s12, $0xb8;
	[tilespmem:$0xEB80] =	vst v63  }
0x8a: {  	_ = 	snop  }
0x8b: {  	[tilespmem:s22], [sflag:$0x1] =	stream.indirect.gather [hbm4b:s4+s12], $0x8, s21, s12, $0xb8;
	[tilespmem:$0xEB80] =	vst v63  }
0x8c: {  	_ = 	snop  }
0x8d: {  	[tilespmem:s24], [sflag:$0x1] =	stream.indirect.gather [hbm4b:s4+s12], $0x8, s23, s12, $0xb8;
	[tilespmem:$0xEB80] =	vst v63  }
0x8e: {  	_ =	swait.ge [sflag:s25], $0x400  }
0x8f: {  	[sflag:s25] =	ssyncset.done $0x0  }
0x90: {  	[sflag:s25] =	ssyncadd.s32 $0xFFFFFC00  }
0x91: {  	_ =	swait.ge [sflag:s25], $0x400  }
0x92: {  	[sflag:s25] =	ssyncset.done $0x0  }
0x93: {  	[sflag:s25] =	ssyncadd.s32 $0xFFFFFC00  }
0x94: {  	_ =	swait.ge [sflag:s25], $0x400  }
0x95: {  	[sflag:s25] =	ssyncset.done $0x0  }
0x96: {  	[sflag:s25] =	ssyncadd.s32 $0xFFFFFC00  }
0x97: {  	_ =	swait.ge [sflag:s25], $0x400  }
0x98: {  	[sflag:s25] =	ssyncset.done $0x0  }
0x99: {  	[sflag:s25] =	ssyncadd.s32 $0xFFFFFC00  }
0x9a: {  	_ =	swait.ge [sflag:s25], $0x400  }
0x9b: {  	[sflag:s25] =	ssyncset.done $0x0  }
0x9c: {  	[sflag:s25] =	ssyncadd.s32 $0xFFFFFC00  }
0x9d: {  	_ =	swait.ge [sflag:s25], $0x400  }
0x9e: {  	[sflag:s25] =	ssyncset.done $0x0  }
0x9f: {  	[sflag:s25] =	ssyncadd.s32 $0xFFFFFC00  }
0xa0: {  	_ =	swait.ge [sflag:s25], $0x400  }
0xa1: {  	[sflag:s25] =	ssyncset.done $0x0  }
0xa2: {  	[sflag:s25] =	ssyncadd.s32 $0xFFFFFC00  }
0xa3: {  	_ =	swait.ge [sflag:s25], $0x400  }
0xa4: {  	[sflag:s25] =	ssyncset.done $0x0  }
0xa5: {  	[sflag:s25] =	ssyncadd.s32 $0xFFFFFC00  }
0xa6: {  	[spmem:s2] =	stream.indirect.scatter.add.f32 [tilespmem:s13], [sflag:$0x2], $0x8, s11, s12, $0xb8;
	[tilespmem:$0xEB80] =	vst v63  }
0xa7: {  	_ = 	snop  }
0xa8: {  	[spmem:s2] =	stream.indirect.scatter.add.f32 [tilespmem:s14], [sflag:$0x2], $0x8, s26, s12, $0xb8;
	[tilespmem:$0xEB80] =	vst v63  }
0xa9: {  	_ = 	snop  }
0xaa: {  	[spmem:s2] =	stream.indirect.scatter.add.f32 [tilespmem:s15], [sflag:$0x2], $0x8, s28, s12, $0xb8;
	[tilespmem:$0xEB80] =	vst v63  }
0xab: {  	_ = 	snop  }
0xac: {  	[spmem:s2] =	stream.indirect.scatter.add.f32 [tilespmem:s16], [sflag:$0x2], $0x8, s29, s12, $0xb8;
	[tilespmem:$0xEB80] =	vst v63  }
0xad: {  	_ = 	snop  }
0xae: {  	[spmem:s2] =	stream.indirect.scatter.add.f32 [tilespmem:s18], [sflag:$0x2], $0x8, s30, s12, $0xb8;
	[tilespmem:$0xEB80] =	vst v63  }
0xaf: {  	_ = 	snop  }
0xb0: {  	[spmem:s2] =	stream.indirect.scatter.add.f32 [tilespmem:s20], [sflag:$0x2], $0x8, s31, s12, $0xb8;
	[tilespmem:$0xEB80] =	vst v63  }
0xb1: {  	_ = 	snop  }
0xb2: {  	[spmem:s2] =	stream.indirect.scatter.add.f32 [tilespmem:s22], [sflag:$0x2], $0x8, s1, s12, $0xb8;
	[tilespmem:$0xEB80] =	vst v63  }
0xb3: {  	_ = 	snop  }
0xb4: {  	[spmem:s2] =	stream.indirect.scatter.add.f32 [tilespmem:s24], [sflag:$0x2], $0x8, s0, s12, $0xb8;
	[tilespmem:$0xEB80] =	vst v63  }
0xb5: {  	_ =	swait.ge [sflag:s5], $0x400  }
0xb6: {  	[sflag:s5] =	ssyncset.done $0x0  }
0xb7: {  	[sflag:s5] =	ssyncadd.s32 $0xFFFFFC00  }
0xb8: {  	_ =	swait.ge [sflag:s5], $0x400  }
0xb9: {  	[sflag:s5] =	ssyncset.done $0x0  }
0xba: {  	[sflag:s5] =	ssyncadd.s32 $0xFFFFFC00  }
0xbb: {  	_ =	swait.ge [sflag:s5], $0x400  }
0xbc: {  	[sflag:s5] =	ssyncset.done $0x0  }
0xbd: {  	[sflag:s5] =	ssyncadd.s32 $0xFFFFFC00  }
0xbe: {  	_ =	swait.ge [sflag:s5], $0x400  }
0xbf: {  	[sflag:s5] =	ssyncset.done $0x0  }
0xc0: {  	[sflag:s5] =	ssyncadd.s32 $0xFFFFFC00  }
0xc1: {  	_ =	swait.ge [sflag:s5], $0x400  }
0xc2: {  	[sflag:s5] =	ssyncset.done $0x0  }
0xc3: {  	[sflag:s5] =	ssyncadd.s32 $0xFFFFFC00  }
0xc4: {  	_ =	swait.ge [sflag:s5], $0x400  }
0xc5: {  	[sflag:s5] =	ssyncset.done $0x0  }
0xc6: {  	p0 =	sne.s32 s6, $0x1800;
	[sflag:s5] =	ssyncadd.s32 $0xFFFFFC00  }
.Ltmp0:
0xc7: {  	_ =	swait.ge [sflag:s5], $0x400;
	(pc) =	sbr.rel @p0 .LBB2_2-.Ltmp0, $4  }
0xc8: {  	[sflag:s5] =	ssyncset.done $0x0  }
0xc9: {  	[sflag:s5] =	ssyncadd.s32 $0xFFFFFC00  }
0xca: {  	_ =	swait.ge [sflag:s5], $0x400  }
0xcb: {  	s6 =	sadd.s32 $0x80, s6;
	s9 =	rddreg [dreg:$0x4];
	[sflag:s5] =	ssyncset.done $0x0  }
0xcc: {  	[sflag:s5] =	ssyncadd.s32 $0xFFFFFC00;
	s6 =	sadd.s32 s8, s9  }
0xcd: {  	[tilespmem:s3], [sflag:$0x3] =	stream.linear.gather [hbm4b:s6+s3], $0x400, $0x38;
	[tilespmem:$0xEB80] =	vst v63  }
0xce: {  	_ =	swait.ge [sflag:s10], $0x400  }
0xcf: {  	s7 =	rddreg [dreg:$0x3];
	[sflag:s10] =	ssyncset.done $0x0  }
0xd0: {  	[sflag:s10] =	ssyncadd.s32 $0xFFFFFC00;
	s6 =	sadd.s32 s8, s7  }
0xd1: {  	[tilespmem:s11], [sflag:$0x3] =	stream.linear.gather [hbm4b:s6+s3], $0x400, $0x38;
	[tilespmem:$0xEB80] =	vst v63  }
0xd2: {  	_ =	swait.ge [sflag:s10], $0x400  }
0xd3: {  	[sflag:s10] =	ssyncset.done $0x0  }
0xd4: {  	[sflag:s10] =	ssyncadd.s32 $0xFFFFFC00  }
0xd5: {  	[tilespmem:s13], [sflag:$0x1] =	stream.indirect.gather [hbm4b:s4+s12], $0x8, s3, s12, $0xb8;
	[tilespmem:$0xEB80] =	vst v63  }
0xd6: {  	_ = 	snop  }
0xd7: {  	[tilespmem:s14], [sflag:$0x1] =	stream.indirect.gather [hbm4b:s4+s12], $0x8, s12, s12, $0xb8;
	[tilespmem:$0xEB80] =	vst v63  }
0xd8: {  	s8 =	rddreg [dreg:$0x5]  }
0xd9: {  	[tilespmem:s15], [sflag:$0x1] =	stream.indirect.gather [hbm4b:s4+s12], $0x8, s8, s12, $0xb8;
	[tilespmem:$0xEB80] =	vst v63  }
0xda: {  	s7 =	rddreg [dreg:$0x6]  }
0xdb: {  	[tilespmem:s16], [sflag:$0x1] =	stream.indirect.gather [hbm4b:s4+s12], $0x8, s7, s12, $0xb8;
	[tilespmem:$0xEB80] =	vst v63  }
0xdc: {  	_ = 	snop  }
0xdd: {  	[tilespmem:s18], [sflag:$0x1] =	stream.indirect.gather [hbm4b:s4+s12], $0x8, s17, s12, $0xb8;
	[tilespmem:$0xEB80] =	vst v63  }
0xde: {  	_ = 	snop  }
0xdf: {  	[tilespmem:s20], [sflag:$0x1] =	stream.indirect.gather [hbm4b:s4+s12], $0x8, s19, s12, $0xb8;
	[tilespmem:$0xEB80] =	vst v63  }
0xe0: {  	_ = 	snop  }
0xe1: {  	[tilespmem:s22], [sflag:$0x1] =	stream.indirect.gather [hbm4b:s4+s12], $0x8, s21, s12, $0xb8;
	[tilespmem:$0xEB80] =	vst v63  }
0xe2: {  	_ = 	snop  }
0xe3: {  	[tilespmem:s24], [sflag:$0x1] =	stream.indirect.gather [hbm4b:s4+s12], $0x8, s23, s12, $0xb8;
	[tilespmem:$0xEB80] =	vst v63  }
0xe4: {  	_ =	swait.ge [sflag:s25], $0x400  }
0xe5: {  	[sflag:s25] =	ssyncset.done $0x0  }
0xe6: {  	[sflag:s25] =	ssyncadd.s32 $0xFFFFFC00  }
0xe7: {  	_ =	swait.ge [sflag:s25], $0x400  }
0xe8: {  	[sflag:s25] =	ssyncset.done $0x0  }
0xe9: {  	[sflag:s25] =	ssyncadd.s32 $0xFFFFFC00  }
0xea: {  	_ =	swait.ge [sflag:s25], $0x400  }
0xeb: {  	[sflag:s25] =	ssyncset.done $0x0  }
0xec: {  	[sflag:s25] =	ssyncadd.s32 $0xFFFFFC00  }
0xed: {  	_ =	swait.ge [sflag:s25], $0x400  }
0xee: {  	[sflag:s25] =	ssyncset.done $0x0  }
0xef: {  	[sflag:s25] =	ssyncadd.s32 $0xFFFFFC00  }
0xf0: {  	_ =	swait.ge [sflag:s25], $0x400  }
0xf1: {  	[sflag:s25] =	ssyncset.done $0x0  }
0xf2: {  	[sflag:s25] =	ssyncadd.s32 $0xFFFFFC00  }
0xf3: {  	_ =	swait.ge [sflag:s25], $0x400  }
0xf4: {  	[sflag:s25] =	ssyncset.done $0x0  }
0xf5: {  	[sflag:s25] =	ssyncadd.s32 $0xFFFFFC00  }
0xf6: {  	_ =	swait.ge [sflag:s25], $0x400  }
0xf7: {  	[sflag:s25] =	ssyncset.done $0x0  }
0xf8: {  	[sflag:s25] =	ssyncadd.s32 $0xFFFFFC00  }
0xf9: {  	_ =	swait.ge [sflag:s25], $0x400  }
0xfa: {  	[sflag:s25] =	ssyncset.done $0x0  }
0xfb: {  	[sflag:s25] =	ssyncadd.s32 $0xFFFFFC00  }
0xfc: {  	[spmem:s2] =	stream.indirect.scatter.add.f32 [tilespmem:s13], [sflag:$0x2], $0x8, s11, s12, $0xb8;
	[tilespmem:$0xEB80] =	vst v63  }
0xfd: {  	_ = 	snop  }
0xfe: {  	[spmem:s2] =	stream.indirect.scatter.add.f32 [tilespmem:s14], [sflag:$0x2], $0x8, s26, s12, $0xb8;
	[tilespmem:$0xEB80] =	vst v63  }
0xff: {  	_ = 	snop  }
0x100: {  	[spmem:s2] =	stream.indirect.scatter.add.f32 [tilespmem:s15], [sflag:$0x2], $0x8, s28, s12, $0xb8;
	[tilespmem:$0xEB80] =	vst v63  }
0x101: {  	_ = 	snop  }
0x102: {  	[spmem:s2] =	stream.indirect.scatter.add.f32 [tilespmem:s16], [sflag:$0x2], $0x8, s29, s12, $0xb8;
	[tilespmem:$0xEB80] =	vst v63  }
0x103: {  	_ = 	snop  }
0x104: {  	[spmem:s2] =	stream.indirect.scatter.add.f32 [tilespmem:s18], [sflag:$0x2], $0x8, s30, s12, $0xb8;
	[tilespmem:$0xEB80] =	vst v63  }
0x105: {  	_ = 	snop  }
0x106: {  	[spmem:s2] =	stream.indirect.scatter.add.f32 [tilespmem:s20], [sflag:$0x2], $0x8, s31, s12, $0xb8;
	[tilespmem:$0xEB80] =	vst v63  }
0x107: {  	_ = 	snop  }
0x108: {  	[spmem:s2] =	stream.indirect.scatter.add.f32 [tilespmem:s22], [sflag:$0x2], $0x8, s1, s12, $0xb8;
	[tilespmem:$0xEB80] =	vst v63  }
0x109: {  	_ = 	snop  }
0x10a: {  	[spmem:s2] =	stream.indirect.scatter.add.f32 [tilespmem:s24], [sflag:$0x2], $0x8, s0, s12, $0xb8;
	[tilespmem:$0xEB80] =	vst v63  }
0x10b: {  	_ =	swait.ge [sflag:s5], $0x400  }
0x10c: {  	[sflag:s5] =	ssyncset.done $0x0  }
0x10d: {  	[sflag:s5] =	ssyncadd.s32 $0xFFFFFC00  }
0x10e: {  	_ =	swait.ge [sflag:s5], $0x400  }
0x10f: {  	[sflag:s5] =	ssyncset.done $0x0  }
0x110: {  	[sflag:s5] =	ssyncadd.s32 $0xFFFFFC00  }
0x111: {  	_ =	swait.ge [sflag:s5], $0x400  }
0x112: {  	[sflag:s5] =	ssyncset.done $0x0  }
0x113: {  	[sflag:s5] =	ssyncadd.s32 $0xFFFFFC00  }
0x114: {  	_ =	swait.ge [sflag:s5], $0x400  }
0x115: {  	[sflag:s5] =	ssyncset.done $0x0  }
0x116: {  	[sflag:s5] =	ssyncadd.s32 $0xFFFFFC00  }
0x117: {  	_ =	swait.ge [sflag:s5], $0x400  }
0x118: {  	[sflag:s5] =	ssyncset.done $0x0  }
0x119: {  	[sflag:s5] =	ssyncadd.s32 $0xFFFFFC00  }
0x11a: {  	_ =	swait.ge [sflag:s5], $0x400  }
0x11b: {  	[sflag:s5] =	ssyncset.done $0x0  }
0x11c: {  	[sflag:s5] =	ssyncadd.s32 $0xFFFFFC00  }
0x11d: {  	_ =	swait.ge [sflag:s5], $0x400  }
0x11e: {  	[sflag:s5] =	ssyncset.done $0x0  }
0x11f: {  	[sflag:s5] =	ssyncadd.s32 $0xFFFFFC00  }
0x120: {  	_ =	swait.ge [sflag:s5], $0x400  }
0x121: {  	[sflag:s5] =	ssyncset.done $0x0  }
0x122: {  	[sflag:s5] =	ssyncadd.s32 $0xFFFFFC00  }
0x123: {  	[bflag:$0x0] =	sbarrier.arrive $0xFFFF  }
0x124: {  	s7 =	rddreg [dreg:$0x8]  }
0x125: {  	s9 =	rddreg [dreg:$0x9]  }
0x126: {  	s8 =	rddreg [dreg:$0xb]  }
0x127: {  	[hbm:s9], [sflag:s7] =	dma.local [spmem:s8], $0x1870  }
0x128: {  	_ =	swait.ge [sflag:s10], $0x1870  }
0x129: {  	s6 =	rddreg [dreg:$0xc]  }
0x12a: {  	s9 =	sadd.s32 $0x1, s6;
	s6 =	rddreg [dreg:$0xa]  }
0x12b: {  	p0 =	sne.s32 s9, s6  }
.Ltmp1:
0x12c: {  	_ = 	snop;
	(pc) =	sbr.rel @p0 .LBB2_1-.Ltmp1, $3  }
0x12d: {  	_ =	sdelay $0x1  }
0x12e: {  	[sflag:s10] =	ssyncset.done $0x0  }
0x12f: {  	[sflag:s10] =	ssyncadd.s32 $0xFFFFE790  }
0x130: {  	_ =	sfence.sel $0x180000  }
0x131: {  	[bflag:$0x0] =	sbarrier.arrive $0xFFFF  }
0x132: {  	_ =	strace $0x90000047  }
0x133: {  	s0 =	stileid.u32;
	[bflag:$0x2] =	sbarrier.arrive $0xFFFF  }
0x134: {  	p0 =	sne.s32 s0, $0x0;
	s0 =	rddreg [dreg:$0x2]  }
0x135: {  	s0 =	sadd.s32 @!p0 $0x100000, s0  }
0x136: {  	[sflag:s0] =	ssyncadd.tile.s32 @!p0 $0x1;
	_ =	shalt  }
.Lfunc_end2:
_tile_overlayer_lowered:
.L_overlay_start_2:
0x137: {  	(tag) =	ssettag $0x2  }
0x138: {  	s0 =	rddreg [dreg:$0x0];
	s2 =	stileid.u32  }
0x139: {  	s1 =	rddreg [dreg:$0x1];
	p0 =	sne.s32 s2, $0x0  }
0x13a: {  	s3 =	rddreg [dreg:$0x2];
	[bflag:$0x3] =	sbarrier.arrive $0xFFFF;
	s2 =	simm.s32 @!p0 $0x1C03  }
0x13b: {  	[timem:s3], [sflag:s2] =	dma.local @!p0 [hbm:s0], s1  }
0x13c: {  	s0 =	simm.s32 @!p0 $0x3  }
0x13d: {  	_ =	swait.ge @!p0 [sflag:s0], s1  }
0x13e: {  	s1 =	ssub.s32 @!p0 $0x0, s1;
	[sflag:s0] =	ssyncset.done @!p0 $0x0  }
0x13f: {  	[sflag:s0] =	ssyncadd.s32 @!p0 s1  }
0x140: {  	[bflag:$0x3] =	sbarrier.arrive $0xFFFF  }
0x141: {  	_ =	shalt  }

// kernel: kernel.9.cloned.1.call-start
scs
__scs_entry_jumppad:
0x0: {  	(pc) =	sbr.rel $0x88, $3  }
0x1: {  	(tag) =	ssettag $0x0;
	lr =	simm.s32 $0x1  }
0x2: {  	[smem:$0x3F93] =	sst lr;
	_ =	strace $0xD0000000  }
0x3: {  	_ = 	snop  }
0x4: {  	_ = 	snop  }
0x5: {  	_ = 	snop  }
0x6: {  	_ = 	snop  }
0x7: {  	_ = 	snop  }
__scs_overlays_trampoline_lowered:
0x8: {  	[smem:$0x3FA2] =	sst s0  }
0x9: {  	[smem:$0x3FA3] =	sst s1  }
0xa: {  	[smem:$0x3FA4] =	sst s2  }
0xb: {  	[smem:$0x3FA5] =	sst s3  }
0xc: {  	[smem:$0x3FA6] =	sst s4  }
0xd: {  	[smem:$0x3FA7] =	sst s5  }
0xe: {  	[smem:$0x3FA8] =	sst s6  }
0xf: {  	[smem:$0x3FA9] =	sst s7  }
0x10: {  	[smem:$0x3FAA] =	sst s8  }
0x11: {  	[smem:$0x3FAB] =	sst s9;
	s0 =	simm.s32 @!p0 $0x0  }
0x12: {  	s1 =	sld [smem:$0x3F91];
	s0 =	simm.s32 @p0 $0x1  }
0x13: {  	[smem:$0x3FAC] =	sst s0;
	s0 =	simm.s32 @!p1 $0x0  }
0x14: {  	s2 =	sld [smem:$0x3F90];
	s0 =	simm.s32 @p1 $0x1  }
0x15: {  	[smem:$0x3FAD] =	sst s0;
	s0 =	simm.s32 @!p2 $0x0  }
0x16: {  	s3 =	sld [smem:$0x3FDB];
	s0 =	simm.s32 @p2 $0x1  }
0x17: {  	s4 =	simm.s32 $0x1BF5;
	[smem:$0x3FAF] =	sst s0  }
0x18: {  	s0 =	sld [smem:$0x3F92];
	_ =	swait.ge [sflag:s4], $0x0  }
0x19: {  	s7 =	sld [smem:$0x3F93]  }
0x1a: {  	s8 =	sadd.s32 $0xFFFFE003, lr  }
0x1b: {  	s9 =	sadd.s32 $0xFFFFFEF7, lr;
	s5 =	simm.s32 $0xFFFFFFFF;
	p2 =	slt.u32 s8, $0xFFFFF086  }
0x1c: {  	p1 =	slt.u32 s9, $0xF7A;
	s5 =	simm.s32 @!p2 $0x0  }
0x1d: {  	s5 =	simm.s32 @p1 $0x1;
	p0 =	seq.s32 s7, s2  }
0x1e: {  	s7 =	smul.u32 @!p0 $0xF7A, s2;
	p2 =	seq.s32 @!p0 s5, $0x0  }
0x1f: {  	s9 =	smul.u32 $0xF7A, s1;
	s8 =	simm.s32 @!p0 $0x1BF5;
	p2 =	por !p2, p0  }
0x20: {  	[sflag:s8] =	ssyncset.s32 @!p0 $0xFFFFF086;
	s6 =	sadd.s32 @!p0 s3, s7;
	s7 =	simm.s32 @!p0 $0x108  }
0x21: {  	s3 =	sadd.s32 s3, s9;
	s6 =	sadd.s32 @!p0 $0x88, s6;
	s7 =	simm.s32 @p2 $0x1082  }
0x22: {  	[simem:s7], [sflag:s8] =	dma.local @!p0 [hbm:s6], $0xF7A  }
0x23: {  	s9 =	sor.u32 $0xD0000000, s2;
	s6 =	simm.s32 $0x108;
	_ =	swait.ge @!p0 [sflag:s8], $0x0  }
0x24: {  	s3 =	sadd.s32 $0x88, s3;
	s6 =	simm.s32 @!p1 $0x1082;
	[sflag:s4] =	ssyncset.s32 $0xFFFFF086  }
0x25: {  	[simem:s6], [sflag:s4] =	dma.local [hbm:s3], $0xF7A  }
0x26: {  	[smem:$0x3F93] =	sst s1;
	(tag) =	ssettag s2;
	_ =	strace s9  }
0x27: {  	s1 =	sld [smem:$0x3FA3]  }
0x28: {  	s2 =	sld [smem:$0x3FA4]  }
0x29: {  	s4 =	sld [smem:$0x3FA6]  }
0x2a: {  	p0 =	seq.s32 s5, $0x0;
	s5 =	sld [smem:$0x3FA7]  }
0x2b: {  	s6 =	sld [smem:$0x3FA8]  }
0x2c: {  	s7 =	sld [smem:$0x3FA9]  }
0x2d: {  	s3 =	simm.s32 $0x108;
	s8 =	sld [smem:$0x3FAA]  }
0x2e: {  	s3 =	simm.s32 @!p0 $0x1082;
	s9 =	sld [smem:$0x3FAB]  }
0x2f: {  	lr =	sadd.s32 s0, s3;
	s0 =	sld [smem:$0x3FA2]  }
0x30: {  	s3 =	sld [smem:$0x3FA5]  }
0x31: {  	[smem:$0x3FAE] =	sst s10  }
0x32: {  	s10 =	sld [smem:$0x3FAC];
	_ =	sdelay $0x3  }
0x33: {  	p0 =	seq.s32 s10, $0x1;
	s10 =	sld [smem:$0x3FAE];
	_ =	sdelay $0x3  }
0x34: {  	[smem:$0x3FAE] =	sst s10  }
0x35: {  	s10 =	sld [smem:$0x3FAD];
	_ =	sdelay $0x3  }
0x36: {  	p1 =	seq.s32 s10, $0x1;
	s10 =	sld [smem:$0x3FAE];
	_ =	sdelay $0x3  }
0x37: {  	[smem:$0x3FAE] =	sst s10  }
0x38: {  	s10 =	sld [smem:$0x3FAF]  }
0x39: {  	_ = 	snop;
	(pc) =	sbr.ind lr, $3  }
0x3a: {  	_ = 	snop  }
0x3b: {  	_ = 	snop  }
0x3c: {  	p2 =	seq.s32 s10, $0x1;
	s10 =	sld [smem:$0x3FAE]  }
0x3d: {  	_ =	shalt  }
0x3e: {  	_ =	shalt  }
0x3f: {  	_ =	shalt  }
0x40: {  	_ =	shalt  }
0x41: {  	_ =	shalt  }
0x42: {  	_ =	shalt  }
0x43: {  	_ =	shalt  }
0x44: {  	_ =	shalt  }
0x45: {  	_ =	shalt  }
0x46: {  	_ =	shalt  }
0x47: {  	_ =	shalt  }
0x48: {  	_ =	shalt  }
0x49: {  	_ =	shalt  }
0x4a: {  	_ =	shalt  }
0x4b: {  	_ =	shalt  }
0x4c: {  	_ =	shalt  }
0x4d: {  	_ =	shalt  }
0x4e: {  	_ =	shalt  }
0x4f: {  	_ =	shalt  }
0x50: {  	_ =	shalt  }
0x51: {  	_ =	shalt  }
0x52: {  	_ =	shalt  }
0x53: {  	_ =	shalt  }
0x54: {  	_ =	shalt  }
0x55: {  	_ =	shalt  }
0x56: {  	_ =	shalt  }
0x57: {  	_ =	shalt  }
0x58: {  	_ =	shalt  }
0x59: {  	_ =	shalt  }
0x5a: {  	_ =	shalt  }
0x5b: {  	_ =	shalt  }
0x5c: {  	_ =	shalt  }
0x5d: {  	_ =	shalt  }
0x5e: {  	_ =	shalt  }
0x5f: {  	_ =	shalt  }
0x60: {  	_ =	shalt  }
0x61: {  	_ =	shalt  }
0x62: {  	_ =	shalt  }
0x63: {  	_ =	shalt  }
0x64: {  	_ =	shalt  }
0x65: {  	_ =	shalt  }
0x66: {  	_ =	shalt  }
0x67: {  	_ =	shalt  }
0x68: {  	_ =	shalt  }
0x69: {  	_ =	shalt  }
0x6a: {  	_ =	shalt  }
0x6b: {  	_ =	shalt  }
0x6c: {  	_ =	shalt  }
0x6d: {  	_ =	shalt  }
0x6e: {  	_ =	shalt  }
0x6f: {  	_ =	shalt  }
0x70: {  	_ =	shalt  }
0x71: {  	_ =	shalt  }
0x72: {  	_ =	shalt  }
0x73: {  	_ =	shalt  }
0x74: {  	_ =	shalt  }
0x75: {  	_ =	shalt  }
0x76: {  	_ =	shalt  }
0x77: {  	_ =	shalt  }
0x78: {  	_ =	shalt  }
0x79: {  	_ =	shalt  }
0x7a: {  	_ =	shalt  }
0x7b: {  	_ =	shalt  }
0x7c: {  	_ =	shalt  }
0x7d: {  	_ =	shalt  }
0x7e: {  	_ =	shalt  }
0x7f: {  	_ =	shalt  }
0x80: {  	_ =	shalt  }
0x81: {  	_ =	shalt  }
0x82: {  	_ =	shalt  }
0x83: {  	_ =	shalt  }
0x84: {  	_ =	shalt  }
0x85: {  	_ =	shalt  }
0x86: {  	_ =	shalt  }
0x87: {  	_ =	shalt  }
.Lfunc_end0:
.L_simem_size_0:
called_computation.1_lowered:
.L_overlay_start_0:
0x88: {  	s2 =	sld [smem:$0x3FD9]  }
0x89: {  	s3 =	sld [smem:$0x3FFE];
	_ =	sdelay $0x1  }
0x8a: {  	s1 =	srdreg.scid  }
0x8b: {  	s0 =	sand.u32 $0x1, s1  }
0x8c: {  	s17 =	sshll.u32 s0, $0xA;
	s2 =	sadd.s32 s3, s2  }
0x8d: {  	s2 =	sadd.s32 s2, s17  }
0x8e: {  	[smem:$0x3FBA] =	sst s2  }
0x8f: {  	_ = 	snop  }
0x90: {  	s2 =	sld [smem:$0x3FC7]  }
0x91: {  	s18 =	sld [smem:$0x3FC6];
	(tm) =	ssettm $0x1  }
0x92: {  	s4 =	sld [smem:$0x3FFB];
	_ =	sdelay $0x3  }
0x93: {  	_ =	strace s4  }
0x94: {  	s4 =	sld [smem:$0x3FFC];
	_ =	sdelay $0x3  }
0x95: {  	_ =	strace s4  }
0x96: {  	s4 =	sld [smem:$0x3FFD];
	_ =	sdelay $0x3  }
0x97: {  	_ =	strace s4  }
0x98: {  	_ =	strace $0x8FFFFFFF  }
0x99: {  	s19 =	sld [smem:$0x3FDB];
	_ =	sdelay $0x1  }
0x9a: {  	s5 =	simm.s32 $_scs_section_size  }
0x9b: {  	s6 =	simm.s32 $_size__tile_overlayer_lowered;
	s7 =	simm.s32 $_tile_overlayer_lowered  }
0x9c: {  	s22 =	simm.s32 $0x1BFF;
	s21 =	sshll.u32 s7, $0x1;
	s4 =	sadd.s32 s5, s19  }
0x9d: {  	s8 =	simm.s32 $0x0;
	s20 =	sshll.u32 s6, $0x1;
	s6 =	sadd.s32 s21, s4  }
0x9e: {  	[timem:s8], [sflag:s22] =	dma.local [hbm:s6], s20  }
0x9f: {  	_ =	swait.ge [sflag:s22], s20  }
0xa0: {  	s5 =	ssub.s32 $0x0, s20;
	[sflag:s22] =	ssyncset.done $0x0  }
0xa1: {  	[sflag:s22] =	ssyncadd.s32 s5;
	_ =	sdelay $0x1  }
0xa2: {  	s23 =	simm.s32 $0x1B8B  }
0xa3: {  	_ =	swait.ge [sflag:s23], $0x1  }
0xa4: {  	[sflag:s23] =	ssyncset.done $0x0  }
0xa5: {  	s25 =	simm.s32 $0x1B8E;
	s24 =	sld [smem:$0x3FFE];
	[sflag:s23] =	ssyncadd.s32 $0xFFFFFFFF  }
0xa6: {  	s26 =	simm.s32 $execute0_lowered;
	[smem:$0x3FD2] =	sst s25  }
0xa7: {  	s6 =	sshll.u32 s26, $0x1;
	_ =	strace $0x80000049;
	[dreg:$0x1] =	wrdreg $0xFFFFFFFF  }
0xa8: {  	s28 =	simm.s32 $_size_execute0_lowered;
	s4 =	sadd.s32 s4, s6;
	[dreg:$0x0] =	wrdreg $0x0  }
0xa9: {  	s6 =	sshll.u32 s28, $0x1;
	[dreg:$0x2] =	wrdreg s4  }
0xaa: {  	[dreg:$0x3] =	wrdreg s6  }
0xab: {  	[dreg:$0x4] =	wrdreg $0xC0  }
0xac: {  	_ =	task [dreg:s8], $0x5FFFF  }
0xad: {  	[dreg:$0x1] =	wrdreg $0xFFFFFFFF  }
0xae: {  	[dreg:$0x0] =	wrdreg $0x60  }
0xaf: {  	[dreg:$0x2] =	wrdreg s24  }
0xb0: {  	[dreg:$0x3] =	wrdreg s18  }
0xb1: {  	[dreg:$0x4] =	wrdreg s2  }
0xb2: {  	[dreg:$0x5] =	wrdreg $0x48000  }
0xb3: {  	[dreg:$0x6] =	wrdreg $0x9  }
0xb4: {  	_ =	task.clear_ibuf [dreg:s8], $0x7FFFF;
	_ =	strace $0x90000049  }
0xb5: {  	s29 =	simm.s32 $0x9;
	_ =	strace $0x8000004B  }
0xb6: {  	_ =	swait.ge [sflag:s29], $0x1  }
0xb7: {  	[sflag:s29] =	ssyncadd.s32 $0xFFFFFFFF  }
0xb8: {  	_ =	strace $0x9000004B  }
0xb9: {  	_ =	sfence  }
0xba: {  	s30 =	sld [smem:$0x0];
	_ =	sdelay $0x2  }
0xbb: {  	s31 =	sshll.u32 s1, $0xD;
	s1 =	sshrl.u32 s1, $0x2  }
0xbc: {  	s3 =	sand.u32 $0x4000, s31;
	s1 =	sadd.s32 s1, s30  }
0xbd: {  	s0 =	sor.u32 s3, s0;
	s1 =	sshll.u32 s1, $0x11  }
0xbe: {  	s0 =	sor.u32 s1, s0  }
0xbf: {  	s0 =	sadd.s32 $0x8F2B, s0  }
0xc0: {  	[sflag:s0] =	ssyncadd.remote.s32 $0x1  }
0xc1: {  	_ =	sfence.sel $0xFFFF  }
0xc2: {  	[dreg:$0x0] =	wrdreg $0xFFFFFFFF;
	(pc) =	sbr.abs _section_cstart, $3  }
0xc3: {  	[dreg:$0x1] =	wrdreg $0xFFFFFFFF  }
0xc4: {  	_ =	task.clear_ibuf [dreg:s8], $0x2FFFF;
	_ =	strace $0x9FFFFFFF  }
0xc5: {  	(tm) =	ssettm $0x7FFFFFFF  }
tec
execute0_lowered:
.L_overlay_start_1:
0x0: {  	(tag) =	ssettag $0x1  }
0x1: {  	s0 =	rddreg [dreg:$0x0]  }
0x2: {  	s1 =	rddreg [dreg:$0x1]  }
0x3: {  	s6 =	rddreg [dreg:$0x2]  }
0x4: {  	s2 =	rddreg [dreg:$0x3];
	s3 =	simm.s32 $0x0  }
0x5: {  	s14 =	stileid.u32;
	s25 =	srdreg.scid;
	s28 =	simm.s32 $0x800  }
0x6: {  	s29 =	simm.s32 $0x1000;
	s31 =	simm.s32 $0x1800;
	[smem:$0x7FF] =	sst s3  }
0x7: {  	s7 =	smul.u32 $0x3100, s14;
	s4 =	sadd.s32 $0x21C000, s0;
	s5 =	sadd.s32 $0x1BA000, s0  }
0x8: {  	s30 =	simm.s32 $0x2;
	s8 =	sadd.s32 $0x30FA00, s0;
	s24 =	sadd.s32 $0x24CE00, s0  }
0x9: {  	s15 =	sadd.s32 $0x250000, s0;
	s16 =	sadd.s32 $0x280E00, s0;
	s9 =	sshll.u32 s14, $0x7  }
0xa: {  	s11 =	smul.u32 $0x18700, s14;
	s12 =	sshll.u32 s14, $0x6;
	s17 =	sshll.u32 s14, $0x3  }
0xb: {  	s14 =	simm.s32 $0x580;
	_ =	strace $0x8000004A;
	[dreg:$0x5] =	wrdreg s8  }
0xc: {  	[dreg:$0x6] =	wrdreg s24;
	s8 =	sand.u32 $0x1, s25;
	s9 =	sadd.s32 s9, s0  }
0xd: {  	s18 =	sor.u32 $0x1C03, s12;
	[dreg:$0x8] =	wrdreg s16;
	s1 =	sadd.s32 s1, s17  }
0xe: {  	s22 =	sadd.s32 s6, s17;
	[dreg:$0x7] =	wrdreg s15;
	s6 =	simm.s32 $0x180  }
0xf: {  	s17 =	simm.s32 $0x3800;
	s7 =	sadd.s32 s7, s0;
	s10 =	ssub.s32 $0x2, s8  }
0x10: {  	s0 =	sadd.s32 s12, s0;
	s26 =	sadd.s32 s11, s2;
	[dreg:$0xc] =	wrdreg s1  }
0x11: {  	s11 =	sshrl.u32 s11, $0x3;
	s20 =	sadd.s32 $0x2B3000, s9;
	[dreg:$0xf] =	wrdreg s22  }
0x12: {  	s21 =	sadd.s32 $0x2B2000, s9;
	s24 =	sadd.s32 $0x2B3800, s9;
	[dreg:$0xa] =	wrdreg s18  }
0x13: {  	s25 =	sadd.s32 $0x2B2800, s9;
	p0 =	sne.s32 s8, $0x0;
	[dreg:$0x9] =	wrdreg s26  }
0x14: {  	s1 =	simm.s32 $0x2000;
	s8 =	simm.s32 $0x200;
	[dreg:$0xd] =	wrdreg s20  }
0x15: {  	s12 =	simm.s32 $0x2800;
	s9 =	simm.s32 $0x300;
	[dreg:$0xe] =	wrdreg s21  }
0x16: {  	s13 =	sshrl.u32 s10, $0x1;
	s19 =	sadd.s32 s16, s11;
	[dreg:$0x12] =	wrdreg s24  }
0x17: {  	s0 =	sadd.s32 $0x2B1C00, s0;
	s23 =	sadd.s32 s15, s11;
	[dreg:$0x13] =	wrdreg s25  }
0x18: {  	s22 =	sadd.s32 $0x1EB000, s7;
	s24 =	simm.s32 $0x3;
	s25 =	simm.s32 $0x400  }
0x19: {  	s16 =	simm.s32 $0x100;
	s15 =	simm.s32 $0x3000;
	s20 =	simm.s32 $0x1  }
.Ltmp0:
0x1a: {  	s11 =	simm.s32 $0x500;
	[dreg:$0xb] =	wrdreg s19;
	(pc) =	sbr.rel .LBB2_1-.Ltmp0, $4  }
0x1b: {  	s21 =	simm.s32 $0x0;
	s10 =	ssub.s32 s10, s13;
	[dreg:$0x10] =	wrdreg s0  }
0x1c: {  	[dreg:$0x11] =	wrdreg s23;
	s23 =	sadd.s32 $0x189000, s7;
	s7 =	simm.s32 $0x280  }
0x1d: {  	s19 =	simm.s32 $0x4000;
	s13 =	simm.s32 $0x480;
	s26 =	smax.u32 s10, $0x1  }
0x1e: {  	s10 =	simm.s32 $0x380;
	[dreg:$0x14] =	wrdreg s26;
	s26 =	simm.s32 $0x80  }
.LBB2_7:
0x1f: {  	s6 =	sadd.s32 s0, s23;
	[sflag:s30] =	ssyncadd.s32 $0xFFFFF800  }
0x20: {  	[tilespmem:s3], [sflag:$0x3] =	stream.linear.gather [hbm4b:s6+s3], $0x400, $0x38;
	[tilespmem:$0x1D940] =	vst v63  }
0x21: {  	_ =	swait.ge [sflag:s24], $0x400  }
0x22: {  	[sflag:s24] =	ssyncset.done $0x0  }
0x23: {  	s14 =	sadd.s32 s0, s22;
	[sflag:s24] =	ssyncadd.s32 $0xFFFFFC00  }
0x24: {  	[tilespmem:s25], [sflag:$0x3] =	stream.linear.gather [hbm4b:s14+s3], $0x400, $0x38;
	[tilespmem:$0x1D940] =	vst v63  }
0x25: {  	_ =	swait.ge [sflag:s24], $0x400  }
0x26: {  	[sflag:s24] =	ssyncset.done $0x0  }
0x27: {  	[sflag:s24] =	ssyncadd.s32 $0xFFFFFC00  }
0x28: {  	[tilespmem:s28], [sflag:$0x1] =	stream.indirect.gather [hbm4b:s5+s26], $0x10, s3, s26, $0xb8;
	[tilespmem:$0x1D940] =	vst v63  }
0x29: {  	_ = 	snop  }
0x2a: {  	[tilespmem:s29], [sflag:$0x1] =	stream.indirect.gather [hbm4b:s5+s26], $0x10, s26, s26, $0xb8;
	[tilespmem:$0x1D940] =	vst v63  }
0x2b: {  	_ = 	snop  }
0x2c: {  	[tilespmem:s31], [sflag:$0x1] =	stream.indirect.gather [hbm4b:s5+s26], $0x10, s16, s26, $0xb8;
	[tilespmem:$0x1D940] =	vst v63  }
0x2d: {  	_ = 	snop  }
0x2e: {  	[tilespmem:s1], [sflag:$0x1] =	stream.indirect.gather [hbm4b:s5+s26], $0x10, s8, s26, $0xb8;
	[tilespmem:$0x1D940] =	vst v63  }
0x2f: {  	_ = 	snop  }
0x30: {  	[tilespmem:s12], [sflag:$0x1] =	stream.indirect.gather [hbm4b:s5+s26], $0x10, s9, s26, $0xb8;
	[tilespmem:$0x1D940] =	vst v63  }
0x31: {  	_ = 	snop  }
0x32: {  	[tilespmem:s15], [sflag:$0x1] =	stream.indirect.gather [hbm4b:s5+s26], $0x10, s7, s26, $0xb8;
	[tilespmem:$0x1D940] =	vst v63  }
0x33: {  	_ = 	snop  }
0x34: {  	[tilespmem:s17], [sflag:$0x1] =	stream.indirect.gather [hbm4b:s5+s26], $0x10, s10, s26, $0xb8;
	[tilespmem:$0x1D940] =	vst v63  }
0x35: {  	_ = 	snop  }
0x36: {  	[tilespmem:s19], [sflag:$0x1] =	stream.indirect.gather [hbm4b:s5+s26], $0x10, s13, s26, $0xb8;
	[tilespmem:$0x1D940] =	vst v63  }
0x37: {  	_ =	swait.ge [sflag:s20], $0x800  }
0x38: {  	[sflag:s20] =	ssyncset.done $0x0  }
0x39: {  	[sflag:s20] =	ssyncadd.s32 $0xFFFFF800  }
0x3a: {  	_ =	swait.ge [sflag:s20], $0x800  }
0x3b: {  	[sflag:s20] =	ssyncset.done $0x0  }
0x3c: {  	[sflag:s20] =	ssyncadd.s32 $0xFFFFF800  }
0x3d: {  	_ =	swait.ge [sflag:s20], $0x800  }
0x3e: {  	[sflag:s20] =	ssyncset.done $0x0  }
0x3f: {  	[sflag:s20] =	ssyncadd.s32 $0xFFFFF800  }
0x40: {  	_ =	swait.ge [sflag:s20], $0x800  }
0x41: {  	[sflag:s20] =	ssyncset.done $0x0  }
0x42: {  	[sflag:s20] =	ssyncadd.s32 $0xFFFFF800  }
0x43: {  	_ =	swait.ge [sflag:s20], $0x800  }
0x44: {  	[sflag:s20] =	ssyncset.done $0x0  }
0x45: {  	[sflag:s20] =	ssyncadd.s32 $0xFFFFF800  }
0x46: {  	_ =	swait.ge [sflag:s20], $0x800  }
0x47: {  	[sflag:s20] =	ssyncset.done $0x0  }
0x48: {  	[sflag:s20] =	ssyncadd.s32 $0xFFFFF800  }
0x49: {  	_ =	swait.ge [sflag:s20], $0x800  }
0x4a: {  	[sflag:s20] =	ssyncset.done $0x0  }
0x4b: {  	[sflag:s20] =	ssyncadd.s32 $0xFFFFF800  }
0x4c: {  	_ =	swait.ge [sflag:s20], $0x800  }
0x4d: {  	[sflag:s20] =	ssyncset.done $0x0  }
0x4e: {  	[sflag:s20] =	ssyncadd.s32 $0xFFFFF800  }
0x4f: {  	[spmem:s2] =	stream.indirect.scatter.add.f32 [tilespmem:s28], [sflag:$0x2], $0x10, s25, s26, $0xb8;
	[tilespmem:$0x1D940] =	vst v63  }
0x50: {  	_ = 	snop  }
0x51: {  	[spmem:s2] =	stream.indirect.scatter.add.f32 [tilespmem:s29], [sflag:$0x2], $0x10, s21, s26, $0xb8;
	[tilespmem:$0x1D940] =	vst v63  }
0x52: {  	s6 =	simm.s32 $0x500  }
0x53: {  	[spmem:s2] =	stream.indirect.scatter.add.f32 [tilespmem:s31], [sflag:$0x2], $0x10, s6, s26, $0xb8;
	[tilespmem:$0x1D940] =	vst v63  }
0x54: {  	s7 =	simm.s32 $0x580  }
0x55: {  	[spmem:s2] =	stream.indirect.scatter.add.f32 [tilespmem:s1], [sflag:$0x2], $0x10, s7, s26, $0xb8;
	[tilespmem:$0x1D940] =	vst v63  }
0x56: {  	_ = 	snop  }
0x57: {  	[spmem:s2] =	stream.indirect.scatter.add.f32 [tilespmem:s12], [sflag:$0x2], $0x10, s11, s26, $0xb8;
	[tilespmem:$0x1D940] =	vst v63  }
0x58: {  	_ = 	snop  }
0x59: {  	[spmem:s2] =	stream.indirect.scatter.add.f32 [tilespmem:s15], [sflag:$0x2], $0x10, s18, s26, $0xb8;
	[tilespmem:$0x1D940] =	vst v63  }
0x5a: {  	s8 =	simm.s32 $0x700  }
0x5b: {  	[spmem:s2] =	stream.indirect.scatter.add.f32 [tilespmem:s17], [sflag:$0x2], $0x10, s8, s26, $0xb8;
	[tilespmem:$0x1D940] =	vst v63  }
0x5c: {  	s9 =	simm.s32 $0x780  }
0x5d: {  	[spmem:s2] =	stream.indirect.scatter.add.f32 [tilespmem:s19], [sflag:$0x2], $0x10, s9, s26, $0xb8;
	[tilespmem:$0x1D940] =	vst v63  }
0x5e: {  	_ =	swait.ge [sflag:s30], $0x800  }
0x5f: {  	[sflag:s30] =	ssyncset.done $0x0  }
0x60: {  	[sflag:s30] =	ssyncadd.s32 $0xFFFFF800  }
0x61: {  	_ =	swait.ge [sflag:s30], $0x800  }
0x62: {  	[sflag:s30] =	ssyncset.done $0x0  }
0x63: {  	[sflag:s30] =	ssyncadd.s32 $0xFFFFF800  }
0x64: {  	_ =	swait.ge [sflag:s30], $0x800  }
0x65: {  	[sflag:s30] =	ssyncset.done $0x0  }
0x66: {  	[sflag:s30] =	ssyncadd.s32 $0xFFFFF800  }
0x67: {  	_ =	swait.ge [sflag:s30], $0x800  }
0x68: {  	[sflag:s30] =	ssyncset.done $0x0  }
0x69: {  	[sflag:s30] =	ssyncadd.s32 $0xFFFFF800  }
0x6a: {  	_ =	swait.ge [sflag:s30], $0x800  }
0x6b: {  	[sflag:s30] =	ssyncset.done $0x0  }
0x6c: {  	[sflag:s30] =	ssyncadd.s32 $0xFFFFF800  }
0x6d: {  	_ =	swait.ge [sflag:s30], $0x800  }
0x6e: {  	[sflag:s30] =	ssyncset.done $0x0  }
0x6f: {  	[sflag:s30] =	ssyncadd.s32 $0xFFFFF800  }
0x70: {  	_ =	swait.ge [sflag:s30], $0x800  }
0x71: {  	[sflag:s30] =	ssyncset.done $0x0  }
0x72: {  	[sflag:s30] =	ssyncadd.s32 $0xFFFFF800  }
0x73: {  	_ =	swait.ge [sflag:s30], $0x800  }
0x74: {  	[sflag:s30] =	ssyncset.done $0x0  }
0x75: {  	[sflag:s30] =	ssyncadd.s32 $0xFFFFF800  }
0x76: {  	[bflag:$0x0] =	sbarrier.arrive $0xFFFF  }
0x77: {  	s18 =	rddreg [dreg:$0xa]  }
0x78: {  	s10 =	rddreg [dreg:$0xb]  }
0x79: {  	s11 =	rddreg [dreg:$0x16]  }
0x7a: {  	[hbm:s10], [sflag:s18] =	dma.local [spmem:s11], $0x30E0  }
0x7b: {  	_ =	swait.ge [sflag:s24], $0x30E0  }
0x7c: {  	[sflag:s24] =	ssyncset.done $0x0  }
0x7d: {  	[sflag:s24] =	ssyncadd.s32 $0xFFFFCF20  }
0x7e: {  	[bflag:$0x0] =	sbarrier.arrive $0xFFFF  }
0x7f: {  	s6 =	simm.s32 $0x1CF00;
	s13 =	rddreg [dreg:$0xc]  }
0x80: {  	[tilespmem:s6], [sflag:$0x3] =	stream.linear.gather [hbm4b:s13+s3], $0x40, $0x38;
	[tilespmem:$0x1D940] =	vst v63  }
0x81: {  	_ =	swait.ge [sflag:s24], $0x40  }
0x82: {  	[sflag:s24] =	ssyncset.done $0x0  }
0x83: {  	s14 =	simm.s32 $0x1CF40;
	s7 =	simm.s32 $0x40;
	[sflag:s24] =	ssyncadd.s32 $0xFFFFFFC0  }
0x84: {  	[tilespmem:s14], [sflag:$0x1] =	stream.indirect.gather [hbm4b:s5+s7], $0x10, s6, s7, $0xb8;
	[tilespmem:$0x1D940] =	vst v63  }
0x85: {  	_ =	swait.ge [sflag:s20], $0x400  }
0x86: {  	[sflag:s20] =	ssyncset.done $0x0  }
0x87: {  	s21 =	rddreg [dreg:$0xd];
	[sflag:s20] =	ssyncadd.s32 $0xFFFFFC00  }
0x88: {  	[hbm4b:s21+s3] =	stream.linear.scatter [tilespmem:s14], [sflag:$0x3], $0x400, $0x38;
	[tilespmem:$0x1D940] =	vst v63  }
0x89: {  	_ =	swait.ge [sflag:s24], $0x400  }
0x8a: {  	[sflag:s24] =	ssyncset.done $0x0  }
0x8b: {  	s9 =	simm.s32 $0x1D340;
	s8 =	rddreg [dreg:$0x8];
	[sflag:s24] =	ssyncadd.s32 $0xFFFFFC00  }
0x8c: {  	[tilespmem:s9], [sflag:$0x1] =	stream.indirect.gather [hbm4b:s8+s7], $0x10, s6, s7, $0xb8;
	[tilespmem:$0x1D940] =	vst v63  }
0x8d: {  	_ =	swait.ge [sflag:s20], $0x400  }
0x8e: {  	[sflag:s20] =	ssyncset.done $0x0  }
0x8f: {  	s10 =	rddreg [dreg:$0xe];
	[sflag:s20] =	ssyncadd.s32 $0xFFFFFC00  }
0x90: {  	[hbm4b:s10+s3] =	stream.linear.scatter [tilespmem:s9], [sflag:$0x3], $0x400, $0x38;
	[tilespmem:$0x1D940] =	vst v63  }
0x91: {  	_ =	swait.ge [sflag:s24], $0x400  }
0x92: {  	[sflag:s24] =	ssyncset.done $0x0  }
0x93: {  	s11 =	rddreg [dreg:$0xf];
	[sflag:s24] =	ssyncadd.s32 $0xFFFFFC00  }
0x94: {  	[tilespmem:s6], [sflag:$0x3] =	stream.linear.gather [hbm4b:s11+s3], $0x40, $0x38;
	[tilespmem:$0x1D940] =	vst v63  }
0x95: {  	_ =	swait.ge [sflag:s24], $0x40  }
0x96: {  	[sflag:s24] =	ssyncset.done $0x0  }
0x97: {  	s14 =	simm.s32 $0x1D740;
	s13 =	rddreg [dreg:$0x5];
	[sflag:s24] =	ssyncadd.s32 $0xFFFFFFC0  }
0x98: {  	[tilespmem:s14], [sflag:$0x1] =	stream.indirect.gather [hbm4b:s13+s7], $0x8, s6, s7, $0xb8;
	[tilespmem:$0x1D940] =	vst v63  }
0x99: {  	_ =	swait.ge [sflag:s20], $0x200  }
0x9a: {  	s8 =	simm.s32 $0x200;
	s9 =	simm.s32 $0x300;
	[sflag:s20] =	ssyncset.done $0x0  }
0x9b: {  	s10 =	simm.s32 $0x380;
	s21 =	rddreg [dreg:$0x10];
	[sflag:s20] =	ssyncadd.s32 $0xFFFFFE00  }
0x9c: {  	[hbm4b:s21+s3] =	stream.linear.scatter [tilespmem:s14], [sflag:$0x3], $0x200, $0x38;
	[tilespmem:$0x1D940] =	vst v63  }
0x9d: {  	s11 =	simm.s32 $0x500;
	s6 =	simm.s32 $0x180;
	_ =	swait.ge [sflag:s24], $0x200  }
0x9e: {  	s7 =	simm.s32 $0x280;
	s13 =	simm.s32 $0x480;
	[sflag:s24] =	ssyncset.done $0x0  }
0x9f: {  	s14 =	simm.s32 $0x580;
	s21 =	rddreg [dreg:$0x15];
	[sflag:s24] =	ssyncadd.s32 $0xFFFFFE00  }
.LBB2_8:
0xa0: {  	s21 =	sadd.s32 $0x1, s21;
	s0 =	rddreg [dreg:$0x14]  }
0xa1: {  	p1 =	sne.s32 s21, s0  }
.Ltmp1:
0xa2: {  	_ = 	snop;
	(pc) =	sbr.rel @!p1 .LBB2_9-.Ltmp1, $1  }
0xa3: {  	_ =	sdelay $0x3  }
.LBB2_1:
0xa4: {  	[dreg:$0x15] =	wrdreg s21  }
0xa5: {  	s0 =	rddreg [dreg:$0x9]  }
0xa6: {  	s21 =	sshrl.u32 s0, $0x3;
	s0 =	rddreg [dreg:$0x6]  }
0xa7: {  	[dreg:$0x16] =	wrdreg s21  }
0xa8: {  	[spmem:s21], [sflag:s18] =	dma.local [hbm:s0], $0x30E0  }
.Ltmp2:
0xa9: {  	_ =	swait.ge [sflag:s24], $0x30E0;
	(pc) =	sbr.rel @p0 .LBB2_5-.Ltmp2, $4  }
0xaa: {  	[sflag:s24] =	ssyncset.done $0x0  }
0xab: {  	[sflag:s24] =	ssyncadd.s32 $0xFFFFCF20  }
0xac: {  	[bflag:$0x0] =	sbarrier.arrive $0xFFFF  }
0xad: {  	s0 =	sadd.s32 $0x0, s23  }
0xae: {  	[tilespmem:s3], [sflag:$0x3] =	stream.linear.gather [hbm4b:s0+s3], $0x400, $0x38;
	[tilespmem:$0x1D940] =	vst v63  }
0xaf: {  	_ =	swait.ge [sflag:s24], $0x400  }
0xb0: {  	[sflag:s24] =	ssyncset.done $0x0  }
0xb1: {  	s21 =	sadd.s32 $0x0, s22;
	[sflag:s24] =	ssyncadd.s32 $0xFFFFFC00  }
0xb2: {  	[tilespmem:s25], [sflag:$0x3] =	stream.linear.gather [hbm4b:s21+s3], $0x400, $0x38;
	[tilespmem:$0x1D940] =	vst v63  }
0xb3: {  	_ =	swait.ge [sflag:s24], $0x400  }
0xb4: {  	[sflag:s24] =	ssyncset.done $0x0  }
0xb5: {  	[sflag:s24] =	ssyncadd.s32 $0xFFFFFC00  }
0xb6: {  	[tilespmem:s28], [sflag:$0x1] =	stream.indirect.gather [hbm4b:s4+s26], $0x10, s3, s26, $0xb8;
	[tilespmem:$0x1D940] =	vst v63  }
0xb7: {  	_ = 	snop  }
0xb8: {  	[tilespmem:s29], [sflag:$0x1] =	stream.indirect.gather [hbm4b:s4+s26], $0x10, s26, s26, $0xb8;
	[tilespmem:$0x1D940] =	vst v63  }
0xb9: {  	_ = 	snop  }
0xba: {  	[tilespmem:s31], [sflag:$0x1] =	stream.indirect.gather [hbm4b:s4+s26], $0x10, s16, s26, $0xb8;
	[tilespmem:$0x1D940] =	vst v63  }
0xbb: {  	_ = 	snop  }
0xbc: {  	[tilespmem:s1], [sflag:$0x1] =	stream.indirect.gather [hbm4b:s4+s26], $0x10, s6, s26, $0xb8;
	[tilespmem:$0x1D940] =	vst v63  }
0xbd: {  	_ = 	snop  }
0xbe: {  	[tilespmem:s12], [sflag:$0x1] =	stream.indirect.gather [hbm4b:s4+s26], $0x10, s8, s26, $0xb8;
	[tilespmem:$0x1D940] =	vst v63  }
0xbf: {  	_ = 	snop  }
0xc0: {  	[tilespmem:s15], [sflag:$0x1] =	stream.indirect.gather [hbm4b:s4+s26], $0x10, s7, s26, $0xb8;
	[tilespmem:$0x1D940] =	vst v63  }
0xc1: {  	_ = 	snop  }
0xc2: {  	[tilespmem:s17], [sflag:$0x1] =	stream.indirect.gather [hbm4b:s4+s26], $0x10, s9, s26, $0xb8;
	[tilespmem:$0x1D940] =	vst v63  }
0xc3: {  	_ = 	snop  }
0xc4: {  	[tilespmem:s19], [sflag:$0x1] =	stream.indirect.gather [hbm4b:s4+s26], $0x10, s10, s26, $0xb8;
	[tilespmem:$0x1D940] =	vst v63  }
0xc5: {  	_ =	swait.ge [sflag:s20], $0x800  }
0xc6: {  	[sflag:s20] =	ssyncset.done $0x0  }
0xc7: {  	[sflag:s20] =	ssyncadd.s32 $0xFFFFF800  }
0xc8: {  	_ =	swait.ge [sflag:s20], $0x800  }
0xc9: {  	[sflag:s20] =	ssyncset.done $0x0  }
0xca: {  	[sflag:s20] =	ssyncadd.s32 $0xFFFFF800  }
0xcb: {  	_ =	swait.ge [sflag:s20], $0x800  }
0xcc: {  	[sflag:s20] =	ssyncset.done $0x0  }
0xcd: {  	[sflag:s20] =	ssyncadd.s32 $0xFFFFF800  }
0xce: {  	_ =	swait.ge [sflag:s20], $0x800  }
0xcf: {  	[sflag:s20] =	ssyncset.done $0x0  }
0xd0: {  	[sflag:s20] =	ssyncadd.s32 $0xFFFFF800  }
0xd1: {  	_ =	swait.ge [sflag:s20], $0x800  }
0xd2: {  	[sflag:s20] =	ssyncset.done $0x0  }
0xd3: {  	[sflag:s20] =	ssyncadd.s32 $0xFFFFF800  }
0xd4: {  	_ =	swait.ge [sflag:s20], $0x800  }
0xd5: {  	[sflag:s20] =	ssyncset.done $0x0  }
0xd6: {  	[sflag:s20] =	ssyncadd.s32 $0xFFFFF800  }
0xd7: {  	_ =	swait.ge [sflag:s20], $0x800  }
0xd8: {  	[sflag:s20] =	ssyncset.done $0x0  }
0xd9: {  	[sflag:s20] =	ssyncadd.s32 $0xFFFFF800  }
0xda: {  	_ =	swait.ge [sflag:s20], $0x800  }
0xdb: {  	[sflag:s20] =	ssyncset.done $0x0  }
0xdc: {  	[sflag:s20] =	ssyncadd.s32 $0xFFFFF800  }
0xdd: {  	[spmem:s2] =	stream.indirect.scatter.add.f32 [tilespmem:s28], [sflag:$0x2], $0x10, s25, s26, $0xb8;
	[tilespmem:$0x1D940] =	vst v63  }
0xde: {  	_ = 	snop  }
0xdf: {  	[spmem:s2] =	stream.indirect.scatter.add.f32 [tilespmem:s29], [sflag:$0x2], $0x10, s13, s26, $0xb8;
	[tilespmem:$0x1D940] =	vst v63  }
0xe0: {  	_ = 	snop  }
0xe1: {  	[spmem:s2] =	stream.indirect.scatter.add.f32 [tilespmem:s31], [sflag:$0x2], $0x10, s11, s26, $0xb8;
	[tilespmem:$0x1D940] =	vst v63  }
0xe2: {  	_ = 	snop  }
0xe3: {  	[spmem:s2] =	stream.indirect.scatter.add.f32 [tilespmem:s1], [sflag:$0x2], $0x10, s14, s26, $0xb8;
	[tilespmem:$0x1D940] =	vst v63  }
0xe4: {  	s14 =	simm.s32 $0x600  }
0xe5: {  	[spmem:s2] =	stream.indirect.scatter.add.f32 [tilespmem:s12], [sflag:$0x2], $0x10, s14, s26, $0xb8;
	[tilespmem:$0x1D940] =	vst v63  }
0xe6: {  	s16 =	simm.s32 $0x680  }
0xe7: {  	[spmem:s2] =	stream.indirect.scatter.add.f32 [tilespmem:s15], [sflag:$0x2], $0x10, s16, s26, $0xb8;
	[tilespmem:$0x1D940] =	vst v63  }
0xe8: {  	s18 =	simm.s32 $0x700  }
0xe9: {  	[spmem:s2] =	stream.indirect.scatter.add.f32 [tilespmem:s17], [sflag:$0x2], $0x10, s18, s26, $0xb8;
	[tilespmem:$0x1D940] =	vst v63  }
0xea: {  	s21 =	simm.s32 $0x780  }
0xeb: {  	[spmem:s2] =	stream.indirect.scatter.add.f32 [tilespmem:s19], [sflag:$0x2], $0x10, s21, s26, $0xb8;
	[tilespmem:$0x1D940] =	vst v63  }
0xec: {  	_ =	swait.ge [sflag:s30], $0x800  }
0xed: {  	[sflag:s30] =	ssyncset.done $0x0  }
0xee: {  	[sflag:s30] =	ssyncadd.s32 $0xFFFFF800  }
0xef: {  	_ =	swait.ge [sflag:s30], $0x800  }
0xf0: {  	[sflag:s30] =	ssyncset.done $0x0  }
0xf1: {  	[sflag:s30] =	ssyncadd.s32 $0xFFFFF800  }
0xf2: {  	_ =	swait.ge [sflag:s30], $0x800  }
0xf3: {  	[sflag:s30] =	ssyncset.done $0x0  }
0xf4: {  	[sflag:s30] =	ssyncadd.s32 $0xFFFFF800  }
0xf5: {  	_ =	swait.ge [sflag:s30], $0x800  }
0xf6: {  	[sflag:s30] =	ssyncset.done $0x0  }
0xf7: {  	[sflag:s30] =	ssyncadd.s32 $0xFFFFF800  }
0xf8: {  	_ =	swait.ge [sflag:s30], $0x800  }
0xf9: {  	[sflag:s30] =	ssyncset.done $0x0  }
0xfa: {  	[sflag:s30] =	ssyncadd.s32 $0xFFFFF800  }
0xfb: {  	_ =	swait.ge [sflag:s30], $0x800  }
0xfc: {  	[sflag:s30] =	ssyncset.done $0x0  }
0xfd: {  	[sflag:s30] =	ssyncadd.s32 $0xFFFFF800  }
0xfe: {  	s0 =	simm.s32 $0x80;
	_ =	swait.ge [sflag:s30], $0x800  }
0xff: {  	s6 =	simm.s32 $0x100;
	s8 =	simm.s32 $0x180;
	[sflag:s30] =	ssyncset.done $0x0  }
0x100: {  	s7 =	simm.s32 $0x280;
	s9 =	simm.s32 $0x200;
	[sflag:s30] =	ssyncadd.s32 $0xFFFFF800  }
0x101: {  	s10 =	simm.s32 $0x300;
	s13 =	simm.s32 $0x380;
	_ =	swait.ge [sflag:s30], $0x800  }
0x102: {  	s11 =	simm.s32 $0x500;
	s21 =	simm.s32 $0x580;
	[sflag:s30] =	ssyncset.done $0x0  }
.LBB2_3:
0x103: {  	s16 =	sadd.s32 s0, s23  }
0x104: {  	[sflag:s30] =	ssyncadd.s32 $0xFFFFF800;
	s18 =	smov.u32 s6;
	s14 =	sadd.s32 $0x80, s6  }
0x105: {  	[tilespmem:s3], [sflag:$0x3] =	stream.linear.gather [hbm4b:s16+s3], $0x400, $0x38;
	[tilespmem:$0x1D940] =	vst v63  }
0x106: {  	s16 =	simm.s32 $0x100  }
0x107: {  	p1 =	sne.s32 s6, $0x3080;
	_ =	swait.ge [sflag:s24], $0x400  }
0x108: {  	s6 =	sadd.s32 s0, s22;
	[sflag:s24] =	ssyncset.done $0x0  }
0x109: {  	s0 =	smov.u32 s18;
	s18 =	simm.s32 $0x680;
	[sflag:s24] =	ssyncadd.s32 $0xFFFFFC00  }
0x10a: {  	[tilespmem:s25], [sflag:$0x3] =	stream.linear.gather [hbm4b:s6+s3], $0x400, $0x38;
	[tilespmem:$0x1D940] =	vst v63  }
0x10b: {  	_ =	swait.ge [sflag:s24], $0x400  }
0x10c: {  	[sflag:s24] =	ssyncset.done $0x0  }
0x10d: {  	[sflag:s24] =	ssyncadd.s32 $0xFFFFFC00  }
0x10e: {  	[tilespmem:s28], [sflag:$0x1] =	stream.indirect.gather [hbm4b:s4+s26], $0x10, s3, s26, $0xb8;
	[tilespmem:$0x1D940] =	vst v63  }
0x10f: {  	_ = 	snop  }
0x110: {  	[tilespmem:s29], [sflag:$0x1] =	stream.indirect.gather [hbm4b:s4+s26], $0x10, s26, s26, $0xb8;
	[tilespmem:$0x1D940] =	vst v63  }
0x111: {  	_ = 	snop  }
0x112: {  	[tilespmem:s31], [sflag:$0x1] =	stream.indirect.gather [hbm4b:s4+s26], $0x10, s16, s26, $0xb8;
	[tilespmem:$0x1D940] =	vst v63  }
0x113: {  	_ = 	snop  }
0x114: {  	[tilespmem:s1], [sflag:$0x1] =	stream.indirect.gather [hbm4b:s4+s26], $0x10, s8, s26, $0xb8;
	[tilespmem:$0x1D940] =	vst v63  }
0x115: {  	_ = 	snop  }
0x116: {  	[tilespmem:s12], [sflag:$0x1] =	stream.indirect.gather [hbm4b:s4+s26], $0x10, s9, s26, $0xb8;
	[tilespmem:$0x1D940] =	vst v63  }
0x117: {  	_ = 	snop  }
0x118: {  	[tilespmem:s15], [sflag:$0x1] =	stream.indirect.gather [hbm4b:s4+s26], $0x10, s7, s26, $0xb8;
	[tilespmem:$0x1D940] =	vst v63  }
0x119: {  	_ = 	snop  }
0x11a: {  	[tilespmem:s17], [sflag:$0x1] =	stream.indirect.gather [hbm4b:s4+s26], $0x10, s10, s26, $0xb8;
	[tilespmem:$0x1D940] =	vst v63  }
0x11b: {  	_ = 	snop  }
0x11c: {  	[tilespmem:s19], [sflag:$0x1] =	stream.indirect.gather [hbm4b:s4+s26], $0x10, s13, s26, $0xb8;
	[tilespmem:$0x1D940] =	vst v63  }
0x11d: {  	_ =	swait.ge [sflag:s20], $0x800  }
0x11e: {  	[sflag:s20] =	ssyncset.done $0x0  }
0x11f: {  	[sflag:s20] =	ssyncadd.s32 $0xFFFFF800  }
0x120: {  	_ =	swait.ge [sflag:s20], $0x800  }
0x121: {  	[sflag:s20] =	ssyncset.done $0x0  }
0x122: {  	[sflag:s20] =	ssyncadd.s32 $0xFFFFF800  }
0x123: {  	_ =	swait.ge [sflag:s20], $0x800  }
0x124: {  	[sflag:s20] =	ssyncset.done $0x0  }
0x125: {  	[sflag:s20] =	ssyncadd.s32 $0xFFFFF800  }
0x126: {  	_ =	swait.ge [sflag:s20], $0x800  }
0x127: {  	[sflag:s20] =	ssyncset.done $0x0  }
0x128: {  	[sflag:s20] =	ssyncadd.s32 $0xFFFFF800  }
0x129: {  	_ =	swait.ge [sflag:s20], $0x800  }
0x12a: {  	[sflag:s20] =	ssyncset.done $0x0  }
0x12b: {  	[sflag:s20] =	ssyncadd.s32 $0xFFFFF800  }
0x12c: {  	_ =	swait.ge [sflag:s20], $0x800  }
0x12d: {  	[sflag:s20] =	ssyncset.done $0x0  }
0x12e: {  	[sflag:s20] =	ssyncadd.s32 $0xFFFFF800  }
0x12f: {  	_ =	swait.ge [sflag:s20], $0x800  }
0x130: {  	[sflag:s20] =	ssyncset.done $0x0  }
0x131: {  	[sflag:s20] =	ssyncadd.s32 $0xFFFFF800  }
0x132: {  	_ =	swait.ge [sflag:s20], $0x800  }
0x133: {  	[sflag:s20] =	ssyncset.done $0x0  }
0x134: {  	[sflag:s20] =	ssyncadd.s32 $0xFFFFF800  }
0x135: {  	[spmem:s2] =	stream.indirect.scatter.add.f32 [tilespmem:s28], [sflag:$0x2], $0x10, s25, s26, $0xb8;
	[tilespmem:$0x1D940] =	vst v63  }
0x136: {  	s6 =	simm.s32 $0x480  }
0x137: {  	[spmem:s2] =	stream.indirect.scatter.add.f32 [tilespmem:s29], [sflag:$0x2], $0x10, s6, s26, $0xb8;
	[tilespmem:$0x1D940] =	vst v63  }
0x138: {  	_ = 	snop  }
0x139: {  	[spmem:s2] =	stream.indirect.scatter.add.f32 [tilespmem:s31], [sflag:$0x2], $0x10, s11, s26, $0xb8;
	[tilespmem:$0x1D940] =	vst v63  }
0x13a: {  	_ = 	snop  }
0x13b: {  	[spmem:s2] =	stream.indirect.scatter.add.f32 [tilespmem:s1], [sflag:$0x2], $0x10, s21, s26, $0xb8;
	[tilespmem:$0x1D940] =	vst v63  }
0x13c: {  	s6 =	simm.s32 $0x600  }
0x13d: {  	[spmem:s2] =	stream.indirect.scatter.add.f32 [tilespmem:s12], [sflag:$0x2], $0x10, s6, s26, $0xb8;
	[tilespmem:$0x1D940] =	vst v63  }
0x13e: {  	_ = 	snop  }
0x13f: {  	[spmem:s2] =	stream.indirect.scatter.add.f32 [tilespmem:s15], [sflag:$0x2], $0x10, s18, s26, $0xb8;
	[tilespmem:$0x1D940] =	vst v63  }
0x140: {  	s6 =	simm.s32 $0x700  }
0x141: {  	[spmem:s2] =	stream.indirect.scatter.add.f32 [tilespmem:s17], [sflag:$0x2], $0x10, s6, s26, $0xb8;
	[tilespmem:$0x1D940] =	vst v63  }
0x142: {  	s6 =	simm.s32 $0x780  }
0x143: {  	[spmem:s2] =	stream.indirect.scatter.add.f32 [tilespmem:s19], [sflag:$0x2], $0x10, s6, s26, $0xb8;
	[tilespmem:$0x1D940] =	vst v63  }
0x144: {  	_ =	swait.ge [sflag:s30], $0x800  }
0x145: {  	[sflag:s30] =	ssyncset.done $0x0  }
0x146: {  	[sflag:s30] =	ssyncadd.s32 $0xFFFFF800  }
0x147: {  	_ =	swait.ge [sflag:s30], $0x800  }
0x148: {  	[sflag:s30] =	ssyncset.done $0x0  }
0x149: {  	[sflag:s30] =	ssyncadd.s32 $0xFFFFF800  }
0x14a: {  	_ =	swait.ge [sflag:s30], $0x800  }
0x14b: {  	[sflag:s30] =	ssyncset.done $0x0  }
0x14c: {  	[sflag:s30] =	ssyncadd.s32 $0xFFFFF800  }
0x14d: {  	_ =	swait.ge [sflag:s30], $0x800  }
0x14e: {  	[sflag:s30] =	ssyncset.done $0x0  }
0x14f: {  	[sflag:s30] =	ssyncadd.s32 $0xFFFFF800  }
0x150: {  	_ =	swait.ge [sflag:s30], $0x800  }
0x151: {  	[sflag:s30] =	ssyncset.done $0x0  }
0x152: {  	[sflag:s30] =	ssyncadd.s32 $0xFFFFF800  }
0x153: {  	_ =	swait.ge [sflag:s30], $0x800  }
0x154: {  	[sflag:s30] =	ssyncset.done $0x0  }
0x155: {  	[sflag:s30] =	ssyncadd.s32 $0xFFFFF800  }
.Ltmp3:
0x156: {  	_ =	swait.ge [sflag:s30], $0x800;
	(pc) =	sbr.rel @p1 .LBB2_3-.Ltmp3, $4  }
0x157: {  	[sflag:s30] =	ssyncset.done $0x0  }
0x158: {  	[sflag:s30] =	ssyncadd.s32 $0xFFFFF800  }
0x159: {  	_ =	swait.ge [sflag:s30], $0x800  }
0x15a: {  	s6 =	smov.u32 s14;
	[sflag:s30] =	ssyncset.done $0x0  }
0x15b: {  	s6 =	sadd.s32 s0, s23;
	[sflag:s30] =	ssyncadd.s32 $0xFFFFF800  }
0x15c: {  	[tilespmem:s3], [sflag:$0x3] =	stream.linear.gather [hbm4b:s6+s3], $0x400, $0x38;
	[tilespmem:$0x1D940] =	vst v63  }
0x15d: {  	_ =	swait.ge [sflag:s24], $0x400  }
0x15e: {  	[sflag:s24] =	ssyncset.done $0x0  }
0x15f: {  	s6 =	sadd.s32 s0, s22;
	[sflag:s24] =	ssyncadd.s32 $0xFFFFFC00  }
0x160: {  	[tilespmem:s25], [sflag:$0x3] =	stream.linear.gather [hbm4b:s6+s3], $0x400, $0x38;
	[tilespmem:$0x1D940] =	vst v63  }
0x161: {  	_ =	swait.ge [sflag:s24], $0x400  }
0x162: {  	[sflag:s24] =	ssyncset.done $0x0  }
0x163: {  	[sflag:s24] =	ssyncadd.s32 $0xFFFFFC00  }
0x164: {  	[tilespmem:s28], [sflag:$0x1] =	stream.indirect.gather [hbm4b:s4+s26], $0x10, s3, s26, $0xb8;
	[tilespmem:$0x1D940] =	vst v63  }
0x165: {  	_ = 	snop  }
0x166: {  	[tilespmem:s29], [sflag:$0x1] =	stream.indirect.gather [hbm4b:s4+s26], $0x10, s26, s26, $0xb8;
	[tilespmem:$0x1D940] =	vst v63  }
0x167: {  	_ = 	snop  }
0x168: {  	[tilespmem:s31], [sflag:$0x1] =	stream.indirect.gather [hbm4b:s4+s26], $0x10, s16, s26, $0xb8;
	[tilespmem:$0x1D940] =	vst v63  }
0x169: {  	_ = 	snop  }
0x16a: {  	[tilespmem:s1], [sflag:$0x1] =	stream.indirect.gather [hbm4b:s4+s26], $0x10, s8, s26, $0xb8;
	[tilespmem:$0x1D940] =	vst v63  }
0x16b: {  	_ = 	snop  }
0x16c: {  	[tilespmem:s12], [sflag:$0x1] =	stream.indirect.gather [hbm4b:s4+s26], $0x10, s9, s26, $0xb8;
	[tilespmem:$0x1D940] =	vst v63  }
0x16d: {  	_ = 	snop  }
0x16e: {  	[tilespmem:s15], [sflag:$0x1] =	stream.indirect.gather [hbm4b:s4+s26], $0x10, s7, s26, $0xb8;
	[tilespmem:$0x1D940] =	vst v63  }
0x16f: {  	_ = 	snop  }
0x170: {  	[tilespmem:s17], [sflag:$0x1] =	stream.indirect.gather [hbm4b:s4+s26], $0x10, s10, s26, $0xb8;
	[tilespmem:$0x1D940] =	vst v63  }
0x171: {  	_ = 	snop  }
0x172: {  	[tilespmem:s19], [sflag:$0x1] =	stream.indirect.gather [hbm4b:s4+s26], $0x10, s13, s26, $0xb8;
	[tilespmem:$0x1D940] =	vst v63  }
0x173: {  	_ =	swait.ge [sflag:s20], $0x800  }
0x174: {  	[sflag:s20] =	ssyncset.done $0x0  }
0x175: {  	[sflag:s20] =	ssyncadd.s32 $0xFFFFF800  }
0x176: {  	_ =	swait.ge [sflag:s20], $0x800  }
0x177: {  	[sflag:s20] =	ssyncset.done $0x0  }
0x178: {  	[sflag:s20] =	ssyncadd.s32 $0xFFFFF800  }
0x179: {  	_ =	swait.ge [sflag:s20], $0x800  }
0x17a: {  	[sflag:s20] =	ssyncset.done $0x0  }
0x17b: {  	[sflag:s20] =	ssyncadd.s32 $0xFFFFF800  }
0x17c: {  	_ =	swait.ge [sflag:s20], $0x800  }
0x17d: {  	[sflag:s20] =	ssyncset.done $0x0  }
0x17e: {  	[sflag:s20] =	ssyncadd.s32 $0xFFFFF800  }
0x17f: {  	_ =	swait.ge [sflag:s20], $0x800  }
0x180: {  	[sflag:s20] =	ssyncset.done $0x0  }
0x181: {  	[sflag:s20] =	ssyncadd.s32 $0xFFFFF800  }
0x182: {  	_ =	swait.ge [sflag:s20], $0x800  }
0x183: {  	[sflag:s20] =	ssyncset.done $0x0  }
0x184: {  	[sflag:s20] =	ssyncadd.s32 $0xFFFFF800  }
0x185: {  	_ =	swait.ge [sflag:s20], $0x800  }
0x186: {  	[sflag:s20] =	ssyncset.done $0x0  }
0x187: {  	[sflag:s20] =	ssyncadd.s32 $0xFFFFF800  }
0x188: {  	_ =	swait.ge [sflag:s20], $0x800  }
0x189: {  	[sflag:s20] =	ssyncset.done $0x0  }
0x18a: {  	[sflag:s20] =	ssyncadd.s32 $0xFFFFF800  }
0x18b: {  	[spmem:s2] =	stream.indirect.scatter.add.f32 [tilespmem:s28], [sflag:$0x2], $0x10, s25, s26, $0xb8;
	[tilespmem:$0x1D940] =	vst v63  }
0x18c: {  	s9 =	simm.s32 $0x480  }
0x18d: {  	[spmem:s2] =	stream.indirect.scatter.add.f32 [tilespmem:s29], [sflag:$0x2], $0x10, s9, s26, $0xb8;
	[tilespmem:$0x1D940] =	vst v63  }
0x18e: {  	_ = 	snop  }
0x18f: {  	[spmem:s2] =	stream.indirect.scatter.add.f32 [tilespmem:s31], [sflag:$0x2], $0x10, s11, s26, $0xb8;
	[tilespmem:$0x1D940] =	vst v63  }
0x190: {  	_ = 	snop  }
0x191: {  	[spmem:s2] =	stream.indirect.scatter.add.f32 [tilespmem:s1], [sflag:$0x2], $0x10, s21, s26, $0xb8;
	[tilespmem:$0x1D940] =	vst v63  }
0x192: {  	s10 =	simm.s32 $0x600  }
0x193: {  	[spmem:s2] =	stream.indirect.scatter.add.f32 [tilespmem:s12], [sflag:$0x2], $0x10, s10, s26, $0xb8;
	[tilespmem:$0x1D940] =	vst v63  }
0x194: {  	_ = 	snop  }
0x195: {  	[spmem:s2] =	stream.indirect.scatter.add.f32 [tilespmem:s15], [sflag:$0x2], $0x10, s18, s26, $0xb8;
	[tilespmem:$0x1D940] =	vst v63  }
0x196: {  	s11 =	simm.s32 $0x700  }
0x197: {  	[spmem:s2] =	stream.indirect.scatter.add.f32 [tilespmem:s17], [sflag:$0x2], $0x10, s11, s26, $0xb8;
	[tilespmem:$0x1D940] =	vst v63  }
0x198: {  	s13 =	simm.s32 $0x780  }
0x199: {  	[spmem:s2] =	stream.indirect.scatter.add.f32 [tilespmem:s19], [sflag:$0x2], $0x10, s13, s26, $0xb8;
	[tilespmem:$0x1D940] =	vst v63  }
0x19a: {  	_ =	swait.ge [sflag:s30], $0x800  }
0x19b: {  	[sflag:s30] =	ssyncset.done $0x0  }
0x19c: {  	[sflag:s30] =	ssyncadd.s32 $0xFFFFF800  }
0x19d: {  	_ =	swait.ge [sflag:s30], $0x800  }
0x19e: {  	[sflag:s30] =	ssyncset.done $0x0  }
0x19f: {  	[sflag:s30] =	ssyncadd.s32 $0xFFFFF800  }
0x1a0: {  	_ =	swait.ge [sflag:s30], $0x800  }
0x1a1: {  	[sflag:s30] =	ssyncset.done $0x0  }
0x1a2: {  	[sflag:s30] =	ssyncadd.s32 $0xFFFFF800  }
0x1a3: {  	_ =	swait.ge [sflag:s30], $0x800  }
0x1a4: {  	[sflag:s30] =	ssyncset.done $0x0  }
0x1a5: {  	[sflag:s30] =	ssyncadd.s32 $0xFFFFF800  }
0x1a6: {  	_ =	swait.ge [sflag:s30], $0x800  }
0x1a7: {  	[sflag:s30] =	ssyncset.done $0x0  }
0x1a8: {  	[sflag:s30] =	ssyncadd.s32 $0xFFFFF800  }
0x1a9: {  	_ =	swait.ge [sflag:s30], $0x800  }
0x1aa: {  	[sflag:s30] =	ssyncset.done $0x0  }
0x1ab: {  	[sflag:s30] =	ssyncadd.s32 $0xFFFFF800  }
0x1ac: {  	_ =	swait.ge [sflag:s30], $0x800  }
0x1ad: {  	[sflag:s30] =	ssyncset.done $0x0  }
0x1ae: {  	[sflag:s30] =	ssyncadd.s32 $0xFFFFF800  }
0x1af: {  	_ =	swait.ge [sflag:s30], $0x800  }
0x1b0: {  	[sflag:s30] =	ssyncset.done $0x0  }
0x1b1: {  	[sflag:s30] =	ssyncadd.s32 $0xFFFFF800  }
0x1b2: {  	[bflag:$0x0] =	sbarrier.arrive $0xFFFF  }
0x1b3: {  	s18 =	rddreg [dreg:$0xa]  }
0x1b4: {  	s14 =	rddreg [dreg:$0x11]  }
0x1b5: {  	s21 =	rddreg [dreg:$0x16]  }
0x1b6: {  	[hbm:s14], [sflag:s18] =	dma.local [spmem:s21], $0x30E0  }
0x1b7: {  	_ =	swait.ge [sflag:s24], $0x30E0  }
0x1b8: {  	[sflag:s24] =	ssyncset.done $0x0  }
0x1b9: {  	[sflag:s24] =	ssyncadd.s32 $0xFFFFCF20  }
0x1ba: {  	[bflag:$0x0] =	sbarrier.arrive $0xFFFF  }
0x1bb: {  	s7 =	simm.s32 $0x1CF00;
	s6 =	rddreg [dreg:$0xc]  }
0x1bc: {  	[tilespmem:s7], [sflag:$0x3] =	stream.linear.gather [hbm4b:s6+s3], $0x40, $0x38;
	[tilespmem:$0x1D940] =	vst v63  }
0x1bd: {  	_ =	swait.ge [sflag:s24], $0x40  }
0x1be: {  	[sflag:s24] =	ssyncset.done $0x0  }
0x1bf: {  	s9 =	simm.s32 $0x40;
	s10 =	simm.s32 $0x1CF40;
	[sflag:s24] =	ssyncadd.s32 $0xFFFFFFC0  }
0x1c0: {  	[tilespmem:s10], [sflag:$0x1] =	stream.indirect.gather [hbm4b:s4+s9], $0x10, s7, s9, $0xb8;
	[tilespmem:$0x1D940] =	vst v63  }
0x1c1: {  	_ =	swait.ge [sflag:s20], $0x400  }
0x1c2: {  	[sflag:s20] =	ssyncset.done $0x0  }
0x1c3: {  	s11 =	rddreg [dreg:$0x12];
	[sflag:s20] =	ssyncadd.s32 $0xFFFFFC00  }
0x1c4: {  	[hbm4b:s11+s3] =	stream.linear.scatter [tilespmem:s10], [sflag:$0x3], $0x400, $0x38;
	[tilespmem:$0x1D940] =	vst v63  }
0x1c5: {  	_ =	swait.ge [sflag:s24], $0x400  }
0x1c6: {  	[sflag:s24] =	ssyncset.done $0x0  }
0x1c7: {  	s14 =	simm.s32 $0x1D340;
	s13 =	rddreg [dreg:$0x7];
	[sflag:s24] =	ssyncadd.s32 $0xFFFFFC00  }
0x1c8: {  	[tilespmem:s14], [sflag:$0x1] =	stream.indirect.gather [hbm4b:s13+s9], $0x10, s7, s9, $0xb8;
	[tilespmem:$0x1D940] =	vst v63  }
0x1c9: {  	s8 =	simm.s32 $0x200;
	_ =	swait.ge [sflag:s20], $0x400  }
0x1ca: {  	s6 =	simm.s32 $0x180;
	s10 =	simm.s32 $0x380;
	[sflag:s20] =	ssyncset.done $0x0  }
.Ltmp4:
0x1cb: {  	s21 =	rddreg [dreg:$0x13];
	[sflag:s20] =	ssyncadd.s32 $0xFFFFFC00;
	(pc) =	sbr.rel .LBB2_8-.Ltmp4, $4  }
0x1cc: {  	[hbm4b:s21+s3] =	stream.linear.scatter [tilespmem:s14], [sflag:$0x3], $0x400, $0x38;
	[tilespmem:$0x1D940] =	vst v63  }
0x1cd: {  	s11 =	simm.s32 $0x500;
	s7 =	simm.s32 $0x280;
	_ =	swait.ge [sflag:s24], $0x400  }
0x1ce: {  	s9 =	simm.s32 $0x300;
	s13 =	simm.s32 $0x480;
	[sflag:s24] =	ssyncset.done $0x0  }
0x1cf: {  	s14 =	simm.s32 $0x580;
	s21 =	rddreg [dreg:$0x15];
	[sflag:s24] =	ssyncadd.s32 $0xFFFFFC00  }
.LBB2_5:
0x1d0: {  	[tilespmem:s3], [sflag:$0x3] =	stream.linear.gather [hbm4b:s0+s3], $0x400, $0x38;
	[tilespmem:$0x1D940] =	vst v63  }
0x1d1: {  	_ =	swait.ge [sflag:s24], $0x400  }
0x1d2: {  	[sflag:s24] =	ssyncset.done $0x0  }
0x1d3: {  	s21 =	sadd.s32 $0x0, s22;
	[sflag:s24] =	ssyncadd.s32 $0xFFFFFC00  }
0x1d4: {  	[tilespmem:s25], [sflag:$0x3] =	stream.linear.gather [hbm4b:s21+s3], $0x400, $0x38;
	[tilespmem:$0x1D940] =	vst v63  }
0x1d5: {  	_ =	swait.ge [sflag:s24], $0x400  }
0x1d6: {  	[sflag:s24] =	ssyncset.done $0x0  }
0x1d7: {  	[sflag:s24] =	ssyncadd.s32 $0xFFFFFC00  }
0x1d8: {  	[tilespmem:s28], [sflag:$0x1] =	stream.indirect.gather [hbm4b:s5+s26], $0x10, s3, s26, $0xb8;
	[tilespmem:$0x1D940] =	vst v63  }
0x1d9: {  	_ = 	snop  }
0x1da: {  	[tilespmem:s29], [sflag:$0x1] =	stream.indirect.gather [hbm4b:s5+s26], $0x10, s26, s26, $0xb8;
	[tilespmem:$0x1D940] =	vst v63  }
0x1db: {  	_ = 	snop  }
0x1dc: {  	[tilespmem:s31], [sflag:$0x1] =	stream.indirect.gather [hbm4b:s5+s26], $0x10, s16, s26, $0xb8;
	[tilespmem:$0x1D940] =	vst v63  }
0x1dd: {  	_ = 	snop  }
0x1de: {  	[tilespmem:s1], [sflag:$0x1] =	stream.indirect.gather [hbm4b:s5+s26], $0x10, s6, s26, $0xb8;
	[tilespmem:$0x1D940] =	vst v63  }
0x1df: {  	_ = 	snop  }
0x1e0: {  	[tilespmem:s12], [sflag:$0x1] =	stream.indirect.gather [hbm4b:s5+s26], $0x10, s8, s26, $0xb8;
	[tilespmem:$0x1D940] =	vst v63  }
0x1e1: {  	_ = 	snop  }
0x1e2: {  	[tilespmem:s15], [sflag:$0x1] =	stream.indirect.gather [hbm4b:s5+s26], $0x10, s7, s26, $0xb8;
	[tilespmem:$0x1D940] =	vst v63  }
0x1e3: {  	_ = 	snop  }
0x1e4: {  	[tilespmem:s17], [sflag:$0x1] =	stream.indirect.gather [hbm4b:s5+s26], $0x10, s9, s26, $0xb8;
	[tilespmem:$0x1D940] =	vst v63  }
0x1e5: {  	_ = 	snop  }
0x1e6: {  	[tilespmem:s19], [sflag:$0x1] =	stream.indirect.gather [hbm4b:s5+s26], $0x10, s10, s26, $0xb8;
	[tilespmem:$0x1D940] =	vst v63  }
0x1e7: {  	_ =	swait.ge [sflag:s20], $0x800  }
0x1e8: {  	[sflag:s20] =	ssyncset.done $0x0  }
0x1e9: {  	[sflag:s20] =	ssyncadd.s32 $0xFFFFF800  }
0x1ea: {  	_ =	swait.ge [sflag:s20], $0x800  }
0x1eb: {  	[sflag:s20] =	ssyncset.done $0x0  }
0x1ec: {  	[sflag:s20] =	ssyncadd.s32 $0xFFFFF800  }
0x1ed: {  	_ =	swait.ge [sflag:s20], $0x800  }
0x1ee: {  	[sflag:s20] =	ssyncset.done $0x0  }
0x1ef: {  	[sflag:s20] =	ssyncadd.s32 $0xFFFFF800  }
0x1f0: {  	_ =	swait.ge [sflag:s20], $0x800  }
0x1f1: {  	[sflag:s20] =	ssyncset.done $0x0  }
0x1f2: {  	[sflag:s20] =	ssyncadd.s32 $0xFFFFF800  }
0x1f3: {  	_ =	swait.ge [sflag:s20], $0x800  }
0x1f4: {  	[sflag:s20] =	ssyncset.done $0x0  }
0x1f5: {  	[sflag:s20] =	ssyncadd.s32 $0xFFFFF800  }
0x1f6: {  	_ =	swait.ge [sflag:s20], $0x800  }
0x1f7: {  	[sflag:s20] =	ssyncset.done $0x0  }
0x1f8: {  	[sflag:s20] =	ssyncadd.s32 $0xFFFFF800  }
0x1f9: {  	_ =	swait.ge [sflag:s20], $0x800  }
0x1fa: {  	[sflag:s20] =	ssyncset.done $0x0  }
0x1fb: {  	[sflag:s20] =	ssyncadd.s32 $0xFFFFF800  }
0x1fc: {  	_ =	swait.ge [sflag:s20], $0x800  }
0x1fd: {  	[sflag:s20] =	ssyncset.done $0x0  }
0x1fe: {  	[sflag:s20] =	ssyncadd.s32 $0xFFFFF800  }
0x1ff: {  	[spmem:s2] =	stream.indirect.scatter.add.f32 [tilespmem:s28], [sflag:$0x2], $0x10, s25, s26, $0xb8;
	[tilespmem:$0x1D940] =	vst v63  }
0x200: {  	_ = 	snop  }
0x201: {  	[spmem:s2] =	stream.indirect.scatter.add.f32 [tilespmem:s29], [sflag:$0x2], $0x10, s13, s26, $0xb8;
	[tilespmem:$0x1D940] =	vst v63  }
0x202: {  	_ = 	snop  }
0x203: {  	[spmem:s2] =	stream.indirect.scatter.add.f32 [tilespmem:s31], [sflag:$0x2], $0x10, s11, s26, $0xb8;
	[tilespmem:$0x1D940] =	vst v63  }
0x204: {  	_ = 	snop  }
0x205: {  	[spmem:s2] =	stream.indirect.scatter.add.f32 [tilespmem:s1], [sflag:$0x2], $0x10, s14, s26, $0xb8;
	[tilespmem:$0x1D940] =	vst v63  }
0x206: {  	s14 =	simm.s32 $0x600  }
0x207: {  	[spmem:s2] =	stream.indirect.scatter.add.f32 [tilespmem:s12], [sflag:$0x2], $0x10, s14, s26, $0xb8;
	[tilespmem:$0x1D940] =	vst v63  }
0x208: {  	s16 =	simm.s32 $0x680  }
0x209: {  	[spmem:s2] =	stream.indirect.scatter.add.f32 [tilespmem:s15], [sflag:$0x2], $0x10, s16, s26, $0xb8;
	[tilespmem:$0x1D940] =	vst v63  }
0x20a: {  	s18 =	simm.s32 $0x700  }
0x20b: {  	[spmem:s2] =	stream.indirect.scatter.add.f32 [tilespmem:s17], [sflag:$0x2], $0x10, s18, s26, $0xb8;
	[tilespmem:$0x1D940] =	vst v63  }
0x20c: {  	s21 =	simm.s32 $0x780  }
0x20d: {  	[spmem:s2] =	stream.indirect.scatter.add.f32 [tilespmem:s19], [sflag:$0x2], $0x10, s21, s26, $0xb8;
	[tilespmem:$0x1D940] =	vst v63  }
0x20e: {  	_ =	swait.ge [sflag:s30], $0x800  }
0x20f: {  	[sflag:s30] =	ssyncset.done $0x0  }
0x210: {  	[sflag:s30] =	ssyncadd.s32 $0xFFFFF800  }
0x211: {  	_ =	swait.ge [sflag:s30], $0x800  }
0x212: {  	[sflag:s30] =	ssyncset.done $0x0  }
0x213: {  	[sflag:s30] =	ssyncadd.s32 $0xFFFFF800  }
0x214: {  	_ =	swait.ge [sflag:s30], $0x800  }
0x215: {  	[sflag:s30] =	ssyncset.done $0x0  }
0x216: {  	[sflag:s30] =	ssyncadd.s32 $0xFFFFF800  }
0x217: {  	_ =	swait.ge [sflag:s30], $0x800  }
0x218: {  	[sflag:s30] =	ssyncset.done $0x0  }
0x219: {  	[sflag:s30] =	ssyncadd.s32 $0xFFFFF800  }
0x21a: {  	_ =	swait.ge [sflag:s30], $0x800  }
0x21b: {  	[sflag:s30] =	ssyncset.done $0x0  }
0x21c: {  	[sflag:s30] =	ssyncadd.s32 $0xFFFFF800  }
0x21d: {  	_ =	swait.ge [sflag:s30], $0x800  }
0x21e: {  	[sflag:s30] =	ssyncset.done $0x0  }
0x21f: {  	[sflag:s30] =	ssyncadd.s32 $0xFFFFF800  }
0x220: {  	s0 =	simm.s32 $0x80;
	_ =	swait.ge [sflag:s30], $0x800  }
0x221: {  	s8 =	simm.s32 $0x180;
	s7 =	simm.s32 $0x280;
	[sflag:s30] =	ssyncset.done $0x0  }
0x222: {  	s9 =	simm.s32 $0x200;
	s10 =	simm.s32 $0x300;
	[sflag:s30] =	ssyncadd.s32 $0xFFFFF800  }
0x223: {  	s13 =	simm.s32 $0x380;
	s11 =	simm.s32 $0x600;
	_ =	swait.ge [sflag:s30], $0x800  }
0x224: {  	s14 =	simm.s32 $0x100;
	s21 =	simm.s32 $0x480;
	[sflag:s30] =	ssyncset.done $0x0  }
.LBB2_6:
0x225: {  	s16 =	sadd.s32 s0, s23  }
0x226: {  	[sflag:s30] =	ssyncadd.s32 $0xFFFFF800;
	s18 =	smov.u32 s14;
	s6 =	sadd.s32 $0x80, s14  }
0x227: {  	[tilespmem:s3], [sflag:$0x3] =	stream.linear.gather [hbm4b:s16+s3], $0x400, $0x38;
	[tilespmem:$0x1D940] =	vst v63  }
0x228: {  	s16 =	simm.s32 $0x100  }
0x229: {  	p1 =	sne.s32 s14, $0x3080;
	_ =	swait.ge [sflag:s24], $0x400  }
0x22a: {  	s14 =	sadd.s32 s0, s22;
	[sflag:s24] =	ssyncset.done $0x0  }
0x22b: {  	s0 =	smov.u32 s18;
	s18 =	simm.s32 $0x680;
	[sflag:s24] =	ssyncadd.s32 $0xFFFFFC00  }
0x22c: {  	[tilespmem:s25], [sflag:$0x3] =	stream.linear.gather [hbm4b:s14+s3], $0x400, $0x38;
	[tilespmem:$0x1D940] =	vst v63  }
0x22d: {  	_ =	swait.ge [sflag:s24], $0x400  }
0x22e: {  	[sflag:s24] =	ssyncset.done $0x0  }
0x22f: {  	[sflag:s24] =	ssyncadd.s32 $0xFFFFFC00  }
0x230: {  	[tilespmem:s28], [sflag:$0x1] =	stream.indirect.gather [hbm4b:s5+s26], $0x10, s3, s26, $0xb8;
	[tilespmem:$0x1D940] =	vst v63  }
0x231: {  	_ = 	snop  }
0x232: {  	[tilespmem:s29], [sflag:$0x1] =	stream.indirect.gather [hbm4b:s5+s26], $0x10, s26, s26, $0xb8;
	[tilespmem:$0x1D940] =	vst v63  }
0x233: {  	_ = 	snop  }
0x234: {  	[tilespmem:s31], [sflag:$0x1] =	stream.indirect.gather [hbm4b:s5+s26], $0x10, s16, s26, $0xb8;
	[tilespmem:$0x1D940] =	vst v63  }
0x235: {  	_ = 	snop  }
0x236: {  	[tilespmem:s1], [sflag:$0x1] =	stream.indirect.gather [hbm4b:s5+s26], $0x10, s8, s26, $0xb8;
	[tilespmem:$0x1D940] =	vst v63  }
0x237: {  	_ = 	snop  }
0x238: {  	[tilespmem:s12], [sflag:$0x1] =	stream.indirect.gather [hbm4b:s5+s26], $0x10, s9, s26, $0xb8;
	[tilespmem:$0x1D940] =	vst v63  }
0x239: {  	_ = 	snop  }
0x23a: {  	[tilespmem:s15], [sflag:$0x1] =	stream.indirect.gather [hbm4b:s5+s26], $0x10, s7, s26, $0xb8;
	[tilespmem:$0x1D940] =	vst v63  }
0x23b: {  	_ = 	snop  }
0x23c: {  	[tilespmem:s17], [sflag:$0x1] =	stream.indirect.gather [hbm4b:s5+s26], $0x10, s10, s26, $0xb8;
	[tilespmem:$0x1D940] =	vst v63  }
0x23d: {  	_ = 	snop  }
0x23e: {  	[tilespmem:s19], [sflag:$0x1] =	stream.indirect.gather [hbm4b:s5+s26], $0x10, s13, s26, $0xb8;
	[tilespmem:$0x1D940] =	vst v63  }
0x23f: {  	_ =	swait.ge [sflag:s20], $0x800  }
0x240: {  	[sflag:s20] =	ssyncset.done $0x0  }
0x241: {  	[sflag:s20] =	ssyncadd.s32 $0xFFFFF800  }
0x242: {  	_ =	swait.ge [sflag:s20], $0x800  }
0x243: {  	[sflag:s20] =	ssyncset.done $0x0  }
0x244: {  	[sflag:s20] =	ssyncadd.s32 $0xFFFFF800  }
0x245: {  	_ =	swait.ge [sflag:s20], $0x800  }
0x246: {  	[sflag:s20] =	ssyncset.done $0x0  }
0x247: {  	[sflag:s20] =	ssyncadd.s32 $0xFFFFF800  }
0x248: {  	_ =	swait.ge [sflag:s20], $0x800  }
0x249: {  	[sflag:s20] =	ssyncset.done $0x0  }
0x24a: {  	[sflag:s20] =	ssyncadd.s32 $0xFFFFF800  }
0x24b: {  	_ =	swait.ge [sflag:s20], $0x800  }
0x24c: {  	[sflag:s20] =	ssyncset.done $0x0  }
0x24d: {  	[sflag:s20] =	ssyncadd.s32 $0xFFFFF800  }
0x24e: {  	_ =	swait.ge [sflag:s20], $0x800  }
0x24f: {  	[sflag:s20] =	ssyncset.done $0x0  }
0x250: {  	[sflag:s20] =	ssyncadd.s32 $0xFFFFF800  }
0x251: {  	_ =	swait.ge [sflag:s20], $0x800  }
0x252: {  	[sflag:s20] =	ssyncset.done $0x0  }
0x253: {  	[sflag:s20] =	ssyncadd.s32 $0xFFFFF800  }
0x254: {  	_ =	swait.ge [sflag:s20], $0x800  }
0x255: {  	[sflag:s20] =	ssyncset.done $0x0  }
0x256: {  	[sflag:s20] =	ssyncadd.s32 $0xFFFFF800  }
0x257: {  	[spmem:s2] =	stream.indirect.scatter.add.f32 [tilespmem:s28], [sflag:$0x2], $0x10, s25, s26, $0xb8;
	[tilespmem:$0x1D940] =	vst v63  }
0x258: {  	_ = 	snop  }
0x259: {  	[spmem:s2] =	stream.indirect.scatter.add.f32 [tilespmem:s29], [sflag:$0x2], $0x10, s21, s26, $0xb8;
	[tilespmem:$0x1D940] =	vst v63  }
0x25a: {  	s14 =	simm.s32 $0x500  }
0x25b: {  	[spmem:s2] =	stream.indirect.scatter.add.f32 [tilespmem:s31], [sflag:$0x2], $0x10, s14, s26, $0xb8;
	[tilespmem:$0x1D940] =	vst v63  }
0x25c: {  	s14 =	simm.s32 $0x580  }
0x25d: {  	[spmem:s2] =	stream.indirect.scatter.add.f32 [tilespmem:s1], [sflag:$0x2], $0x10, s14, s26, $0xb8;
	[tilespmem:$0x1D940] =	vst v63  }
0x25e: {  	_ = 	snop  }
0x25f: {  	[spmem:s2] =	stream.indirect.scatter.add.f32 [tilespmem:s12], [sflag:$0x2], $0x10, s11, s26, $0xb8;
	[tilespmem:$0x1D940] =	vst v63  }
0x260: {  	_ = 	snop  }
0x261: {  	[spmem:s2] =	stream.indirect.scatter.add.f32 [tilespmem:s15], [sflag:$0x2], $0x10, s18, s26, $0xb8;
	[tilespmem:$0x1D940] =	vst v63  }
0x262: {  	s14 =	simm.s32 $0x700  }
0x263: {  	[spmem:s2] =	stream.indirect.scatter.add.f32 [tilespmem:s17], [sflag:$0x2], $0x10, s14, s26, $0xb8;
	[tilespmem:$0x1D940] =	vst v63  }
0x264: {  	s14 =	simm.s32 $0x780  }
0x265: {  	[spmem:s2] =	stream.indirect.scatter.add.f32 [tilespmem:s19], [sflag:$0x2], $0x10, s14, s26, $0xb8;
	[tilespmem:$0x1D940] =	vst v63  }
0x266: {  	_ =	swait.ge [sflag:s30], $0x800  }
0x267: {  	[sflag:s30] =	ssyncset.done $0x0  }
0x268: {  	[sflag:s30] =	ssyncadd.s32 $0xFFFFF800  }
0x269: {  	_ =	swait.ge [sflag:s30], $0x800  }
0x26a: {  	[sflag:s30] =	ssyncset.done $0x0  }
0x26b: {  	[sflag:s30] =	ssyncadd.s32 $0xFFFFF800  }
0x26c: {  	_ =	swait.ge [sflag:s30], $0x800  }
0x26d: {  	[sflag:s30] =	ssyncset.done $0x0  }
0x26e: {  	[sflag:s30] =	ssyncadd.s32 $0xFFFFF800  }
0x26f: {  	_ =	swait.ge [sflag:s30], $0x800  }
0x270: {  	[sflag:s30] =	ssyncset.done $0x0  }
0x271: {  	[sflag:s30] =	ssyncadd.s32 $0xFFFFF800  }
0x272: {  	_ =	swait.ge [sflag:s30], $0x800  }
0x273: {  	[sflag:s30] =	ssyncset.done $0x0  }
0x274: {  	[sflag:s30] =	ssyncadd.s32 $0xFFFFF800  }
0x275: {  	_ =	swait.ge [sflag:s30], $0x800  }
0x276: {  	[sflag:s30] =	ssyncset.done $0x0  }
0x277: {  	[sflag:s30] =	ssyncadd.s32 $0xFFFFF800  }
.Ltmp5:
0x278: {  	_ =	swait.ge [sflag:s30], $0x800;
	(pc) =	sbr.rel @p1 .LBB2_6-.Ltmp5, $4  }
0x279: {  	[sflag:s30] =	ssyncset.done $0x0  }
0x27a: {  	[sflag:s30] =	ssyncadd.s32 $0xFFFFF800  }
0x27b: {  	_ =	swait.ge [sflag:s30], $0x800  }
0x27c: {  	s14 =	smov.u32 s6;
	[sflag:s30] =	ssyncset.done $0x0  }
.Ltmp6:
0x27d: {  	_ = 	snop;
	(pc) =	sbr.rel .LBB2_7-.Ltmp6, $1  }
0x27e: {  	_ =	sdelay $0x3  }
.LBB2_9:
0x27f: {  	_ =	sfence.sel $0x180000  }
0x280: {  	[bflag:$0x0] =	sbarrier.arrive $0xFFFF  }
0x281: {  	_ =	strace $0x9000004A  }
0x282: {  	s0 =	stileid.u32;
	[bflag:$0x2] =	sbarrier.arrive $0xFFFF  }
0x283: {  	p0 =	sne.s32 s0, $0x0;
	s0 =	rddreg [dreg:$0x4]  }
0x284: {  	s0 =	sadd.s32 @!p0 $0x100000, s0  }
0x285: {  	[sflag:s0] =	ssyncadd.tile.s32 @!p0 $0x1;
	_ =	shalt  }
.Lfunc_end2:
_tile_overlayer_lowered:
.L_overlay_start_2:
0x286: {  	(tag) =	ssettag $0x2  }
0x287: {  	s0 =	rddreg [dreg:$0x0];
	s2 =	stileid.u32  }
0x288: {  	s1 =	rddreg [dreg:$0x1];
	p0 =	sne.s32 s2, $0x0  }
0x289: {  	s3 =	rddreg [dreg:$0x2];
	[bflag:$0x3] =	sbarrier.arrive $0xFFFF;
	s2 =	simm.s32 @!p0 $0x1C03  }
0x28a: {  	[timem:s3], [sflag:s2] =	dma.local @!p0 [hbm:s0], s1  }
0x28b: {  	s0 =	simm.s32 @!p0 $0x3  }
0x28c: {  	_ =	swait.ge @!p0 [sflag:s0], s1  }
0x28d: {  	s1 =	ssub.s32 @!p0 $0x0, s1;
	[sflag:s0] =	ssyncset.done @!p0 $0x0  }
0x28e: {  	[sflag:s0] =	ssyncadd.s32 @!p0 s1  }
0x28f: {  	[bflag:$0x3] =	sbarrier.arrive $0xFFFF  }
0x290: {  	_ =	shalt  }

</sc_bundles>
